<compile_context>
chip_gen: v7x
topology: tpu7x:2x2x1
jax: 0.10.2.dev20260603
libtpu: 0.0.44.dev20260713+nightly
codegen_flags: <defaults>
</compile_context>

<pallas_src>
import functools

import jax
import jax.numpy as jnp
from jax import lax
from jax.experimental import pallas as pl
from jax.experimental.pallas import tpu as pltpu
from jax.experimental.pallas import tpu_sc as plsc


def _lane_broadcast(v16, lane):
    idx = jnp.full((16, 1), lane, jnp.int32)
    dnums = lax.GatherDimensionNumbers(
        offset_dims=(), collapsed_slice_dims=(0,), start_index_map=(0,))
    return lax.gather(v16, idx, dnums, slice_sizes=(1,),
                      mode=lax.GatherScatterMode.PROMISE_IN_BOUNDS)


def _make_sc_partials(n, e, d, nc, ns):
    nw = nc * ns
    epw = e // nw
    K = 80
    nt = epw // K
    assert epw % K == 0 and e % nw == 0
    ZR = 32
    rpt = ((n + ns * ZR - 1) // (ns * ZR)) * ZR
    n_pad = rpt * ns
    assert nt % 3 == 2 and nt >= 5

    mesh = plsc.VectorSubcoreMesh(core_axis_name="c", subcore_axis_name="s")

    @functools.partial(
        pl.kernel,
        mesh=mesh,
        out_type=jax.ShapeDtypeStruct((nc, n_pad, d), jnp.float32),
        scratch_types=(
            [pltpu.VMEM((K,), jnp.int32) for _ in range(3)]
            + [pltpu.VMEM((K,), jnp.int32) for _ in range(3)]
            + [pltpu.VMEM((K + 16,), jnp.float32) for _ in range(3)]
            + [pltpu.VMEM((K, d), jnp.float32) for _ in range(3)]
            + [pltpu.VMEM((ZR, d), jnp.float32)]
            + [pltpu.VMEM_SHARED((n_pad, d), jnp.float32)]
            + [pltpu.SemaphoreType.DMA for _ in range(12)]
        ),
    )
    def sc_kernel(x_h, src_h, dst_h, ew_h, out_h, *refs):
        cid = lax.axis_index("c")
        sid = lax.axis_index("s")
        wid = sid * nc + cid
        src_v = refs[0:3]
        dst_v = refs[3:6]
        w_v = refs[6:9]
        rows_v = refs[9:12]
        zbuf = refs[12]
        acc = refs[13]
        csem = refs[14:17]
        wdsem = refs[17:20]
        gsem = refs[20:23]
        ssem = refs[23:26]

        def start_src(c, s):
            base = wid * epw + c * K
            pltpu.async_copy(src_h.at[pl.ds(base, K)], src_v[s], csem[s])

        def wait_src(s):
            pltpu.make_async_copy(src_h.at[pl.ds(0, K)], src_v[s],
                                  csem[s]).wait()

        def start_wd(c, s):
            base = wid * epw + c * K
            pltpu.async_copy(ew_h.at[pl.ds(base, K)], w_v[s].at[pl.ds(0, K)], wdsem[s])
            pltpu.async_copy(dst_h.at[pl.ds(base, K)], dst_v[s], wdsem[s])

        def wait_wd(s):
            z = pl.ds(0, K)
            pltpu.make_async_copy(ew_h.at[z], w_v[s].at[pl.ds(0, K)], wdsem[s]).wait()
            pltpu.make_async_copy(dst_h.at[z], dst_v[s], wdsem[s]).wait()

        def start_gather(s):
            pltpu.async_copy(x_h.at[src_v[s]], rows_v[s], gsem[s])

        def wait_gather(s):
            pltpu.make_async_copy(x_h.at[src_v[s]], rows_v[s],
                                  gsem[s]).wait()

        def start_scatter(s):
            pltpu.async_copy(rows_v[s], acc.at[dst_v[s]], ssem[s], add=True)

        def wait_scatter(s):
            pltpu.make_async_copy(rows_v[s], acc.at[dst_v[s]],
                                  ssem[s]).wait()

        def multiply(s):
            @plsc.parallel_loop(0, K, unroll=8)
            def edge(ei):
                w16 = w_v[s][pl.ds(ei, 16)]
                wbc = _lane_broadcast(w16, 0)
                for cg in range(d // 16):
                    sl = pl.ds(cg * 16, 16)
                    rows_v[s][ei, sl] = rows_v[s][ei, sl] * wbc

        start_src(0, 0)
        start_wd(0, 0)
        start_src(1, 1)
        start_wd(1, 1)
        wait_src(0)
        start_gather(0)
        wait_src(1)
        start_gather(1)

        zero16 = jnp.zeros((16,), jnp.float32)

        def zrow(r, carry):
            for cg in range(d // 16):
                zbuf[r, pl.ds(cg * 16, 16)] = zero16
            return carry

        lax.fori_loop(0, ZR, zrow, 0)
        for j in range(rpt // ZR):
            pltpu.sync_copy(zbuf, acc.at[pl.ds(sid * rpt + j * ZR, ZR)])
        plsc.subcore_barrier()

        def phase(c, s, guard=None):
            s1 = (s + 2) % 3
            wait_gather(s)
            start_src(c + 2, s1)
            wait_wd(s)
            multiply(s)
            start_scatter(s)
            if guard is None:
                wait_scatter(s1)
            else:
                @pl.when(guard)
                def _():
                    wait_scatter(s1)
            start_wd(c + 2, s1)
            wait_src(s1)
            start_gather(s1)

        def triple(u, carry):
            c0 = 3 * u
            phase(c0, 0, guard=u > 0)
            phase(c0 + 1, 1)
            phase(c0 + 2, 2)
            return carry

        lax.fori_loop(0, (nt - 2) // 3, triple, 0)
        for s in (0, 1):
            wait_gather(s)
            wait_wd(s)
            multiply(s)
            start_scatter(s)
        for s in range(3):
            wait_scatter(s)
        plsc.subcore_barrier()

        pltpu.sync_copy(acc.at[pl.ds(sid * rpt, rpt)],
                        out_h.at[cid, pl.ds(sid * rpt, rpt)])

    return sc_kernel


def _combine(partials, w2d, n):
    nc, _, d = partials.shape
    blk = 1000

    def body(p_ref, w_ref, o_ref):
        o_ref[...] = (p_ref[0] + p_ref[1]) * w_ref[...]

    return pl.pallas_call(
        body,
        grid=(n // blk,),
        in_specs=[
            pl.BlockSpec((nc, blk, d), lambda i: (0, i, 0)),
            pl.BlockSpec((1, d), lambda i: (0, 0)),
        ],
        out_specs=pl.BlockSpec((blk, d), lambda i: (i, 0)),
        out_shape=jax.ShapeDtypeStruct((n, d), jnp.float32),
    )(partials, w2d)


def kernel(x, edge_index, edge_weight, W):
    n, d = x.shape
    e = edge_index.shape[1]
    info = plsc.get_sparse_core_info()
    nc, ns = info.num_cores, info.num_subcores
    dst = edge_index[0]
    src = edge_index[1]
    partials = _make_sc_partials(n, e, d, nc, ns)(x, src, dst, edge_weight)
    return _combine(partials, W.reshape(1, d), n)

# --- scband reference (transcript-rebuilt; emitter-appended) ---
"""Pipeline reference for scband-gcnconv-diag-17712445129317 (READ-ONLY COPY).

The authoritative reference and input builder live on the scoring server;
editing this copy changes nothing except your own understanding.
"""

import jax, jax.numpy as jnp
import numpy as np

N = 10000
E = 320000
D = 128

def setup_inputs(seed: int = 0) -> dict:
    key = jax.random.key(seed)
    k1, k2, k3 = jax.random.split(key, 3)
    x = jax.random.normal(k1, (N, D), dtype=jnp.float32)
    edge_index = jax.random.randint(k2, (2, E), 0, N, dtype=jnp.int32)
    edge_weight = jax.random.uniform(k3, (E,), dtype=jnp.float32)
    # learned parameter: diagonal weight vector, initialized to ones per torch module
    W = jnp.ones((D,), dtype=jnp.float32)
    return {"x": x, "edge_index": edge_index, "edge_weight": edge_weight, "W": W}

def reference(x, edge_index, edge_weight, W):
    # hidden = input @ torch.diag(W)  == elementwise scale of columns
    hidden = x * W[None, :]
    # output = torch.sparse.mm(A, hidden), A given in COO form:
    # A[dst, src] = edge_weight -> output[dst] += edge_weight * hidden[src]
    dst = edge_index[0]
    src = edge_index[1]
    gathered = edge_weight[:, None] * jnp.take(hidden, src, axis=0)
    output = jax.ops.segment_sum(gathered, dst, num_segments=N)
    return output

if __name__ == "__main__":
    import jax
    _d = setup_inputs()
    print(jax.jit(kernel)(*tuple(_d.values())))

</pallas_src>

<mosaic_0001>
#map = affine_map<(d0, d1) -> (0, 0)>
#map1 = affine_map<(d0, d1) -> (0)>
#map2 = affine_map<(d0, d1) -> (0, 0, 0)>
module attributes {stable_mosaic.version = 14 : i64} {
  func.func @sc_kernel(%arg0: i32, %arg1: i32, %arg2: memref<10000x128xf32, #tpu.memory_space<hbm>>, %arg3: memref<320000xi32, #tpu.memory_space<hbm>>, %arg4: memref<320000xi32, #tpu.memory_space<hbm>>, %arg5: memref<320000xf32, #tpu.memory_space<hbm>>, %arg6: memref<2x10240x128xf32, #tpu.memory_space<hbm>>, %arg7: memref<80xi32, #tpu.memory_space<vmem>>, %arg8: memref<80xi32, #tpu.memory_space<vmem>>, %arg9: memref<80xi32, #tpu.memory_space<vmem>>, %arg10: memref<80xi32, #tpu.memory_space<vmem>>, %arg11: memref<80xi32, #tpu.memory_space<vmem>>, %arg12: memref<80xi32, #tpu.memory_space<vmem>>, %arg13: memref<96xf32, #tpu.memory_space<vmem>>, %arg14: memref<96xf32, #tpu.memory_space<vmem>>, %arg15: memref<96xf32, #tpu.memory_space<vmem>>, %arg16: memref<80x128xf32, #tpu.memory_space<vmem>>, %arg17: memref<80x128xf32, #tpu.memory_space<vmem>>, %arg18: memref<80x128xf32, #tpu.memory_space<vmem>>, %arg19: memref<32x128xf32, #tpu.memory_space<vmem>>, %arg20: memref<10240x128xf32, #tpu.memory_space<vmem_shared>>, %arg21: memref<!tpu.dma_semaphore, #tpu.memory_space<semaphore_mem>>, %arg22: memref<!tpu.dma_semaphore, #tpu.memory_space<semaphore_mem>>, %arg23: memref<!tpu.dma_semaphore, #tpu.memory_space<semaphore_mem>>, %arg24: memref<!tpu.dma_semaphore, #tpu.memory_space<semaphore_mem>>, %arg25: memref<!tpu.dma_semaphore, #tpu.memory_space<semaphore_mem>>, %arg26: memref<!tpu.dma_semaphore, #tpu.memory_space<semaphore_mem>>, %arg27: memref<!tpu.dma_semaphore, #tpu.memory_space<semaphore_mem>>, %arg28: memref<!tpu.dma_semaphore, #tpu.memory_space<semaphore_mem>>, %arg29: memref<!tpu.dma_semaphore, #tpu.memory_space<semaphore_mem>>, %arg30: memref<!tpu.dma_semaphore, #tpu.memory_space<semaphore_mem>>, %arg31: memref<!tpu.dma_semaphore, #tpu.memory_space<semaphore_mem>>, %arg32: memref<!tpu.dma_semaphore, #tpu.memory_space<semaphore_mem>>) attributes {dimension_semantics = [#tpu.dimension_semantics<core_parallel>, #tpu.dimension_semantics<subcore_parallel>], iteration_bounds = array<i64: 2, 16>, scalar_prefetch = 0 : i64, scratch_operands = 26 : i64, tpu.core_type = #tpu.core_type<sc_vector_subcore>, window_params = [{transform_indices = #map}, {transform_indices = #map1}, {transform_indices = #map1}, {transform_indices = #map1}, {transform_indices = #map2}]} {
    %mul3A = arith.constant 2 : i32
    %mul3A_0 = arith.muli %arg1, %mul3A : i32
    %add3A = arith.addi %mul3A_0, %arg0 : i32
    %mul3A_1 = arith.constant 10000 : i32
    %mul3A_2 = arith.muli %add3A, %mul3A_1 : i32
    %add3A_3 = arith.constant 0 : i32
    %add3A_4 = arith.addi %mul3A_2, %add3A_3 : i32
    %dma_start3A = tpu.memref_slice %arg3[%add3A_4] : memref<320000xi32, #tpu.memory_space<hbm>> -> memref<80xi32, #tpu.memory_space<hbm>>
    %dma_start3A_5 = tpu.memref_slice %arg3[%add3A_4] : memref<320000xi32, #tpu.memory_space<hbm>> -> memref<80xi32, #tpu.memory_space<hbm>>
    tpu.enqueue_dma source(%dma_start3A_5 : memref<80xi32, #tpu.memory_space<hbm>>) target(%arg7 : memref<80xi32, #tpu.memory_space<vmem>>) target_semaphore(%arg21 : memref<!tpu.dma_semaphore, #tpu.memory_space<semaphore_mem>>)
    %mul3A_6 = arith.constant 10000 : i32
    %mul3A_7 = arith.muli %add3A, %mul3A_6 : i32
    %add3A_8 = arith.constant 0 : i32
    %add3A_9 = arith.addi %mul3A_7, %add3A_8 : i32
    %dma_start3A_10 = arith.constant 0 : i32
    %dma_start3A_11 = tpu.memref_slice %arg13[%dma_start3A_10] : memref<96xf32, #tpu.memory_space<vmem>> -> memref<80xf32, #tpu.memory_space<vmem>>
    %dma_start3A_12 = tpu.memref_slice %arg5[%add3A_9] : memref<320000xf32, #tpu.memory_space<hbm>> -> memref<80xf32, #tpu.memory_space<hbm>>
    %dma_start3A_13 = arith.constant 0 : i32
    %dma_start3A_14 = tpu.memref_slice %arg13[%dma_start3A_13] : memref<96xf32, #tpu.memory_space<vmem>> -> memref<80xf32, #tpu.memory_space<vmem>>
    %dma_start3A_15 = tpu.memref_slice %arg5[%add3A_9] : memref<320000xf32, #tpu.memory_space<hbm>> -> memref<80xf32, #tpu.memory_space<hbm>>
    tpu.enqueue_dma source(%dma_start3A_15 : memref<80xf32, #tpu.memory_space<hbm>>) target(%dma_start3A_14 : memref<80xf32, #tpu.memory_space<vmem>>) target_semaphore(%arg24 : memref<!tpu.dma_semaphore, #tpu.memory_space<semaphore_mem>>)
    %dma_start3A_16 = tpu.memref_slice %arg4[%add3A_9] : memref<320000xi32, #tpu.memory_space<hbm>> -> memref<80xi32, #tpu.memory_space<hbm>>
    %dma_start3A_17 = tpu.memref_slice %arg4[%add3A_9] : memref<320000xi32, #tpu.memory_space<hbm>> -> memref<80xi32, #tpu.memory_space<hbm>>
    tpu.enqueue_dma source(%dma_start3A_17 : memref<80xi32, #tpu.memory_space<hbm>>) target(%arg10 : memref<80xi32, #tpu.memory_space<vmem>>) target_semaphore(%arg24 : memref<!tpu.dma_semaphore, #tpu.memory_space<semaphore_mem>>)
    %mul3A_18 = arith.constant 10000 : i32
    %mul3A_19 = arith.muli %add3A, %mul3A_18 : i32
    %add3A_20 = arith.constant 80 : i32
    %add3A_21 = arith.addi %mul3A_19, %add3A_20 : i32
    %dma_start3A_22 = tpu.memref_slice %arg3[%add3A_21] : memref<320000xi32, #tpu.memory_space<hbm>> -> memref<80xi32, #tpu.memory_space<hbm>>
    %dma_start3A_23 = tpu.memref_slice %arg3[%add3A_21] : memref<320000xi32, #tpu.memory_space<hbm>> -> memref<80xi32, #tpu.memory_space<hbm>>
    tpu.enqueue_dma source(%dma_start3A_23 : memref<80xi32, #tpu.memory_space<hbm>>) target(%arg8 : memref<80xi32, #tpu.memory_space<vmem>>) target_semaphore(%arg22 : memref<!tpu.dma_semaphore, #tpu.memory_space<semaphore_mem>>)
    %mul3A_24 = arith.constant 10000 : i32
    %mul3A_25 = arith.muli %add3A, %mul3A_24 : i32
    %add3A_26 = arith.constant 80 : i32
    %add3A_27 = arith.addi %mul3A_25, %add3A_26 : i32
    %dma_start3A_28 = arith.constant 0 : i32
    %dma_start3A_29 = tpu.memref_slice %arg14[%dma_start3A_28] : memref<96xf32, #tpu.memory_space<vmem>> -> memref<80xf32, #tpu.memory_space<vmem>>
    %dma_start3A_30 = tpu.memref_slice %arg5[%add3A_27] : memref<320000xf32, #tpu.memory_space<hbm>> -> memref<80xf32, #tpu.memory_space<hbm>>
    %dma_start3A_31 = arith.constant 0 : i32
    %dma_start3A_32 = tpu.memref_slice %arg14[%dma_start3A_31] : memref<96xf32, #tpu.memory_space<vmem>> -> memref<80xf32, #tpu.memory_space<vmem>>
    %dma_start3A_33 = tpu.memref_slice %arg5[%add3A_27] : memref<320000xf32, #tpu.memory_space<hbm>> -> memref<80xf32, #tpu.memory_space<hbm>>
    tpu.enqueue_dma source(%dma_start3A_33 : memref<80xf32, #tpu.memory_space<hbm>>) target(%dma_start3A_32 : memref<80xf32, #tpu.memory_space<vmem>>) target_semaphore(%arg25 : memref<!tpu.dma_semaphore, #tpu.memory_space<semaphore_mem>>)
    %dma_start3A_34 = tpu.memref_slice %arg4[%add3A_27] : memref<320000xi32, #tpu.memory_space<hbm>> -> memref<80xi32, #tpu.memory_space<hbm>>
    %dma_start3A_35 = tpu.memref_slice %arg4[%add3A_27] : memref<320000xi32, #tpu.memory_space<hbm>> -> memref<80xi32, #tpu.memory_space<hbm>>
    tpu.enqueue_dma source(%dma_start3A_35 : memref<80xi32, #tpu.memory_space<hbm>>) target(%arg11 : memref<80xi32, #tpu.memory_space<vmem>>) target_semaphore(%arg25 : memref<!tpu.dma_semaphore, #tpu.memory_space<semaphore_mem>>)
    %dma_wait3A = arith.constant 0 : i32
    %dma_wait3A_36 = tpu.memref_slice %arg3[%dma_wait3A] : memref<320000xi32, #tpu.memory_space<hbm>> -> memref<80xi32, #tpu.memory_space<hbm>>
    %dma_wait3A_37 = arith.constant 0 : i32
    %dma_wait3A_38 = tpu.memref_slice %arg3[%dma_wait3A_37] : memref<320000xi32, #tpu.memory_space<hbm>> -> memref<80xi32, #tpu.memory_space<hbm>>
    tpu.wait_dma2 semaphore(%arg21 : memref<!tpu.dma_semaphore, #tpu.memory_space<semaphore_mem>>) src(%dma_wait3A_38 : memref<80xi32, #tpu.memory_space<hbm>>) dst(%arg7 : memref<80xi32, #tpu.memory_space<vmem>>)
    %dma_start3A_39 = arith.constant 0 : i32
    %dma_start3A_40 = arith.constant 0 : i32
    %dma_start3A_41 = tpu.memref_slice %arg2[%dma_start3A_39, %dma_start3A_40] : memref<10000x128xf32, #tpu.memory_space<hbm>> -> memref<10000x128xf32, #tpu.memory_space<hbm>>
    tpu.enqueue_indirect_dma source(%dma_start3A_41 : memref<10000x128xf32, #tpu.memory_space<hbm>>) target(%arg16 : memref<80x128xf32, #tpu.memory_space<vmem>>) offsets(%arg7 : memref<80xi32, #tpu.memory_space<vmem>>) semaphore(%arg27 : memref<!tpu.dma_semaphore, #tpu.memory_space<semaphore_mem>>)
    %dma_wait3A_42 = arith.constant 0 : i32
    %dma_wait3A_43 = tpu.memref_slice %arg3[%dma_wait3A_42] : memref<320000xi32, #tpu.memory_space<hbm>> -> memref<80xi32, #tpu.memory_space<hbm>>
    %dma_wait3A_44 = arith.constant 0 : i32
    %dma_wait3A_45 = tpu.memref_slice %arg3[%dma_wait3A_44] : memref<320000xi32, #tpu.memory_space<hbm>> -> memref<80xi32, #tpu.memory_space<hbm>>
    tpu.wait_dma2 semaphore(%arg22 : memref<!tpu.dma_semaphore, #tpu.memory_space<semaphore_mem>>) src(%dma_wait3A_45 : memref<80xi32, #tpu.memory_space<hbm>>) dst(%arg8 : memref<80xi32, #tpu.memory_space<vmem>>)
    %dma_start3A_46 = arith.constant 0 : i32
    %dma_start3A_47 = arith.constant 0 : i32
    %dma_start3A_48 = tpu.memref_slice %arg2[%dma_start3A_46, %dma_start3A_47] : memref<10000x128xf32, #tpu.memory_space<hbm>> -> memref<10000x128xf32, #tpu.memory_space<hbm>>
    tpu.enqueue_indirect_dma source(%dma_start3A_48 : memref<10000x128xf32, #tpu.memory_space<hbm>>) target(%arg17 : memref<80x128xf32, #tpu.memory_space<vmem>>) offsets(%arg8 : memref<80xi32, #tpu.memory_space<vmem>>) semaphore(%arg28 : memref<!tpu.dma_semaphore, #tpu.memory_space<semaphore_mem>>)
    %broadcast_in_dim3A = arith.constant 0.000000e+00 : f32
    %broadcast_in_dim3A_49 = vector.broadcast %broadcast_in_dim3A : f32 to vector<16xf32>
    %scan3A = arith.constant 0 : i32
    %scan3A_50 = arith.constant 0 : i32
    %scan3A_51 = arith.constant 32 : i32
    %scan3A_52 = arith.addi %scan3A_50, %scan3A_51 : i32
    %scan3A_53 = arith.constant 1 : i32
    scf.for %scan3A_196 = %scan3A_50 to %scan3A_52 step %scan3A_53  : i32 {
      %swap3A = arith.index_cast %scan3A_196 : i32 to index
      %swap3A_197 = arith.constant 0 : index
      %swap3A_198 = tpu.vector_load %arg19[%swap3A, %swap3A_197] {strides = array<i32>} : memref<32x128xf32, #tpu.memory_space<vmem>>, vector<1x16xf32>,
      %swap3A_199 = vector.shape_cast %swap3A_198 : vector<1x16xf32> to vector<16xf32>
      %swap3A_200 = vector.shape_cast %broadcast_in_dim3A_49 : vector<16xf32> to vector<1x16xf32>
      tpu.vector_store %arg19[%swap3A, %swap3A_197], %swap3A_200 {strides = array<i32>} : memref<32x128xf32, #tpu.memory_space<vmem>>, vector<1x16xf32>,
      %swap3A_201 = arith.index_cast %scan3A_196 : i32 to index
      %swap3A_202 = arith.constant 16 : index
      %swap3A_203 = tpu.vector_load %arg19[%swap3A_201, %swap3A_202] {strides = array<i32>} : memref<32x128xf32, #tpu.memory_space<vmem>>, vector<1x16xf32>,
      %swap3A_204 = vector.shape_cast %swap3A_203 : vector<1x16xf32> to vector<16xf32>
      %swap3A_205 = vector.shape_cast %broadcast_in_dim3A_49 : vector<16xf32> to vector<1x16xf32>
      tpu.vector_store %arg19[%swap3A_201, %swap3A_202], %swap3A_205 {strides = array<i32>} : memref<32x128xf32, #tpu.memory_space<vmem>>, vector<1x16xf32>,
      %swap3A_206 = arith.index_cast %scan3A_196 : i32 to index
      %swap3A_207 = arith.constant 32 : index
      %swap3A_208 = tpu.vector_load %arg19[%swap3A_206, %swap3A_207] {strides = array<i32>} : memref<32x128xf32, #tpu.memory_space<vmem>>, vector<1x16xf32>,
      %swap3A_209 = vector.shape_cast %swap3A_208 : vector<1x16xf32> to vector<16xf32>
      %swap3A_210 = vector.shape_cast %broadcast_in_dim3A_49 : vector<16xf32> to vector<1x16xf32>
      tpu.vector_store %arg19[%swap3A_206, %swap3A_207], %swap3A_210 {strides = array<i32>} : memref<32x128xf32, #tpu.memory_space<vmem>>, vector<1x16xf32>,
      %swap3A_211 = arith.index_cast %scan3A_196 : i32 to index
      %swap3A_212 = arith.constant 48 : index
      %swap3A_213 = tpu.vector_load %arg19[%swap3A_211, %swap3A_212] {strides = array<i32>} : memref<32x128xf32, #tpu.memory_space<vmem>>, vector<1x16xf32>,
      %swap3A_214 = vector.shape_cast %swap3A_213 : vector<1x16xf32> to vector<16xf32>
      %swap3A_215 = vector.shape_cast %broadcast_in_dim3A_49 : vector<16xf32> to vector<1x16xf32>
      tpu.vector_store %arg19[%swap3A_211, %swap3A_212], %swap3A_215 {strides = array<i32>} : memref<32x128xf32, #tpu.memory_space<vmem>>, vector<1x16xf32>,
      %swap3A_216 = arith.index_cast %scan3A_196 : i32 to index
      %swap3A_217 = arith.constant 64 : index
      %swap3A_218 = tpu.vector_load %arg19[%swap3A_216, %swap3A_217] {strides = array<i32>} : memref<32x128xf32, #tpu.memory_space<vmem>>, vector<1x16xf32>,
      %swap3A_219 = vector.shape_cast %swap3A_218 : vector<1x16xf32> to vector<16xf32>
      %swap3A_220 = vector.shape_cast %broadcast_in_dim3A_49 : vector<16xf32> to vector<1x16xf32>
      tpu.vector_store %arg19[%swap3A_216, %swap3A_217], %swap3A_220 {strides = array<i32>} : memref<32x128xf32, #tpu.memory_space<vmem>>, vector<1x16xf32>,
      %swap3A_221 = arith.index_cast %scan3A_196 : i32 to index
      %swap3A_222 = arith.constant 80 : index
      %swap3A_223 = tpu.vector_load %arg19[%swap3A_221, %swap3A_222] {strides = array<i32>} : memref<32x128xf32, #tpu.memory_space<vmem>>, vector<1x16xf32>,
      %swap3A_224 = vector.shape_cast %swap3A_223 : vector<1x16xf32> to vector<16xf32>
      %swap3A_225 = vector.shape_cast %broadcast_in_dim3A_49 : vector<16xf32> to vector<1x16xf32>
      tpu.vector_store %arg19[%swap3A_221, %swap3A_222], %swap3A_225 {strides = array<i32>} : memref<32x128xf32, #tpu.memory_space<vmem>>, vector<1x16xf32>,
      %swap3A_226 = arith.index_cast %scan3A_196 : i32 to index
      %swap3A_227 = arith.constant 96 : index
      %swap3A_228 = tpu.vector_load %arg19[%swap3A_226, %swap3A_227] {strides = array<i32>} : memref<32x128xf32, #tpu.memory_space<vmem>>, vector<1x16xf32>,
      %swap3A_229 = vector.shape_cast %swap3A_228 : vector<1x16xf32> to vector<16xf32>
      %swap3A_230 = vector.shape_cast %broadcast_in_dim3A_49 : vector<16xf32> to vector<1x16xf32>
      tpu.vector_store %arg19[%swap3A_226, %swap3A_227], %swap3A_230 {strides = array<i32>} : memref<32x128xf32, #tpu.memory_space<vmem>>, vector<1x16xf32>,
      %swap3A_231 = arith.index_cast %scan3A_196 : i32 to index
      %swap3A_232 = arith.constant 112 : index
      %swap3A_233 = tpu.vector_load %arg19[%swap3A_231, %swap3A_232] {strides = array<i32>} : memref<32x128xf32, #tpu.memory_space<vmem>>, vector<1x16xf32>,
      %swap3A_234 = vector.shape_cast %swap3A_233 : vector<1x16xf32> to vector<16xf32>
      %swap3A_235 = vector.shape_cast %broadcast_in_dim3A_49 : vector<16xf32> to vector<1x16xf32>
      tpu.vector_store %arg19[%swap3A_231, %swap3A_232], %swap3A_235 {strides = array<i32>} : memref<32x128xf32, #tpu.memory_space<vmem>>, vector<1x16xf32>,
    }
    %scan3A_54 = arith.constant 32 : i32
    %mul3A_55 = arith.constant 640 : i32
    %mul3A_56 = arith.muli %arg1, %mul3A_55 : i32
    %add3A_57 = arith.constant 0 : i32
    %add3A_58 = arith.addi %mul3A_56, %add3A_57 : i32
    "tpu.region"() ({
      %run_scoped3A = tpu.sem_alloc : memref<!tpu.dma_semaphore, #tpu.memory_space<semaphore_mem>>
      %dma_start3A_196 = arith.constant 0 : i32
      %dma_start3A_197 = tpu.memref_slice %arg20[%add3A_58, %dma_start3A_196] : memref<10240x128xf32, #tpu.memory_space<vmem_shared>> -> memref<32x128xf32, #tpu.memory_space<vmem_shared>>
      %dma_start3A_198 = arith.constant 0 : i32
      %dma_start3A_199 = tpu.memref_slice %arg20[%add3A_58, %dma_start3A_198] : memref<10240x128xf32, #tpu.memory_space<vmem_shared>> -> memref<32x128xf32, #tpu.memory_space<vmem_shared>>
      tpu.enqueue_dma source(%arg19 : memref<32x128xf32, #tpu.memory_space<vmem>>) target(%dma_start3A_199 : memref<32x128xf32, #tpu.memory_space<vmem_shared>>) target_semaphore(%run_scoped3A : memref<!tpu.dma_semaphore, #tpu.memory_space<semaphore_mem>>)
      %dma_wait3A_200 = arith.constant 0 : i32
      %dma_wait3A_201 = tpu.memref_slice %arg20[%add3A_58, %dma_wait3A_200] : memref<10240x128xf32, #tpu.memory_space<vmem_shared>> -> memref<32x128xf32, #tpu.memory_space<vmem_shared>>
      %dma_wait3A_202 = arith.constant 0 : i32
      %dma_wait3A_203 = tpu.memref_slice %arg20[%add3A_58, %dma_wait3A_202] : memref<10240x128xf32, #tpu.memory_space<vmem_shared>> -> memref<32x128xf32, #tpu.memory_space<vmem_shared>>
      tpu.wait_dma2 semaphore(%run_scoped3A : memref<!tpu.dma_semaphore, #tpu.memory_space<semaphore_mem>>) src(%arg19 : memref<32x128xf32, #tpu.memory_space<vmem>>) dst(%dma_wait3A_203 : memref<32x128xf32, #tpu.memory_space<vmem_shared>>)
      tpu.yield
    }) : () -> ()
    %mul3A_59 = arith.constant 640 : i32
    %mul3A_60 = arith.muli %arg1, %mul3A_59 : i32
    %add3A_61 = arith.constant 32 : i32
    %add3A_62 = arith.addi %mul3A_60, %add3A_61 : i32
    "tpu.region"() ({
      %run_scoped3A = tpu.sem_alloc : memref<!tpu.dma_semaphore, #tpu.memory_space<semaphore_mem>>
      %dma_start3A_196 = arith.constant 0 : i32
      %dma_start3A_197 = tpu.memref_slice %arg20[%add3A_62, %dma_start3A_196] : memref<10240x128xf32, #tpu.memory_space<vmem_shared>> -> memref<32x128xf32, #tpu.memory_space<vmem_shared>>
      %dma_start3A_198 = arith.constant 0 : i32
      %dma_start3A_199 = tpu.memref_slice %arg20[%add3A_62, %dma_start3A_198] : memref<10240x128xf32, #tpu.memory_space<vmem_shared>> -> memref<32x128xf32, #tpu.memory_space<vmem_shared>>
      tpu.enqueue_dma source(%arg19 : memref<32x128xf32, #tpu.memory_space<vmem>>) target(%dma_start3A_199 : memref<32x128xf32, #tpu.memory_space<vmem_shared>>) target_semaphore(%run_scoped3A : memref<!tpu.dma_semaphore, #tpu.memory_space<semaphore_mem>>)
      %dma_wait3A_200 = arith.constant 0 : i32
      %dma_wait3A_201 = tpu.memref_slice %arg20[%add3A_62, %dma_wait3A_200] : memref<10240x128xf32, #tpu.memory_space<vmem_shared>> -> memref<32x128xf32, #tpu.memory_space<vmem_shared>>
      %dma_wait3A_202 = arith.constant 0 : i32
      %dma_wait3A_203 = tpu.memref_slice %arg20[%add3A_62, %dma_wait3A_202] : memref<10240x128xf32, #tpu.memory_space<vmem_shared>> -> memref<32x128xf32, #tpu.memory_space<vmem_shared>>
      tpu.wait_dma2 semaphore(%run_scoped3A : memref<!tpu.dma_semaphore, #tpu.memory_space<semaphore_mem>>) src(%arg19 : memref<32x128xf32, #tpu.memory_space<vmem>>) dst(%dma_wait3A_203 : memref<32x128xf32, #tpu.memory_space<vmem_shared>>)
      tpu.yield
    }) : () -> ()
    %mul3A_63 = arith.constant 640 : i32
    %mul3A_64 = arith.muli %arg1, %mul3A_63 : i32
    %add3A_65 = arith.constant 64 : i32
    %add3A_66 = arith.addi %mul3A_64, %add3A_65 : i32
    "tpu.region"() ({
      %run_scoped3A = tpu.sem_alloc : memref<!tpu.dma_semaphore, #tpu.memory_space<semaphore_mem>>
      %dma_start3A_196 = arith.constant 0 : i32
      %dma_start3A_197 = tpu.memref_slice %arg20[%add3A_66, %dma_start3A_196] : memref<10240x128xf32, #tpu.memory_space<vmem_shared>> -> memref<32x128xf32, #tpu.memory_space<vmem_shared>>
      %dma_start3A_198 = arith.constant 0 : i32
      %dma_start3A_199 = tpu.memref_slice %arg20[%add3A_66, %dma_start3A_198] : memref<10240x128xf32, #tpu.memory_space<vmem_shared>> -> memref<32x128xf32, #tpu.memory_space<vmem_shared>>
      tpu.enqueue_dma source(%arg19 : memref<32x128xf32, #tpu.memory_space<vmem>>) target(%dma_start3A_199 : memref<32x128xf32, #tpu.memory_space<vmem_shared>>) target_semaphore(%run_scoped3A : memref<!tpu.dma_semaphore, #tpu.memory_space<semaphore_mem>>)
      %dma_wait3A_200 = arith.constant 0 : i32
      %dma_wait3A_201 = tpu.memref_slice %arg20[%add3A_66, %dma_wait3A_200] : memref<10240x128xf32, #tpu.memory_space<vmem_shared>> -> memref<32x128xf32, #tpu.memory_space<vmem_shared>>
      %dma_wait3A_202 = arith.constant 0 : i32
      %dma_wait3A_203 = tpu.memref_slice %arg20[%add3A_66, %dma_wait3A_202] : memref<10240x128xf32, #tpu.memory_space<vmem_shared>> -> memref<32x128xf32, #tpu.memory_space<vmem_shared>>
      tpu.wait_dma2 semaphore(%run_scoped3A : memref<!tpu.dma_semaphore, #tpu.memory_space<semaphore_mem>>) src(%arg19 : memref<32x128xf32, #tpu.memory_space<vmem>>) dst(%dma_wait3A_203 : memref<32x128xf32, #tpu.memory_space<vmem_shared>>)
      tpu.yield
    }) : () -> ()
    %mul3A_67 = arith.constant 640 : i32
    %mul3A_68 = arith.muli %arg1, %mul3A_67 : i32
    %add3A_69 = arith.constant 96 : i32
    %add3A_70 = arith.addi %mul3A_68, %add3A_69 : i32
    "tpu.region"() ({
      %run_scoped3A = tpu.sem_alloc : memref<!tpu.dma_semaphore, #tpu.memory_space<semaphore_mem>>
      %dma_start3A_196 = arith.constant 0 : i32
      %dma_start3A_197 = tpu.memref_slice %arg20[%add3A_70, %dma_start3A_196] : memref<10240x128xf32, #tpu.memory_space<vmem_shared>> -> memref<32x128xf32, #tpu.memory_space<vmem_shared>>
      %dma_start3A_198 = arith.constant 0 : i32
      %dma_start3A_199 = tpu.memref_slice %arg20[%add3A_70, %dma_start3A_198] : memref<10240x128xf32, #tpu.memory_space<vmem_shared>> -> memref<32x128xf32, #tpu.memory_space<vmem_shared>>
      tpu.enqueue_dma source(%arg19 : memref<32x128xf32, #tpu.memory_space<vmem>>) target(%dma_start3A_199 : memref<32x128xf32, #tpu.memory_space<vmem_shared>>) target_semaphore(%run_scoped3A : memref<!tpu.dma_semaphore, #tpu.memory_space<semaphore_mem>>)
      %dma_wait3A_200 = arith.constant 0 : i32
      %dma_wait3A_201 = tpu.memref_slice %arg20[%add3A_70, %dma_wait3A_200] : memref<10240x128xf32, #tpu.memory_space<vmem_shared>> -> memref<32x128xf32, #tpu.memory_space<vmem_shared>>
      %dma_wait3A_202 = arith.constant 0 : i32
      %dma_wait3A_203 = tpu.memref_slice %arg20[%add3A_70, %dma_wait3A_202] : memref<10240x128xf32, #tpu.memory_space<vmem_shared>> -> memref<32x128xf32, #tpu.memory_space<vmem_shared>>
      tpu.wait_dma2 semaphore(%run_scoped3A : memref<!tpu.dma_semaphore, #tpu.memory_space<semaphore_mem>>) src(%arg19 : memref<32x128xf32, #tpu.memory_space<vmem>>) dst(%dma_wait3A_203 : memref<32x128xf32, #tpu.memory_space<vmem_shared>>)
      tpu.yield
    }) : () -> ()
    %mul3A_71 = arith.constant 640 : i32
    %mul3A_72 = arith.muli %arg1, %mul3A_71 : i32
    %add3A_73 = arith.constant 128 : i32
    %add3A_74 = arith.addi %mul3A_72, %add3A_73 : i32
    "tpu.region"() ({
      %run_scoped3A = tpu.sem_alloc : memref<!tpu.dma_semaphore, #tpu.memory_space<semaphore_mem>>
      %dma_start3A_196 = arith.constant 0 : i32
      %dma_start3A_197 = tpu.memref_slice %arg20[%add3A_74, %dma_start3A_196] : memref<10240x128xf32, #tpu.memory_space<vmem_shared>> -> memref<32x128xf32, #tpu.memory_space<vmem_shared>>
      %dma_start3A_198 = arith.constant 0 : i32
      %dma_start3A_199 = tpu.memref_slice %arg20[%add3A_74, %dma_start3A_198] : memref<10240x128xf32, #tpu.memory_space<vmem_shared>> -> memref<32x128xf32, #tpu.memory_space<vmem_shared>>
      tpu.enqueue_dma source(%arg19 : memref<32x128xf32, #tpu.memory_space<vmem>>) target(%dma_start3A_199 : memref<32x128xf32, #tpu.memory_space<vmem_shared>>) target_semaphore(%run_scoped3A : memref<!tpu.dma_semaphore, #tpu.memory_space<semaphore_mem>>)
      %dma_wait3A_200 = arith.constant 0 : i32
      %dma_wait3A_201 = tpu.memref_slice %arg20[%add3A_74, %dma_wait3A_200] : memref<10240x128xf32, #tpu.memory_space<vmem_shared>> -> memref<32x128xf32, #tpu.memory_space<vmem_shared>>
      %dma_wait3A_202 = arith.constant 0 : i32
      %dma_wait3A_203 = tpu.memref_slice %arg20[%add3A_74, %dma_wait3A_202] : memref<10240x128xf32, #tpu.memory_space<vmem_shared>> -> memref<32x128xf32, #tpu.memory_space<vmem_shared>>
      tpu.wait_dma2 semaphore(%run_scoped3A : memref<!tpu.dma_semaphore, #tpu.memory_space<semaphore_mem>>) src(%arg19 : memref<32x128xf32, #tpu.memory_space<vmem>>) dst(%dma_wait3A_203 : memref<32x128xf32, #tpu.memory_space<vmem_shared>>)
      tpu.yield
    }) : () -> ()
    %mul3A_75 = arith.constant 640 : i32
    %mul3A_76 = arith.muli %arg1, %mul3A_75 : i32
    %add3A_77 = arith.constant 160 : i32
    %add3A_78 = arith.addi %mul3A_76, %add3A_77 : i32
    "tpu.region"() ({
      %run_scoped3A = tpu.sem_alloc : memref<!tpu.dma_semaphore, #tpu.memory_space<semaphore_mem>>
      %dma_start3A_196 = arith.constant 0 : i32
      %dma_start3A_197 = tpu.memref_slice %arg20[%add3A_78, %dma_start3A_196] : memref<10240x128xf32, #tpu.memory_space<vmem_shared>> -> memref<32x128xf32, #tpu.memory_space<vmem_shared>>
      %dma_start3A_198 = arith.constant 0 : i32
      %dma_start3A_199 = tpu.memref_slice %arg20[%add3A_78, %dma_start3A_198] : memref<10240x128xf32, #tpu.memory_space<vmem_shared>> -> memref<32x128xf32, #tpu.memory_space<vmem_shared>>
      tpu.enqueue_dma source(%arg19 : memref<32x128xf32, #tpu.memory_space<vmem>>) target(%dma_start3A_199 : memref<32x128xf32, #tpu.memory_space<vmem_shared>>) target_semaphore(%run_scoped3A : memref<!tpu.dma_semaphore, #tpu.memory_space<semaphore_mem>>)
      %dma_wait3A_200 = arith.constant 0 : i32
      %dma_wait3A_201 = tpu.memref_slice %arg20[%add3A_78, %dma_wait3A_200] : memref<10240x128xf32, #tpu.memory_space<vmem_shared>> -> memref<32x128xf32, #tpu.memory_space<vmem_shared>>
      %dma_wait3A_202 = arith.constant 0 : i32
      %dma_wait3A_203 = tpu.memref_slice %arg20[%add3A_78, %dma_wait3A_202] : memref<10240x128xf32, #tpu.memory_space<vmem_shared>> -> memref<32x128xf32, #tpu.memory_space<vmem_shared>>
      tpu.wait_dma2 semaphore(%run_scoped3A : memref<!tpu.dma_semaphore, #tpu.memory_space<semaphore_mem>>) src(%arg19 : memref<32x128xf32, #tpu.memory_space<vmem>>) dst(%dma_wait3A_203 : memref<32x128xf32, #tpu.memory_space<vmem_shared>>)
      tpu.yield
    }) : () -> ()
    %mul3A_79 = arith.constant 640 : i32
    %mul3A_80 = arith.muli %arg1, %mul3A_79 : i32
    %add3A_81 = arith.constant 192 : i32
    %add3A_82 = arith.addi %mul3A_80, %add3A_81 : i32
    "tpu.region"() ({
      %run_scoped3A = tpu.sem_alloc : memref<!tpu.dma_semaphore, #tpu.memory_space<semaphore_mem>>
      %dma_start3A_196 = arith.constant 0 : i32
      %dma_start3A_197 = tpu.memref_slice %arg20[%add3A_82, %dma_start3A_196] : memref<10240x128xf32, #tpu.memory_space<vmem_shared>> -> memref<32x128xf32, #tpu.memory_space<vmem_shared>>
      %dma_start3A_198 = arith.constant 0 : i32
      %dma_start3A_199 = tpu.memref_slice %arg20[%add3A_82, %dma_start3A_198] : memref<10240x128xf32, #tpu.memory_space<vmem_shared>> -> memref<32x128xf32, #tpu.memory_space<vmem_shared>>
      tpu.enqueue_dma source(%arg19 : memref<32x128xf32, #tpu.memory_space<vmem>>) target(%dma_start3A_199 : memref<32x128xf32, #tpu.memory_space<vmem_shared>>) target_semaphore(%run_scoped3A : memref<!tpu.dma_semaphore, #tpu.memory_space<semaphore_mem>>)
      %dma_wait3A_200 = arith.constant 0 : i32
      %dma_wait3A_201 = tpu.memref_slice %arg20[%add3A_82, %dma_wait3A_200] : memref<10240x128xf32, #tpu.memory_space<vmem_shared>> -> memref<32x128xf32, #tpu.memory_space<vmem_shared>>
      %dma_wait3A_202 = arith.constant 0 : i32
      %dma_wait3A_203 = tpu.memref_slice %arg20[%add3A_82, %dma_wait3A_202] : memref<10240x128xf32, #tpu.memory_space<vmem_shared>> -> memref<32x128xf32, #tpu.memory_space<vmem_shared>>
      tpu.wait_dma2 semaphore(%run_scoped3A : memref<!tpu.dma_semaphore, #tpu.memory_space<semaphore_mem>>) src(%arg19 : memref<32x128xf32, #tpu.memory_space<vmem>>) dst(%dma_wait3A_203 : memref<32x128xf32, #tpu.memory_space<vmem_shared>>)
      tpu.yield
    }) : () -> ()
    %mul3A_83 = arith.constant 640 : i32
    %mul3A_84 = arith.muli %arg1, %mul3A_83 : i32
    %add3A_85 = arith.constant 224 : i32
    %add3A_86 = arith.addi %mul3A_84, %add3A_85 : i32
    "tpu.region"() ({
      %run_scoped3A = tpu.sem_alloc : memref<!tpu.dma_semaphore, #tpu.memory_space<semaphore_mem>>
      %dma_start3A_196 = arith.constant 0 : i32
      %dma_start3A_197 = tpu.memref_slice %arg20[%add3A_86, %dma_start3A_196] : memref<10240x128xf32, #tpu.memory_space<vmem_shared>> -> memref<32x128xf32, #tpu.memory_space<vmem_shared>>
      %dma_start3A_198 = arith.constant 0 : i32
      %dma_start3A_199 = tpu.memref_slice %arg20[%add3A_86, %dma_start3A_198] : memref<10240x128xf32, #tpu.memory_space<vmem_shared>> -> memref<32x128xf32, #tpu.memory_space<vmem_shared>>
      tpu.enqueue_dma source(%arg19 : memref<32x128xf32, #tpu.memory_space<vmem>>) target(%dma_start3A_199 : memref<32x128xf32, #tpu.memory_space<vmem_shared>>) target_semaphore(%run_scoped3A : memref<!tpu.dma_semaphore, #tpu.memory_space<semaphore_mem>>)
      %dma_wait3A_200 = arith.constant 0 : i32
      %dma_wait3A_201 = tpu.memref_slice %arg20[%add3A_86, %dma_wait3A_200] : memref<10240x128xf32, #tpu.memory_space<vmem_shared>> -> memref<32x128xf32, #tpu.memory_space<vmem_shared>>
      %dma_wait3A_202 = arith.constant 0 : i32
      %dma_wait3A_203 = tpu.memref_slice %arg20[%add3A_86, %dma_wait3A_202] : memref<10240x128xf32, #tpu.memory_space<vmem_shared>> -> memref<32x128xf32, #tpu.memory_space<vmem_shared>>
      tpu.wait_dma2 semaphore(%run_scoped3A : memref<!tpu.dma_semaphore, #tpu.memory_space<semaphore_mem>>) src(%arg19 : memref<32x128xf32, #tpu.memory_space<vmem>>) dst(%dma_wait3A_203 : memref<32x128xf32, #tpu.memory_space<vmem_shared>>)
      tpu.yield
    }) : () -> ()
    %mul3A_87 = arith.constant 640 : i32
    %mul3A_88 = arith.muli %arg1, %mul3A_87 : i32
    %add3A_89 = arith.constant 256 : i32
    %add3A_90 = arith.addi %mul3A_88, %add3A_89 : i32
    "tpu.region"() ({
      %run_scoped3A = tpu.sem_alloc : memref<!tpu.dma_semaphore, #tpu.memory_space<semaphore_mem>>
      %dma_start3A_196 = arith.constant 0 : i32
      %dma_start3A_197 = tpu.memref_slice %arg20[%add3A_90, %dma_start3A_196] : memref<10240x128xf32, #tpu.memory_space<vmem_shared>> -> memref<32x128xf32, #tpu.memory_space<vmem_shared>>
      %dma_start3A_198 = arith.constant 0 : i32
      %dma_start3A_199 = tpu.memref_slice %arg20[%add3A_90, %dma_start3A_198] : memref<10240x128xf32, #tpu.memory_space<vmem_shared>> -> memref<32x128xf32, #tpu.memory_space<vmem_shared>>
      tpu.enqueue_dma source(%arg19 : memref<32x128xf32, #tpu.memory_space<vmem>>) target(%dma_start3A_199 : memref<32x128xf32, #tpu.memory_space<vmem_shared>>) target_semaphore(%run_scoped3A : memref<!tpu.dma_semaphore, #tpu.memory_space<semaphore_mem>>)
      %dma_wait3A_200 = arith.constant 0 : i32
      %dma_wait3A_201 = tpu.memref_slice %arg20[%add3A_90, %dma_wait3A_200] : memref<10240x128xf32, #tpu.memory_space<vmem_shared>> -> memref<32x128xf32, #tpu.memory_space<vmem_shared>>
      %dma_wait3A_202 = arith.constant 0 : i32
      %dma_wait3A_203 = tpu.memref_slice %arg20[%add3A_90, %dma_wait3A_202] : memref<10240x128xf32, #tpu.memory_space<vmem_shared>> -> memref<32x128xf32, #tpu.memory_space<vmem_shared>>
      tpu.wait_dma2 semaphore(%run_scoped3A : memref<!tpu.dma_semaphore, #tpu.memory_space<semaphore_mem>>) src(%arg19 : memref<32x128xf32, #tpu.memory_space<vmem>>) dst(%dma_wait3A_203 : memref<32x128xf32, #tpu.memory_space<vmem_shared>>)
      tpu.yield
    }) : () -> ()
    %mul3A_91 = arith.constant 640 : i32
    %mul3A_92 = arith.muli %arg1, %mul3A_91 : i32
    %add3A_93 = arith.constant 288 : i32
    %add3A_94 = arith.addi %mul3A_92, %add3A_93 : i32
    "tpu.region"() ({
      %run_scoped3A = tpu.sem_alloc : memref<!tpu.dma_semaphore, #tpu.memory_space<semaphore_mem>>
      %dma_start3A_196 = arith.constant 0 : i32
      %dma_start3A_197 = tpu.memref_slice %arg20[%add3A_94, %dma_start3A_196] : memref<10240x128xf32, #tpu.memory_space<vmem_shared>> -> memref<32x128xf32, #tpu.memory_space<vmem_shared>>
      %dma_start3A_198 = arith.constant 0 : i32
      %dma_start3A_199 = tpu.memref_slice %arg20[%add3A_94, %dma_start3A_198] : memref<10240x128xf32, #tpu.memory_space<vmem_shared>> -> memref<32x128xf32, #tpu.memory_space<vmem_shared>>
      tpu.enqueue_dma source(%arg19 : memref<32x128xf32, #tpu.memory_space<vmem>>) target(%dma_start3A_199 : memref<32x128xf32, #tpu.memory_space<vmem_shared>>) target_semaphore(%run_scoped3A : memref<!tpu.dma_semaphore, #tpu.memory_space<semaphore_mem>>)
      %dma_wait3A_200 = arith.constant 0 : i32
      %dma_wait3A_201 = tpu.memref_slice %arg20[%add3A_94, %dma_wait3A_200] : memref<10240x128xf32, #tpu.memory_space<vmem_shared>> -> memref<32x128xf32, #tpu.memory_space<vmem_shared>>
      %dma_wait3A_202 = arith.constant 0 : i32
      %dma_wait3A_203 = tpu.memref_slice %arg20[%add3A_94, %dma_wait3A_202] : memref<10240x128xf32, #tpu.memory_space<vmem_shared>> -> memref<32x128xf32, #tpu.memory_space<vmem_shared>>
      tpu.wait_dma2 semaphore(%run_scoped3A : memref<!tpu.dma_semaphore, #tpu.memory_space<semaphore_mem>>) src(%arg19 : memref<32x128xf32, #tpu.memory_space<vmem>>) dst(%dma_wait3A_203 : memref<32x128xf32, #tpu.memory_space<vmem_shared>>)
      tpu.yield
    }) : () -> ()
    %mul3A_95 = arith.constant 640 : i32
    %mul3A_96 = arith.muli %arg1, %mul3A_95 : i32
    %add3A_97 = arith.constant 320 : i32
    %add3A_98 = arith.addi %mul3A_96, %add3A_97 : i32
    "tpu.region"() ({
      %run_scoped3A = tpu.sem_alloc : memref<!tpu.dma_semaphore, #tpu.memory_space<semaphore_mem>>
      %dma_start3A_196 = arith.constant 0 : i32
      %dma_start3A_197 = tpu.memref_slice %arg20[%add3A_98, %dma_start3A_196] : memref<10240x128xf32, #tpu.memory_space<vmem_shared>> -> memref<32x128xf32, #tpu.memory_space<vmem_shared>>
      %dma_start3A_198 = arith.constant 0 : i32
      %dma_start3A_199 = tpu.memref_slice %arg20[%add3A_98, %dma_start3A_198] : memref<10240x128xf32, #tpu.memory_space<vmem_shared>> -> memref<32x128xf32, #tpu.memory_space<vmem_shared>>
      tpu.enqueue_dma source(%arg19 : memref<32x128xf32, #tpu.memory_space<vmem>>) target(%dma_start3A_199 : memref<32x128xf32, #tpu.memory_space<vmem_shared>>) target_semaphore(%run_scoped3A : memref<!tpu.dma_semaphore, #tpu.memory_space<semaphore_mem>>)
      %dma_wait3A_200 = arith.constant 0 : i32
      %dma_wait3A_201 = tpu.memref_slice %arg20[%add3A_98, %dma_wait3A_200] : memref<10240x128xf32, #tpu.memory_space<vmem_shared>> -> memref<32x128xf32, #tpu.memory_space<vmem_shared>>
      %dma_wait3A_202 = arith.constant 0 : i32
      %dma_wait3A_203 = tpu.memref_slice %arg20[%add3A_98, %dma_wait3A_202] : memref<10240x128xf32, #tpu.memory_space<vmem_shared>> -> memref<32x128xf32, #tpu.memory_space<vmem_shared>>
      tpu.wait_dma2 semaphore(%run_scoped3A : memref<!tpu.dma_semaphore, #tpu.memory_space<semaphore_mem>>) src(%arg19 : memref<32x128xf32, #tpu.memory_space<vmem>>) dst(%dma_wait3A_203 : memref<32x128xf32, #tpu.memory_space<vmem_shared>>)
      tpu.yield
    }) : () -> ()
    %mul3A_99 = arith.constant 640 : i32
    %mul3A_100 = arith.muli %arg1, %mul3A_99 : i32
    %add3A_101 = arith.constant 352 : i32
    %add3A_102 = arith.addi %mul3A_100, %add3A_101 : i32
    "tpu.region"() ({
      %run_scoped3A = tpu.sem_alloc : memref<!tpu.dma_semaphore, #tpu.memory_space<semaphore_mem>>
      %dma_start3A_196 = arith.constant 0 : i32
      %dma_start3A_197 = tpu.memref_slice %arg20[%add3A_102, %dma_start3A_196] : memref<10240x128xf32, #tpu.memory_space<vmem_shared>> -> memref<32x128xf32, #tpu.memory_space<vmem_shared>>
      %dma_start3A_198 = arith.constant 0 : i32
      %dma_start3A_199 = tpu.memref_slice %arg20[%add3A_102, %dma_start3A_198] : memref<10240x128xf32, #tpu.memory_space<vmem_shared>> -> memref<32x128xf32, #tpu.memory_space<vmem_shared>>
      tpu.enqueue_dma source(%arg19 : memref<32x128xf32, #tpu.memory_space<vmem>>) target(%dma_start3A_199 : memref<32x128xf32, #tpu.memory_space<vmem_shared>>) target_semaphore(%run_scoped3A : memref<!tpu.dma_semaphore, #tpu.memory_space<semaphore_mem>>)
      %dma_wait3A_200 = arith.constant 0 : i32
      %dma_wait3A_201 = tpu.memref_slice %arg20[%add3A_102, %dma_wait3A_200] : memref<10240x128xf32, #tpu.memory_space<vmem_shared>> -> memref<32x128xf32, #tpu.memory_space<vmem_shared>>
      %dma_wait3A_202 = arith.constant 0 : i32
      %dma_wait3A_203 = tpu.memref_slice %arg20[%add3A_102, %dma_wait3A_202] : memref<10240x128xf32, #tpu.memory_space<vmem_shared>> -> memref<32x128xf32, #tpu.memory_space<vmem_shared>>
      tpu.wait_dma2 semaphore(%run_scoped3A : memref<!tpu.dma_semaphore, #tpu.memory_space<semaphore_mem>>) src(%arg19 : memref<32x128xf32, #tpu.memory_space<vmem>>) dst(%dma_wait3A_203 : memref<32x128xf32, #tpu.memory_space<vmem_shared>>)
      tpu.yield
    }) : () -> ()
    %mul3A_103 = arith.constant 640 : i32
    %mul3A_104 = arith.muli %arg1, %mul3A_103 : i32
    %add3A_105 = arith.constant 384 : i32
    %add3A_106 = arith.addi %mul3A_104, %add3A_105 : i32
    "tpu.region"() ({
      %run_scoped3A = tpu.sem_alloc : memref<!tpu.dma_semaphore, #tpu.memory_space<semaphore_mem>>
      %dma_start3A_196 = arith.constant 0 : i32
      %dma_start3A_197 = tpu.memref_slice %arg20[%add3A_106, %dma_start3A_196] : memref<10240x128xf32, #tpu.memory_space<vmem_shared>> -> memref<32x128xf32, #tpu.memory_space<vmem_shared>>
      %dma_start3A_198 = arith.constant 0 : i32
      %dma_start3A_199 = tpu.memref_slice %arg20[%add3A_106, %dma_start3A_198] : memref<10240x128xf32, #tpu.memory_space<vmem_shared>> -> memref<32x128xf32, #tpu.memory_space<vmem_shared>>
      tpu.enqueue_dma source(%arg19 : memref<32x128xf32, #tpu.memory_space<vmem>>) target(%dma_start3A_199 : memref<32x128xf32, #tpu.memory_space<vmem_shared>>) target_semaphore(%run_scoped3A : memref<!tpu.dma_semaphore, #tpu.memory_space<semaphore_mem>>)
      %dma_wait3A_200 = arith.constant 0 : i32
      %dma_wait3A_201 = tpu.memref_slice %arg20[%add3A_106, %dma_wait3A_200] : memref<10240x128xf32, #tpu.memory_space<vmem_shared>> -> memref<32x128xf32, #tpu.memory_space<vmem_shared>>
      %dma_wait3A_202 = arith.constant 0 : i32
      %dma_wait3A_203 = tpu.memref_slice %arg20[%add3A_106, %dma_wait3A_202] : memref<10240x128xf32, #tpu.memory_space<vmem_shared>> -> memref<32x128xf32, #tpu.memory_space<vmem_shared>>
      tpu.wait_dma2 semaphore(%run_scoped3A : memref<!tpu.dma_semaphore, #tpu.memory_space<semaphore_mem>>) src(%arg19 : memref<32x128xf32, #tpu.memory_space<vmem>>) dst(%dma_wait3A_203 : memref<32x128xf32, #tpu.memory_space<vmem_shared>>)
      tpu.yield
    }) : () -> ()
    %mul3A_107 = arith.constant 640 : i32
    %mul3A_108 = arith.muli %arg1, %mul3A_107 : i32
    %add3A_109 = arith.constant 416 : i32
    %add3A_110 = arith.addi %mul3A_108, %add3A_109 : i32
    "tpu.region"() ({
      %run_scoped3A = tpu.sem_alloc : memref<!tpu.dma_semaphore, #tpu.memory_space<semaphore_mem>>
      %dma_start3A_196 = arith.constant 0 : i32
      %dma_start3A_197 = tpu.memref_slice %arg20[%add3A_110, %dma_start3A_196] : memref<10240x128xf32, #tpu.memory_space<vmem_shared>> -> memref<32x128xf32, #tpu.memory_space<vmem_shared>>
      %dma_start3A_198 = arith.constant 0 : i32
      %dma_start3A_199 = tpu.memref_slice %arg20[%add3A_110, %dma_start3A_198] : memref<10240x128xf32, #tpu.memory_space<vmem_shared>> -> memref<32x128xf32, #tpu.memory_space<vmem_shared>>
      tpu.enqueue_dma source(%arg19 : memref<32x128xf32, #tpu.memory_space<vmem>>) target(%dma_start3A_199 : memref<32x128xf32, #tpu.memory_space<vmem_shared>>) target_semaphore(%run_scoped3A : memref<!tpu.dma_semaphore, #tpu.memory_space<semaphore_mem>>)
      %dma_wait3A_200 = arith.constant 0 : i32
      %dma_wait3A_201 = tpu.memref_slice %arg20[%add3A_110, %dma_wait3A_200] : memref<10240x128xf32, #tpu.memory_space<vmem_shared>> -> memref<32x128xf32, #tpu.memory_space<vmem_shared>>
      %dma_wait3A_202 = arith.constant 0 : i32
      %dma_wait3A_203 = tpu.memref_slice %arg20[%add3A_110, %dma_wait3A_202] : memref<10240x128xf32, #tpu.memory_space<vmem_shared>> -> memref<32x128xf32, #tpu.memory_space<vmem_shared>>
      tpu.wait_dma2 semaphore(%run_scoped3A : memref<!tpu.dma_semaphore, #tpu.memory_space<semaphore_mem>>) src(%arg19 : memref<32x128xf32, #tpu.memory_space<vmem>>) dst(%dma_wait3A_203 : memref<32x128xf32, #tpu.memory_space<vmem_shared>>)
      tpu.yield
    }) : () -> ()
    %mul3A_111 = arith.constant 640 : i32
    %mul3A_112 = arith.muli %arg1, %mul3A_111 : i32
    %add3A_113 = arith.constant 448 : i32
    %add3A_114 = arith.addi %mul3A_112, %add3A_113 : i32
    "tpu.region"() ({
      %run_scoped3A = tpu.sem_alloc : memref<!tpu.dma_semaphore, #tpu.memory_space<semaphore_mem>>
      %dma_start3A_196 = arith.constant 0 : i32
      %dma_start3A_197 = tpu.memref_slice %arg20[%add3A_114, %dma_start3A_196] : memref<10240x128xf32, #tpu.memory_space<vmem_shared>> -> memref<32x128xf32, #tpu.memory_space<vmem_shared>>
      %dma_start3A_198 = arith.constant 0 : i32
      %dma_start3A_199 = tpu.memref_slice %arg20[%add3A_114, %dma_start3A_198] : memref<10240x128xf32, #tpu.memory_space<vmem_shared>> -> memref<32x128xf32, #tpu.memory_space<vmem_shared>>
      tpu.enqueue_dma source(%arg19 : memref<32x128xf32, #tpu.memory_space<vmem>>) target(%dma_start3A_199 : memref<32x128xf32, #tpu.memory_space<vmem_shared>>) target_semaphore(%run_scoped3A : memref<!tpu.dma_semaphore, #tpu.memory_space<semaphore_mem>>)
      %dma_wait3A_200 = arith.constant 0 : i32
      %dma_wait3A_201 = tpu.memref_slice %arg20[%add3A_114, %dma_wait3A_200] : memref<10240x128xf32, #tpu.memory_space<vmem_shared>> -> memref<32x128xf32, #tpu.memory_space<vmem_shared>>
      %dma_wait3A_202 = arith.constant 0 : i32
      %dma_wait3A_203 = tpu.memref_slice %arg20[%add3A_114, %dma_wait3A_202] : memref<10240x128xf32, #tpu.memory_space<vmem_shared>> -> memref<32x128xf32, #tpu.memory_space<vmem_shared>>
      tpu.wait_dma2 semaphore(%run_scoped3A : memref<!tpu.dma_semaphore, #tpu.memory_space<semaphore_mem>>) src(%arg19 : memref<32x128xf32, #tpu.memory_space<vmem>>) dst(%dma_wait3A_203 : memref<32x128xf32, #tpu.memory_space<vmem_shared>>)
      tpu.yield
    }) : () -> ()
    %mul3A_115 = arith.constant 640 : i32
    %mul3A_116 = arith.muli %arg1, %mul3A_115 : i32
    %add3A_117 = arith.constant 480 : i32
    %add3A_118 = arith.addi %mul3A_116, %add3A_117 : i32
    "tpu.region"() ({
      %run_scoped3A = tpu.sem_alloc : memref<!tpu.dma_semaphore, #tpu.memory_space<semaphore_mem>>
      %dma_start3A_196 = arith.constant 0 : i32
      %dma_start3A_197 = tpu.memref_slice %arg20[%add3A_118, %dma_start3A_196] : memref<10240x128xf32, #tpu.memory_space<vmem_shared>> -> memref<32x128xf32, #tpu.memory_space<vmem_shared>>
      %dma_start3A_198 = arith.constant 0 : i32
      %dma_start3A_199 = tpu.memref_slice %arg20[%add3A_118, %dma_start3A_198] : memref<10240x128xf32, #tpu.memory_space<vmem_shared>> -> memref<32x128xf32, #tpu.memory_space<vmem_shared>>
      tpu.enqueue_dma source(%arg19 : memref<32x128xf32, #tpu.memory_space<vmem>>) target(%dma_start3A_199 : memref<32x128xf32, #tpu.memory_space<vmem_shared>>) target_semaphore(%run_scoped3A : memref<!tpu.dma_semaphore, #tpu.memory_space<semaphore_mem>>)
      %dma_wait3A_200 = arith.constant 0 : i32
      %dma_wait3A_201 = tpu.memref_slice %arg20[%add3A_118, %dma_wait3A_200] : memref<10240x128xf32, #tpu.memory_space<vmem_shared>> -> memref<32x128xf32, #tpu.memory_space<vmem_shared>>
      %dma_wait3A_202 = arith.constant 0 : i32
      %dma_wait3A_203 = tpu.memref_slice %arg20[%add3A_118, %dma_wait3A_202] : memref<10240x128xf32, #tpu.memory_space<vmem_shared>> -> memref<32x128xf32, #tpu.memory_space<vmem_shared>>
      tpu.wait_dma2 semaphore(%run_scoped3A : memref<!tpu.dma_semaphore, #tpu.memory_space<semaphore_mem>>) src(%arg19 : memref<32x128xf32, #tpu.memory_space<vmem>>) dst(%dma_wait3A_203 : memref<32x128xf32, #tpu.memory_space<vmem_shared>>)
      tpu.yield
    }) : () -> ()
    %mul3A_119 = arith.constant 640 : i32
    %mul3A_120 = arith.muli %arg1, %mul3A_119 : i32
    %add3A_121 = arith.constant 512 : i32
    %add3A_122 = arith.addi %mul3A_120, %add3A_121 : i32
    "tpu.region"() ({
      %run_scoped3A = tpu.sem_alloc : memref<!tpu.dma_semaphore, #tpu.memory_space<semaphore_mem>>
      %dma_start3A_196 = arith.constant 0 : i32
      %dma_start3A_197 = tpu.memref_slice %arg20[%add3A_122, %dma_start3A_196] : memref<10240x128xf32, #tpu.memory_space<vmem_shared>> -> memref<32x128xf32, #tpu.memory_space<vmem_shared>>
      %dma_start3A_198 = arith.constant 0 : i32
      %dma_start3A_199 = tpu.memref_slice %arg20[%add3A_122, %dma_start3A_198] : memref<10240x128xf32, #tpu.memory_space<vmem_shared>> -> memref<32x128xf32, #tpu.memory_space<vmem_shared>>
      tpu.enqueue_dma source(%arg19 : memref<32x128xf32, #tpu.memory_space<vmem>>) target(%dma_start3A_199 : memref<32x128xf32, #tpu.memory_space<vmem_shared>>) target_semaphore(%run_scoped3A : memref<!tpu.dma_semaphore, #tpu.memory_space<semaphore_mem>>)
      %dma_wait3A_200 = arith.constant 0 : i32
      %dma_wait3A_201 = tpu.memref_slice %arg20[%add3A_122, %dma_wait3A_200] : memref<10240x128xf32, #tpu.memory_space<vmem_shared>> -> memref<32x128xf32, #tpu.memory_space<vmem_shared>>
      %dma_wait3A_202 = arith.constant 0 : i32
      %dma_wait3A_203 = tpu.memref_slice %arg20[%add3A_122, %dma_wait3A_202] : memref<10240x128xf32, #tpu.memory_space<vmem_shared>> -> memref<32x128xf32, #tpu.memory_space<vmem_shared>>
      tpu.wait_dma2 semaphore(%run_scoped3A : memref<!tpu.dma_semaphore, #tpu.memory_space<semaphore_mem>>) src(%arg19 : memref<32x128xf32, #tpu.memory_space<vmem>>) dst(%dma_wait3A_203 : memref<32x128xf32, #tpu.memory_space<vmem_shared>>)
      tpu.yield
    }) : () -> ()
    %mul3A_123 = arith.constant 640 : i32
    %mul3A_124 = arith.muli %arg1, %mul3A_123 : i32
    %add3A_125 = arith.constant 544 : i32
    %add3A_126 = arith.addi %mul3A_124, %add3A_125 : i32
    "tpu.region"() ({
      %run_scoped3A = tpu.sem_alloc : memref<!tpu.dma_semaphore, #tpu.memory_space<semaphore_mem>>
      %dma_start3A_196 = arith.constant 0 : i32
      %dma_start3A_197 = tpu.memref_slice %arg20[%add3A_126, %dma_start3A_196] : memref<10240x128xf32, #tpu.memory_space<vmem_shared>> -> memref<32x128xf32, #tpu.memory_space<vmem_shared>>
      %dma_start3A_198 = arith.constant 0 : i32
      %dma_start3A_199 = tpu.memref_slice %arg20[%add3A_126, %dma_start3A_198] : memref<10240x128xf32, #tpu.memory_space<vmem_shared>> -> memref<32x128xf32, #tpu.memory_space<vmem_shared>>
      tpu.enqueue_dma source(%arg19 : memref<32x128xf32, #tpu.memory_space<vmem>>) target(%dma_start3A_199 : memref<32x128xf32, #tpu.memory_space<vmem_shared>>) target_semaphore(%run_scoped3A : memref<!tpu.dma_semaphore, #tpu.memory_space<semaphore_mem>>)
      %dma_wait3A_200 = arith.constant 0 : i32
      %dma_wait3A_201 = tpu.memref_slice %arg20[%add3A_126, %dma_wait3A_200] : memref<10240x128xf32, #tpu.memory_space<vmem_shared>> -> memref<32x128xf32, #tpu.memory_space<vmem_shared>>
      %dma_wait3A_202 = arith.constant 0 : i32
      %dma_wait3A_203 = tpu.memref_slice %arg20[%add3A_126, %dma_wait3A_202] : memref<10240x128xf32, #tpu.memory_space<vmem_shared>> -> memref<32x128xf32, #tpu.memory_space<vmem_shared>>
      tpu.wait_dma2 semaphore(%run_scoped3A : memref<!tpu.dma_semaphore, #tpu.memory_space<semaphore_mem>>) src(%arg19 : memref<32x128xf32, #tpu.memory_space<vmem>>) dst(%dma_wait3A_203 : memref<32x128xf32, #tpu.memory_space<vmem_shared>>)
      tpu.yield
    }) : () -> ()
    %mul3A_127 = arith.constant 640 : i32
    %mul3A_128 = arith.muli %arg1, %mul3A_127 : i32
    %add3A_129 = arith.constant 576 : i32
    %add3A_130 = arith.addi %mul3A_128, %add3A_129 : i32
    "tpu.region"() ({
      %run_scoped3A = tpu.sem_alloc : memref<!tpu.dma_semaphore, #tpu.memory_space<semaphore_mem>>
      %dma_start3A_196 = arith.constant 0 : i32
      %dma_start3A_197 = tpu.memref_slice %arg20[%add3A_130, %dma_start3A_196] : memref<10240x128xf32, #tpu.memory_space<vmem_shared>> -> memref<32x128xf32, #tpu.memory_space<vmem_shared>>
      %dma_start3A_198 = arith.constant 0 : i32
      %dma_start3A_199 = tpu.memref_slice %arg20[%add3A_130, %dma_start3A_198] : memref<10240x128xf32, #tpu.memory_space<vmem_shared>> -> memref<32x128xf32, #tpu.memory_space<vmem_shared>>
      tpu.enqueue_dma source(%arg19 : memref<32x128xf32, #tpu.memory_space<vmem>>) target(%dma_start3A_199 : memref<32x128xf32, #tpu.memory_space<vmem_shared>>) target_semaphore(%run_scoped3A : memref<!tpu.dma_semaphore, #tpu.memory_space<semaphore_mem>>)
      %dma_wait3A_200 = arith.constant 0 : i32
      %dma_wait3A_201 = tpu.memref_slice %arg20[%add3A_130, %dma_wait3A_200] : memref<10240x128xf32, #tpu.memory_space<vmem_shared>> -> memref<32x128xf32, #tpu.memory_space<vmem_shared>>
      %dma_wait3A_202 = arith.constant 0 : i32
      %dma_wait3A_203 = tpu.memref_slice %arg20[%add3A_130, %dma_wait3A_202] : memref<10240x128xf32, #tpu.memory_space<vmem_shared>> -> memref<32x128xf32, #tpu.memory_space<vmem_shared>>
      tpu.wait_dma2 semaphore(%run_scoped3A : memref<!tpu.dma_semaphore, #tpu.memory_space<semaphore_mem>>) src(%arg19 : memref<32x128xf32, #tpu.memory_space<vmem>>) dst(%dma_wait3A_203 : memref<32x128xf32, #tpu.memory_space<vmem_shared>>)
      tpu.yield
    }) : () -> ()
    %mul3A_131 = arith.constant 640 : i32
    %mul3A_132 = arith.muli %arg1, %mul3A_131 : i32
    %add3A_133 = arith.constant 608 : i32
    %add3A_134 = arith.addi %mul3A_132, %add3A_133 : i32
    "tpu.region"() ({
      %run_scoped3A = tpu.sem_alloc : memref<!tpu.dma_semaphore, #tpu.memory_space<semaphore_mem>>
      %dma_start3A_196 = arith.constant 0 : i32
      %dma_start3A_197 = tpu.memref_slice %arg20[%add3A_134, %dma_start3A_196] : memref<10240x128xf32, #tpu.memory_space<vmem_shared>> -> memref<32x128xf32, #tpu.memory_space<vmem_shared>>
      %dma_start3A_198 = arith.constant 0 : i32
      %dma_start3A_199 = tpu.memref_slice %arg20[%add3A_134, %dma_start3A_198] : memref<10240x128xf32, #tpu.memory_space<vmem_shared>> -> memref<32x128xf32, #tpu.memory_space<vmem_shared>>
      tpu.enqueue_dma source(%arg19 : memref<32x128xf32, #tpu.memory_space<vmem>>) target(%dma_start3A_199 : memref<32x128xf32, #tpu.memory_space<vmem_shared>>) target_semaphore(%run_scoped3A : memref<!tpu.dma_semaphore, #tpu.memory_space<semaphore_mem>>)
      %dma_wait3A_200 = arith.constant 0 : i32
      %dma_wait3A_201 = tpu.memref_slice %arg20[%add3A_134, %dma_wait3A_200] : memref<10240x128xf32, #tpu.memory_space<vmem_shared>> -> memref<32x128xf32, #tpu.memory_space<vmem_shared>>
      %dma_wait3A_202 = arith.constant 0 : i32
      %dma_wait3A_203 = tpu.memref_slice %arg20[%add3A_134, %dma_wait3A_202] : memref<10240x128xf32, #tpu.memory_space<vmem_shared>> -> memref<32x128xf32, #tpu.memory_space<vmem_shared>>
      tpu.wait_dma2 semaphore(%run_scoped3A : memref<!tpu.dma_semaphore, #tpu.memory_space<semaphore_mem>>) src(%arg19 : memref<32x128xf32, #tpu.memory_space<vmem>>) dst(%dma_wait3A_203 : memref<32x128xf32, #tpu.memory_space<vmem_shared>>)
      tpu.yield
    }) : () -> ()
    %barrier3A = arith.constant 0 : index
    tpu.barrier barrier_id(%barrier3A)
    %scan3A_135 = arith.constant 0 : i32
    %scan3A_136 = arith.constant 0 : i32
    %scan3A_137 = arith.constant 41 : i32
    %scan3A_138 = arith.addi %scan3A_136, %scan3A_137 : i32
    %scan3A_139 = arith.constant 1 : i32
    scf.for %scan3A_196 = %scan3A_136 to %scan3A_138 step %scan3A_139  : i32 {
      %mul3A_197 = arith.constant 3 : i32
      %mul3A_198 = arith.muli %mul3A_197, %scan3A_196 : i32
      %gt3A = arith.constant 0 : i32
      %gt3A_199 = arith.cmpi sgt, %scan3A_196, %gt3A : i32
      %dma_wait3A_200 = arith.constant 0 : i32
      %dma_wait3A_201 = arith.constant 0 : i32
      %dma_wait3A_202 = tpu.memref_slice %arg2[%dma_wait3A_200, %dma_wait3A_201] : memref<10000x128xf32, #tpu.memory_space<hbm>> -> memref<10000x128xf32, #tpu.memory_space<hbm>>
      tpu.wait_indirect_dma semaphore(%arg27 : memref<!tpu.dma_semaphore, #tpu.memory_space<semaphore_mem>>) src(%dma_wait3A_202 : memref<10000x128xf32, #tpu.memory_space<hbm>>) dst(%arg16 : memref<80x128xf32, #tpu.memory_space<vmem>>)
      %add3A_203 = arith.constant 2 : i32
      %add3A_204 = arith.addi %mul3A_198, %add3A_203 : i32
      %mul3A_205 = arith.constant 10000 : i32
      %mul3A_206 = arith.muli %add3A, %mul3A_205 : i32
      %mul3A_207 = arith.constant 80 : i32
      %mul3A_208 = arith.muli %add3A_204, %mul3A_207 : i32
      %add3A_209 = arith.addi %mul3A_206, %mul3A_208 : i32
      %dma_start3A_210 = tpu.memref_slice %arg3[%add3A_209] : memref<320000xi32, #tpu.memory_space<hbm>> -> memref<80xi32, #tpu.memory_space<hbm>>
      %dma_start3A_211 = tpu.memref_slice %arg3[%add3A_209] : memref<320000xi32, #tpu.memory_space<hbm>> -> memref<80xi32, #tpu.memory_space<hbm>>
      tpu.enqueue_dma source(%dma_start3A_211 : memref<80xi32, #tpu.memory_space<hbm>>) target(%arg9 : memref<80xi32, #tpu.memory_space<vmem>>) target_semaphore(%arg23 : memref<!tpu.dma_semaphore, #tpu.memory_space<semaphore_mem>>)
      %dma_wait3A_212 = arith.constant 0 : i32
      %dma_wait3A_213 = tpu.memref_slice %arg13[%dma_wait3A_212] : memref<96xf32, #tpu.memory_space<vmem>> -> memref<80xf32, #tpu.memory_space<vmem>>
      %dma_wait3A_214 = arith.constant 0 : i32
      %dma_wait3A_215 = tpu.memref_slice %arg5[%dma_wait3A_214] : memref<320000xf32, #tpu.memory_space<hbm>> -> memref<80xf32, #tpu.memory_space<hbm>>
      %dma_wait3A_216 = arith.constant 0 : i32
      %dma_wait3A_217 = tpu.memref_slice %arg13[%dma_wait3A_216] : memref<96xf32, #tpu.memory_space<vmem>> -> memref<80xf32, #tpu.memory_space<vmem>>
      %dma_wait3A_218 = arith.constant 0 : i32
      %dma_wait3A_219 = tpu.memref_slice %arg5[%dma_wait3A_218] : memref<320000xf32, #tpu.memory_space<hbm>> -> memref<80xf32, #tpu.memory_space<hbm>>
      tpu.wait_dma2 semaphore(%arg24 : memref<!tpu.dma_semaphore, #tpu.memory_space<semaphore_mem>>) src(%dma_wait3A_219 : memref<80xf32, #tpu.memory_space<hbm>>) dst(%dma_wait3A_217 : memref<80xf32, #tpu.memory_space<vmem>>)
      %dma_wait3A_220 = arith.constant 0 : i32
      %dma_wait3A_221 = tpu.memref_slice %arg4[%dma_wait3A_220] : memref<320000xi32, #tpu.memory_space<hbm>> -> memref<80xi32, #tpu.memory_space<hbm>>
      %dma_wait3A_222 = arith.constant 0 : i32
      %dma_wait3A_223 = tpu.memref_slice %arg4[%dma_wait3A_222] : memref<320000xi32, #tpu.memory_space<hbm>> -> memref<80xi32, #tpu.memory_space<hbm>>
      tpu.wait_dma2 semaphore(%arg24 : memref<!tpu.dma_semaphore, #tpu.memory_space<semaphore_mem>>) src(%dma_wait3A_223 : memref<80xi32, #tpu.memory_space<hbm>>) dst(%arg10 : memref<80xi32, #tpu.memory_space<vmem>>)
      %parallel_loop3A_224 = arith.constant 0 : i32
      %parallel_loop3A_225 = arith.constant 80 : i32
      %parallel_loop3A_226 = arith.constant 1 : i32
      scf.for %parallel_loop3A_367 = %parallel_loop3A_224 to %parallel_loop3A_225 step %parallel_loop3A_226  : i32 {
        %parallel_loop3A_368 = arith.index_cast %parallel_loop3A_367 : i32 to index
        %parallel_loop3A_369 = tpu.vector_load %arg13[%parallel_loop3A_368] {strides = array<i32>} : memref<96xf32, #tpu.memory_space<vmem>>, vector<16xf32>,
        %parallel_loop3A_370 = vector.shape_cast %parallel_loop3A_369 : vector<16xf32> to vector<16xf32>
        %parallel_loop3A_371 = arith.constant 0 : i32
        %parallel_loop3A_372 = vector.broadcast %parallel_loop3A_371 : i32 to vector<16x1xi32>
        %parallel_loop3A_373 = vector.shape_cast %parallel_loop3A_372 : vector<16x1xi32> to vector<16xi32>
        %parallel_loop3A_374 = tpu.dynamic_gather %parallel_loop3A_370[%parallel_loop3A_373] in [0] : vector<16xf32>, vector<16xi32> -> vector<16xf32>
        %parallel_loop3A_375 = arith.index_cast %parallel_loop3A_367 : i32 to index
        %parallel_loop3A_376 = arith.constant 0 : index
        %parallel_loop3A_377 = tpu.vector_load %arg16[%parallel_loop3A_375, %parallel_loop3A_376] {strides = array<i32>} : memref<80x128xf32, #tpu.memory_space<vmem>>, vector<1x16xf32>,
        %parallel_loop3A_378 = vector.shape_cast %parallel_loop3A_377 : vector<1x16xf32> to vector<16xf32>
        %parallel_loop3A_379 = arith.mulf %parallel_loop3A_378, %parallel_loop3A_374 : vector<16xf32>
        %parallel_loop3A_380 = arith.index_cast %parallel_loop3A_367 : i32 to index
        %parallel_loop3A_381 = arith.constant 0 : index
        %parallel_loop3A_382 = tpu.vector_load %arg16[%parallel_loop3A_380, %parallel_loop3A_381] {strides = array<i32>} : memref<80x128xf32, #tpu.memory_space<vmem>>, vector<1x16xf32>,
        %parallel_loop3A_383 = vector.shape_cast %parallel_loop3A_382 : vector<1x16xf32> to vector<16xf32>
        %parallel_loop3A_384 = vector.shape_cast %parallel_loop3A_379 : vector<16xf32> to vector<1x16xf32>
        tpu.vector_store %arg16[%parallel_loop3A_380, %parallel_loop3A_381], %parallel_loop3A_384 {strides = array<i32>} : memref<80x128xf32, #tpu.memory_space<vmem>>, vector<1x16xf32>,
        %parallel_loop3A_385 = arith.index_cast %parallel_loop3A_367 : i32 to index
        %parallel_loop3A_386 = arith.constant 16 : index
        %parallel_loop3A_387 = tpu.vector_load %arg16[%parallel_loop3A_385, %parallel_loop3A_386] {strides = array<i32>} : memref<80x128xf32, #tpu.memory_space<vmem>>, vector<1x16xf32>,
        %parallel_loop3A_388 = vector.shape_cast %parallel_loop3A_387 : vector<1x16xf32> to vector<16xf32>
        %parallel_loop3A_389 = arith.mulf %parallel_loop3A_388, %parallel_loop3A_374 : vector<16xf32>
        %parallel_loop3A_390 = arith.index_cast %parallel_loop3A_367 : i32 to index
        %parallel_loop3A_391 = arith.constant 16 : index
        %parallel_loop3A_392 = tpu.vector_load %arg16[%parallel_loop3A_390, %parallel_loop3A_391] {strides = array<i32>} : memref<80x128xf32, #tpu.memory_space<vmem>>, vector<1x16xf32>,
        %parallel_loop3A_393 = vector.shape_cast %parallel_loop3A_392 : vector<1x16xf32> to vector<16xf32>
        %parallel_loop3A_394 = vector.shape_cast %parallel_loop3A_389 : vector<16xf32> to vector<1x16xf32>
        tpu.vector_store %arg16[%parallel_loop3A_390, %parallel_loop3A_391], %parallel_loop3A_394 {strides = array<i32>} : memref<80x128xf32, #tpu.memory_space<vmem>>, vector<1x16xf32>,
        %parallel_loop3A_395 = arith.index_cast %parallel_loop3A_367 : i32 to index
        %parallel_loop3A_396 = arith.constant 32 : index
        %parallel_loop3A_397 = tpu.vector_load %arg16[%parallel_loop3A_395, %parallel_loop3A_396] {strides = array<i32>} : memref<80x128xf32, #tpu.memory_space<vmem>>, vector<1x16xf32>,
        %parallel_loop3A_398 = vector.shape_cast %parallel_loop3A_397 : vector<1x16xf32> to vector<16xf32>
        %parallel_loop3A_399 = arith.mulf %parallel_loop3A_398, %parallel_loop3A_374 : vector<16xf32>
        %parallel_loop3A_400 = arith.index_cast %parallel_loop3A_367 : i32 to index
        %parallel_loop3A_401 = arith.constant 32 : index
        %parallel_loop3A_402 = tpu.vector_load %arg16[%parallel_loop3A_400, %parallel_loop3A_401] {strides = array<i32>} : memref<80x128xf32, #tpu.memory_space<vmem>>, vector<1x16xf32>,
        %parallel_loop3A_403 = vector.shape_cast %parallel_loop3A_402 : vector<1x16xf32> to vector<16xf32>
        %parallel_loop3A_404 = vector.shape_cast %parallel_loop3A_399 : vector<16xf32> to vector<1x16xf32>
        tpu.vector_store %arg16[%parallel_loop3A_400, %parallel_loop3A_401], %parallel_loop3A_404 {strides = array<i32>} : memref<80x128xf32, #tpu.memory_space<vmem>>, vector<1x16xf32>,
        %parallel_loop3A_405 = arith.index_cast %parallel_loop3A_367 : i32 to index
        %parallel_loop3A_406 = arith.constant 48 : index
        %parallel_loop3A_407 = tpu.vector_load %arg16[%parallel_loop3A_405, %parallel_loop3A_406] {strides = array<i32>} : memref<80x128xf32, #tpu.memory_space<vmem>>, vector<1x16xf32>,
        %parallel_loop3A_408 = vector.shape_cast %parallel_loop3A_407 : vector<1x16xf32> to vector<16xf32>
        %parallel_loop3A_409 = arith.mulf %parallel_loop3A_408, %parallel_loop3A_374 : vector<16xf32>
        %parallel_loop3A_410 = arith.index_cast %parallel_loop3A_367 : i32 to index
        %parallel_loop3A_411 = arith.constant 48 : index
        %parallel_loop3A_412 = tpu.vector_load %arg16[%parallel_loop3A_410, %parallel_loop3A_411] {strides = array<i32>} : memref<80x128xf32, #tpu.memory_space<vmem>>, vector<1x16xf32>,
        %parallel_loop3A_413 = vector.shape_cast %parallel_loop3A_412 : vector<1x16xf32> to vector<16xf32>
        %parallel_loop3A_414 = vector.shape_cast %parallel_loop3A_409 : vector<16xf32> to vector<1x16xf32>
        tpu.vector_store %arg16[%parallel_loop3A_410, %parallel_loop3A_411], %parallel_loop3A_414 {strides = array<i32>} : memref<80x128xf32, #tpu.memory_space<vmem>>, vector<1x16xf32>,
        %parallel_loop3A_415 = arith.index_cast %parallel_loop3A_367 : i32 to index
        %parallel_loop3A_416 = arith.constant 64 : index
        %parallel_loop3A_417 = tpu.vector_load %arg16[%parallel_loop3A_415, %parallel_loop3A_416] {strides = array<i32>} : memref<80x128xf32, #tpu.memory_space<vmem>>, vector<1x16xf32>,
        %parallel_loop3A_418 = vector.shape_cast %parallel_loop3A_417 : vector<1x16xf32> to vector<16xf32>
        %parallel_loop3A_419 = arith.mulf %parallel_loop3A_418, %parallel_loop3A_374 : vector<16xf32>
        %parallel_loop3A_420 = arith.index_cast %parallel_loop3A_367 : i32 to index
        %parallel_loop3A_421 = arith.constant 64 : index
        %parallel_loop3A_422 = tpu.vector_load %arg16[%parallel_loop3A_420, %parallel_loop3A_421] {strides = array<i32>} : memref<80x128xf32, #tpu.memory_space<vmem>>, vector<1x16xf32>,
        %parallel_loop3A_423 = vector.shape_cast %parallel_loop3A_422 : vector<1x16xf32> to vector<16xf32>
        %parallel_loop3A_424 = vector.shape_cast %parallel_loop3A_419 : vector<16xf32> to vector<1x16xf32>
        tpu.vector_store %arg16[%parallel_loop3A_420, %parallel_loop3A_421], %parallel_loop3A_424 {strides = array<i32>} : memref<80x128xf32, #tpu.memory_space<vmem>>, vector<1x16xf32>,
        %parallel_loop3A_425 = arith.index_cast %parallel_loop3A_367 : i32 to index
        %parallel_loop3A_426 = arith.constant 80 : index
        %parallel_loop3A_427 = tpu.vector_load %arg16[%parallel_loop3A_425, %parallel_loop3A_426] {strides = array<i32>} : memref<80x128xf32, #tpu.memory_space<vmem>>, vector<1x16xf32>,
        %parallel_loop3A_428 = vector.shape_cast %parallel_loop3A_427 : vector<1x16xf32> to vector<16xf32>
        %parallel_loop3A_429 = arith.mulf %parallel_loop3A_428, %parallel_loop3A_374 : vector<16xf32>
        %parallel_loop3A_430 = arith.index_cast %parallel_loop3A_367 : i32 to index
        %parallel_loop3A_431 = arith.constant 80 : index
        %parallel_loop3A_432 = tpu.vector_load %arg16[%parallel_loop3A_430, %parallel_loop3A_431] {strides = array<i32>} : memref<80x128xf32, #tpu.memory_space<vmem>>, vector<1x16xf32>,
        %parallel_loop3A_433 = vector.shape_cast %parallel_loop3A_432 : vector<1x16xf32> to vector<16xf32>
        %parallel_loop3A_434 = vector.shape_cast %parallel_loop3A_429 : vector<16xf32> to vector<1x16xf32>
        tpu.vector_store %arg16[%parallel_loop3A_430, %parallel_loop3A_431], %parallel_loop3A_434 {strides = array<i32>} : memref<80x128xf32, #tpu.memory_space<vmem>>, vector<1x16xf32>,
        %parallel_loop3A_435 = arith.index_cast %parallel_loop3A_367 : i32 to index
        %parallel_loop3A_436 = arith.constant 96 : index
        %parallel_loop3A_437 = tpu.vector_load %arg16[%parallel_loop3A_435, %parallel_loop3A_436] {strides = array<i32>} : memref<80x128xf32, #tpu.memory_space<vmem>>, vector<1x16xf32>,
        %parallel_loop3A_438 = vector.shape_cast %parallel_loop3A_437 : vector<1x16xf32> to vector<16xf32>
        %parallel_loop3A_439 = arith.mulf %parallel_loop3A_438, %parallel_loop3A_374 : vector<16xf32>
        %parallel_loop3A_440 = arith.index_cast %parallel_loop3A_367 : i32 to index
        %parallel_loop3A_441 = arith.constant 96 : index
        %parallel_loop3A_442 = tpu.vector_load %arg16[%parallel_loop3A_440, %parallel_loop3A_441] {strides = array<i32>} : memref<80x128xf32, #tpu.memory_space<vmem>>, vector<1x16xf32>,
        %parallel_loop3A_443 = vector.shape_cast %parallel_loop3A_442 : vector<1x16xf32> to vector<16xf32>
        %parallel_loop3A_444 = vector.shape_cast %parallel_loop3A_439 : vector<16xf32> to vector<1x16xf32>
        tpu.vector_store %arg16[%parallel_loop3A_440, %parallel_loop3A_441], %parallel_loop3A_444 {strides = array<i32>} : memref<80x128xf32, #tpu.memory_space<vmem>>, vector<1x16xf32>,
        %parallel_loop3A_445 = arith.index_cast %parallel_loop3A_367 : i32 to index
        %parallel_loop3A_446 = arith.constant 112 : index
        %parallel_loop3A_447 = tpu.vector_load %arg16[%parallel_loop3A_445, %parallel_loop3A_446] {strides = array<i32>} : memref<80x128xf32, #tpu.memory_space<vmem>>, vector<1x16xf32>,
        %parallel_loop3A_448 = vector.shape_cast %parallel_loop3A_447 : vector<1x16xf32> to vector<16xf32>
        %parallel_loop3A_449 = arith.mulf %parallel_loop3A_448, %parallel_loop3A_374 : vector<16xf32>
        %parallel_loop3A_450 = arith.index_cast %parallel_loop3A_367 : i32 to index
        %parallel_loop3A_451 = arith.constant 112 : index
        %parallel_loop3A_452 = tpu.vector_load %arg16[%parallel_loop3A_450, %parallel_loop3A_451] {strides = array<i32>} : memref<80x128xf32, #tpu.memory_space<vmem>>, vector<1x16xf32>,
        %parallel_loop3A_453 = vector.shape_cast %parallel_loop3A_452 : vector<1x16xf32> to vector<16xf32>
        %parallel_loop3A_454 = vector.shape_cast %parallel_loop3A_449 : vector<16xf32> to vector<1x16xf32>
        tpu.vector_store %arg16[%parallel_loop3A_450, %parallel_loop3A_451], %parallel_loop3A_454 {strides = array<i32>} : memref<80x128xf32, #tpu.memory_space<vmem>>, vector<1x16xf32>,
      } {sc.loop_unroll_factor = 8 : i64, sc.parallel_access}
      %dma_start3A_227 = arith.constant 0 : i32
      %dma_start3A_228 = arith.constant 0 : i32
      %dma_start3A_229 = tpu.memref_slice %arg20[%dma_start3A_227, %dma_start3A_228] : memref<10240x128xf32, #tpu.memory_space<vmem_shared>> -> memref<10240x128xf32, #tpu.memory_space<vmem_shared>>
      tpu.enqueue_indirect_dma source(%arg16 : memref<80x128xf32, #tpu.memory_space<vmem>>) target(%dma_start3A_229 : memref<10240x128xf32, #tpu.memory_space<vmem_shared>>) offsets(%arg10 : memref<80xi32, #tpu.memory_space<vmem>>) semaphore(%arg30 : memref<!tpu.dma_semaphore, #tpu.memory_space<semaphore_mem>>) {add = true}
      %convert_element_type3A = arith.extui %gt3A_199 : i1 to i32
      %cond3A = arith.constant 0 : i32
      %cond3A_230 = arith.cmpi ne, %convert_element_type3A, %cond3A : i32
      scf.if %cond3A_230 {
        %dma_wait3A_367 = arith.constant 0 : i32
        %dma_wait3A_368 = arith.constant 0 : i32
        %dma_wait3A_369 = tpu.memref_slice %arg20[%dma_wait3A_367, %dma_wait3A_368] : memref<10240x128xf32, #tpu.memory_space<vmem_shared>> -> memref<10240x128xf32, #tpu.memory_space<vmem_shared>>
        tpu.wait_indirect_dma semaphore(%arg32 : memref<!tpu.dma_semaphore, #tpu.memory_space<semaphore_mem>>) src(%arg18 : memref<80x128xf32, #tpu.memory_space<vmem>>) dst(%dma_wait3A_369 : memref<10240x128xf32, #tpu.memory_space<vmem_shared>>)
      } else {
      }
      %add3A_231 = arith.constant 2 : i32
      %add3A_232 = arith.addi %mul3A_198, %add3A_231 : i32
      %mul3A_233 = arith.constant 10000 : i32
      %mul3A_234 = arith.muli %add3A, %mul3A_233 : i32
      %mul3A_235 = arith.constant 80 : i32
      %mul3A_236 = arith.muli %add3A_232, %mul3A_235 : i32
      %add3A_237 = arith.addi %mul3A_234, %mul3A_236 : i32
      %dma_start3A_238 = arith.constant 0 : i32
      %dma_start3A_239 = tpu.memref_slice %arg15[%dma_start3A_238] : memref<96xf32, #tpu.memory_space<vmem>> -> memref<80xf32, #tpu.memory_space<vmem>>
      %dma_start3A_240 = tpu.memref_slice %arg5[%add3A_237] : memref<320000xf32, #tpu.memory_space<hbm>> -> memref<80xf32, #tpu.memory_space<hbm>>
      %dma_start3A_241 = arith.constant 0 : i32
      %dma_start3A_242 = tpu.memref_slice %arg15[%dma_start3A_241] : memref<96xf32, #tpu.memory_space<vmem>> -> memref<80xf32, #tpu.memory_space<vmem>>
      %dma_start3A_243 = tpu.memref_slice %arg5[%add3A_237] : memref<320000xf32, #tpu.memory_space<hbm>> -> memref<80xf32, #tpu.memory_space<hbm>>
      tpu.enqueue_dma source(%dma_start3A_243 : memref<80xf32, #tpu.memory_space<hbm>>) target(%dma_start3A_242 : memref<80xf32, #tpu.memory_space<vmem>>) target_semaphore(%arg26 : memref<!tpu.dma_semaphore, #tpu.memory_space<semaphore_mem>>)
      %dma_start3A_244 = tpu.memref_slice %arg4[%add3A_237] : memref<320000xi32, #tpu.memory_space<hbm>> -> memref<80xi32, #tpu.memory_space<hbm>>
      %dma_start3A_245 = tpu.memref_slice %arg4[%add3A_237] : memref<320000xi32, #tpu.memory_space<hbm>> -> memref<80xi32, #tpu.memory_space<hbm>>
      tpu.enqueue_dma source(%dma_start3A_245 : memref<80xi32, #tpu.memory_space<hbm>>) target(%arg12 : memref<80xi32, #tpu.memory_space<vmem>>) target_semaphore(%arg26 : memref<!tpu.dma_semaphore, #tpu.memory_space<semaphore_mem>>)
      %dma_wait3A_246 = arith.constant 0 : i32
      %dma_wait3A_247 = tpu.memref_slice %arg3[%dma_wait3A_246] : memref<320000xi32, #tpu.memory_space<hbm>> -> memref<80xi32, #tpu.memory_space<hbm>>
      %dma_wait3A_248 = arith.constant 0 : i32
      %dma_wait3A_249 = tpu.memref_slice %arg3[%dma_wait3A_248] : memref<320000xi32, #tpu.memory_space<hbm>> -> memref<80xi32, #tpu.memory_space<hbm>>
      tpu.wait_dma2 semaphore(%arg23 : memref<!tpu.dma_semaphore, #tpu.memory_space<semaphore_mem>>) src(%dma_wait3A_249 : memref<80xi32, #tpu.memory_space<hbm>>) dst(%arg9 : memref<80xi32, #tpu.memory_space<vmem>>)
      %dma_start3A_250 = arith.constant 0 : i32
      %dma_start3A_251 = arith.constant 0 : i32
      %dma_start3A_252 = tpu.memref_slice %arg2[%dma_start3A_250, %dma_start3A_251] : memref<10000x128xf32, #tpu.memory_space<hbm>> -> memref<10000x128xf32, #tpu.memory_space<hbm>>
      tpu.enqueue_indirect_dma source(%dma_start3A_252 : memref<10000x128xf32, #tpu.memory_space<hbm>>) target(%arg18 : memref<80x128xf32, #tpu.memory_space<vmem>>) offsets(%arg9 : memref<80xi32, #tpu.memory_space<vmem>>) semaphore(%arg29 : memref<!tpu.dma_semaphore, #tpu.memory_space<semaphore_mem>>)
      %add3A_253 = arith.constant 1 : i32
      %add3A_254 = arith.addi %mul3A_198, %add3A_253 : i32
      %dma_wait3A_255 = arith.constant 0 : i32
      %dma_wait3A_256 = arith.constant 0 : i32
      %dma_wait3A_257 = tpu.memref_slice %arg2[%dma_wait3A_255, %dma_wait3A_256] : memref<10000x128xf32, #tpu.memory_space<hbm>> -> memref<10000x128xf32, #tpu.memory_space<hbm>>
      tpu.wait_indirect_dma semaphore(%arg28 : memref<!tpu.dma_semaphore, #tpu.memory_space<semaphore_mem>>) src(%dma_wait3A_257 : memref<10000x128xf32, #tpu.memory_space<hbm>>) dst(%arg17 : memref<80x128xf32, #tpu.memory_space<vmem>>)
      %add3A_258 = arith.constant 2 : i32
      %add3A_259 = arith.addi %add3A_254, %add3A_258 : i32
      %mul3A_260 = arith.constant 10000 : i32
      %mul3A_261 = arith.muli %add3A, %mul3A_260 : i32
      %mul3A_262 = arith.constant 80 : i32
      %mul3A_263 = arith.muli %add3A_259, %mul3A_262 : i32
      %add3A_264 = arith.addi %mul3A_261, %mul3A_263 : i32
      %dma_start3A_265 = tpu.memref_slice %arg3[%add3A_264] : memref<320000xi32, #tpu.memory_space<hbm>> -> memref<80xi32, #tpu.memory_space<hbm>>
      %dma_start3A_266 = tpu.memref_slice %arg3[%add3A_264] : memref<320000xi32, #tpu.memory_space<hbm>> -> memref<80xi32, #tpu.memory_space<hbm>>
      tpu.enqueue_dma source(%dma_start3A_266 : memref<80xi32, #tpu.memory_space<hbm>>) target(%arg7 : memref<80xi32, #tpu.memory_space<vmem>>) target_semaphore(%arg21 : memref<!tpu.dma_semaphore, #tpu.memory_space<semaphore_mem>>)
      %dma_wait3A_267 = arith.constant 0 : i32
      %dma_wait3A_268 = tpu.memref_slice %arg14[%dma_wait3A_267] : memref<96xf32, #tpu.memory_space<vmem>> -> memref<80xf32, #tpu.memory_space<vmem>>
      %dma_wait3A_269 = arith.constant 0 : i32
      %dma_wait3A_270 = tpu.memref_slice %arg5[%dma_wait3A_269] : memref<320000xf32, #tpu.memory_space<hbm>> -> memref<80xf32, #tpu.memory_space<hbm>>
      %dma_wait3A_271 = arith.constant 0 : i32
      %dma_wait3A_272 = tpu.memref_slice %arg14[%dma_wait3A_271] : memref<96xf32, #tpu.memory_space<vmem>> -> memref<80xf32, #tpu.memory_space<vmem>>
      %dma_wait3A_273 = arith.constant 0 : i32
      %dma_wait3A_274 = tpu.memref_slice %arg5[%dma_wait3A_273] : memref<320000xf32, #tpu.memory_space<hbm>> -> memref<80xf32, #tpu.memory_space<hbm>>
      tpu.wait_dma2 semaphore(%arg25 : memref<!tpu.dma_semaphore, #tpu.memory_space<semaphore_mem>>) src(%dma_wait3A_274 : memref<80xf32, #tpu.memory_space<hbm>>) dst(%dma_wait3A_272 : memref<80xf32, #tpu.memory_space<vmem>>)
      %dma_wait3A_275 = arith.constant 0 : i32
      %dma_wait3A_276 = tpu.memref_slice %arg4[%dma_wait3A_275] : memref<320000xi32, #tpu.memory_space<hbm>> -> memref<80xi32, #tpu.memory_space<hbm>>
      %dma_wait3A_277 = arith.constant 0 : i32
      %dma_wait3A_278 = tpu.memref_slice %arg4[%dma_wait3A_277] : memref<320000xi32, #tpu.memory_space<hbm>> -> memref<80xi32, #tpu.memory_space<hbm>>
      tpu.wait_dma2 semaphore(%arg25 : memref<!tpu.dma_semaphore, #tpu.memory_space<semaphore_mem>>) src(%dma_wait3A_278 : memref<80xi32, #tpu.memory_space<hbm>>) dst(%arg11 : memref<80xi32, #tpu.memory_space<vmem>>)
      %parallel_loop3A_279 = arith.constant 0 : i32
      %parallel_loop3A_280 = arith.constant 80 : i32
      %parallel_loop3A_281 = arith.constant 1 : i32
      scf.for %parallel_loop3A_367 = %parallel_loop3A_279 to %parallel_loop3A_280 step %parallel_loop3A_281  : i32 {
        %parallel_loop3A_368 = arith.index_cast %parallel_loop3A_367 : i32 to index
        %parallel_loop3A_369 = tpu.vector_load %arg14[%parallel_loop3A_368] {strides = array<i32>} : memref<96xf32, #tpu.memory_space<vmem>>, vector<16xf32>,
        %parallel_loop3A_370 = vector.shape_cast %parallel_loop3A_369 : vector<16xf32> to vector<16xf32>
        %parallel_loop3A_371 = arith.constant 0 : i32
        %parallel_loop3A_372 = vector.broadcast %parallel_loop3A_371 : i32 to vector<16x1xi32>
        %parallel_loop3A_373 = vector.shape_cast %parallel_loop3A_372 : vector<16x1xi32> to vector<16xi32>
        %parallel_loop3A_374 = tpu.dynamic_gather %parallel_loop3A_370[%parallel_loop3A_373] in [0] : vector<16xf32>, vector<16xi32> -> vector<16xf32>
        %parallel_loop3A_375 = arith.index_cast %parallel_loop3A_367 : i32 to index
        %parallel_loop3A_376 = arith.constant 0 : index
        %parallel_loop3A_377 = tpu.vector_load %arg17[%parallel_loop3A_375, %parallel_loop3A_376] {strides = array<i32>} : memref<80x128xf32, #tpu.memory_space<vmem>>, vector<1x16xf32>,
        %parallel_loop3A_378 = vector.shape_cast %parallel_loop3A_377 : vector<1x16xf32> to vector<16xf32>
        %parallel_loop3A_379 = arith.mulf %parallel_loop3A_378, %parallel_loop3A_374 : vector<16xf32>
        %parallel_loop3A_380 = arith.index_cast %parallel_loop3A_367 : i32 to index
        %parallel_loop3A_381 = arith.constant 0 : index
        %parallel_loop3A_382 = tpu.vector_load %arg17[%parallel_loop3A_380, %parallel_loop3A_381] {strides = array<i32>} : memref<80x128xf32, #tpu.memory_space<vmem>>, vector<1x16xf32>,
        %parallel_loop3A_383 = vector.shape_cast %parallel_loop3A_382 : vector<1x16xf32> to vector<16xf32>
        %parallel_loop3A_384 = vector.shape_cast %parallel_loop3A_379 : vector<16xf32> to vector<1x16xf32>
        tpu.vector_store %arg17[%parallel_loop3A_380, %parallel_loop3A_381], %parallel_loop3A_384 {strides = array<i32>} : memref<80x128xf32, #tpu.memory_space<vmem>>, vector<1x16xf32>,
        %parallel_loop3A_385 = arith.index_cast %parallel_loop3A_367 : i32 to index
        %parallel_loop3A_386 = arith.constant 16 : index
        %parallel_loop3A_387 = tpu.vector_load %arg17[%parallel_loop3A_385, %parallel_loop3A_386] {strides = array<i32>} : memref<80x128xf32, #tpu.memory_space<vmem>>, vector<1x16xf32>,
        %parallel_loop3A_388 = vector.shape_cast %parallel_loop3A_387 : vector<1x16xf32> to vector<16xf32>
        %parallel_loop3A_389 = arith.mulf %parallel_loop3A_388, %parallel_loop3A_374 : vector<16xf32>
        %parallel_loop3A_390 = arith.index_cast %parallel_loop3A_367 : i32 to index
        %parallel_loop3A_391 = arith.constant 16 : index
        %parallel_loop3A_392 = tpu.vector_load %arg17[%parallel_loop3A_390, %parallel_loop3A_391] {strides = array<i32>} : memref<80x128xf32, #tpu.memory_space<vmem>>, vector<1x16xf32>,
        %parallel_loop3A_393 = vector.shape_cast %parallel_loop3A_392 : vector<1x16xf32> to vector<16xf32>
        %parallel_loop3A_394 = vector.shape_cast %parallel_loop3A_389 : vector<16xf32> to vector<1x16xf32>
        tpu.vector_store %arg17[%parallel_loop3A_390, %parallel_loop3A_391], %parallel_loop3A_394 {strides = array<i32>} : memref<80x128xf32, #tpu.memory_space<vmem>>, vector<1x16xf32>,
        %parallel_loop3A_395 = arith.index_cast %parallel_loop3A_367 : i32 to index
        %parallel_loop3A_396 = arith.constant 32 : index
        %parallel_loop3A_397 = tpu.vector_load %arg17[%parallel_loop3A_395, %parallel_loop3A_396] {strides = array<i32>} : memref<80x128xf32, #tpu.memory_space<vmem>>, vector<1x16xf32>,
        %parallel_loop3A_398 = vector.shape_cast %parallel_loop3A_397 : vector<1x16xf32> to vector<16xf32>
        %parallel_loop3A_399 = arith.mulf %parallel_loop3A_398, %parallel_loop3A_374 : vector<16xf32>
        %parallel_loop3A_400 = arith.index_cast %parallel_loop3A_367 : i32 to index
        %parallel_loop3A_401 = arith.constant 32 : index
        %parallel_loop3A_402 = tpu.vector_load %arg17[%parallel_loop3A_400, %parallel_loop3A_401] {strides = array<i32>} : memref<80x128xf32, #tpu.memory_space<vmem>>, vector<1x16xf32>,
        %parallel_loop3A_403 = vector.shape_cast %parallel_loop3A_402 : vector<1x16xf32> to vector<16xf32>
        %parallel_loop3A_404 = vector.shape_cast %parallel_loop3A_399 : vector<16xf32> to vector<1x16xf32>
        tpu.vector_store %arg17[%parallel_loop3A_400, %parallel_loop3A_401], %parallel_loop3A_404 {strides = array<i32>} : memref<80x128xf32, #tpu.memory_space<vmem>>, vector<1x16xf32>,
        %parallel_loop3A_405 = arith.index_cast %parallel_loop3A_367 : i32 to index
        %parallel_loop3A_406 = arith.constant 48 : index
        %parallel_loop3A_407 = tpu.vector_load %arg17[%parallel_loop3A_405, %parallel_loop3A_406] {strides = array<i32>} : memref<80x128xf32, #tpu.memory_space<vmem>>, vector<1x16xf32>,
        %parallel_loop3A_408 = vector.shape_cast %parallel_loop3A_407 : vector<1x16xf32> to vector<16xf32>
        %parallel_loop3A_409 = arith.mulf %parallel_loop3A_408, %parallel_loop3A_374 : vector<16xf32>
        %parallel_loop3A_410 = arith.index_cast %parallel_loop3A_367 : i32 to index
        %parallel_loop3A_411 = arith.constant 48 : index
        %parallel_loop3A_412 = tpu.vector_load %arg17[%parallel_loop3A_410, %parallel_loop3A_411] {strides = array<i32>} : memref<80x128xf32, #tpu.memory_space<vmem>>, vector<1x16xf32>,
        %parallel_loop3A_413 = vector.shape_cast %parallel_loop3A_412 : vector<1x16xf32> to vector<16xf32>
        %parallel_loop3A_414 = vector.shape_cast %parallel_loop3A_409 : vector<16xf32> to vector<1x16xf32>
        tpu.vector_store %arg17[%parallel_loop3A_410, %parallel_loop3A_411], %parallel_loop3A_414 {strides = array<i32>} : memref<80x128xf32, #tpu.memory_space<vmem>>, vector<1x16xf32>,
        %parallel_loop3A_415 = arith.index_cast %parallel_loop3A_367 : i32 to index
        %parallel_loop3A_416 = arith.constant 64 : index
        %parallel_loop3A_417 = tpu.vector_load %arg17[%parallel_loop3A_415, %parallel_loop3A_416] {strides = array<i32>} : memref<80x128xf32, #tpu.memory_space<vmem>>, vector<1x16xf32>,
        %parallel_loop3A_418 = vector.shape_cast %parallel_loop3A_417 : vector<1x16xf32> to vector<16xf32>
        %parallel_loop3A_419 = arith.mulf %parallel_loop3A_418, %parallel_loop3A_374 : vector<16xf32>
        %parallel_loop3A_420 = arith.index_cast %parallel_loop3A_367 : i32 to index
        %parallel_loop3A_421 = arith.constant 64 : index
        %parallel_loop3A_422 = tpu.vector_load %arg17[%parallel_loop3A_420, %parallel_loop3A_421] {strides = array<i32>} : memref<80x128xf32, #tpu.memory_space<vmem>>, vector<1x16xf32>,
        %parallel_loop3A_423 = vector.shape_cast %parallel_loop3A_422 : vector<1x16xf32> to vector<16xf32>
        %parallel_loop3A_424 = vector.shape_cast %parallel_loop3A_419 : vector<16xf32> to vector<1x16xf32>
        tpu.vector_store %arg17[%parallel_loop3A_420, %parallel_loop3A_421], %parallel_loop3A_424 {strides = array<i32>} : memref<80x128xf32, #tpu.memory_space<vmem>>, vector<1x16xf32>,
        %parallel_loop3A_425 = arith.index_cast %parallel_loop3A_367 : i32 to index
        %parallel_loop3A_426 = arith.constant 80 : index
        %parallel_loop3A_427 = tpu.vector_load %arg17[%parallel_loop3A_425, %parallel_loop3A_426] {strides = array<i32>} : memref<80x128xf32, #tpu.memory_space<vmem>>, vector<1x16xf32>,
        %parallel_loop3A_428 = vector.shape_cast %parallel_loop3A_427 : vector<1x16xf32> to vector<16xf32>
        %parallel_loop3A_429 = arith.mulf %parallel_loop3A_428, %parallel_loop3A_374 : vector<16xf32>
        %parallel_loop3A_430 = arith.index_cast %parallel_loop3A_367 : i32 to index
        %parallel_loop3A_431 = arith.constant 80 : index
        %parallel_loop3A_432 = tpu.vector_load %arg17[%parallel_loop3A_430, %parallel_loop3A_431] {strides = array<i32>} : memref<80x128xf32, #tpu.memory_space<vmem>>, vector<1x16xf32>,
        %parallel_loop3A_433 = vector.shape_cast %parallel_loop3A_432 : vector<1x16xf32> to vector<16xf32>
        %parallel_loop3A_434 = vector.shape_cast %parallel_loop3A_429 : vector<16xf32> to vector<1x16xf32>
        tpu.vector_store %arg17[%parallel_loop3A_430, %parallel_loop3A_431], %parallel_loop3A_434 {strides = array<i32>} : memref<80x128xf32, #tpu.memory_space<vmem>>, vector<1x16xf32>,
        %parallel_loop3A_435 = arith.index_cast %parallel_loop3A_367 : i32 to index
        %parallel_loop3A_436 = arith.constant 96 : index
        %parallel_loop3A_437 = tpu.vector_load %arg17[%parallel_loop3A_435, %parallel_loop3A_436] {strides = array<i32>} : memref<80x128xf32, #tpu.memory_space<vmem>>, vector<1x16xf32>,
        %parallel_loop3A_438 = vector.shape_cast %parallel_loop3A_437 : vector<1x16xf32> to vector<16xf32>
        %parallel_loop3A_439 = arith.mulf %parallel_loop3A_438, %parallel_loop3A_374 : vector<16xf32>
        %parallel_loop3A_440 = arith.index_cast %parallel_loop3A_367 : i32 to index
        %parallel_loop3A_441 = arith.constant 96 : index
        %parallel_loop3A_442 = tpu.vector_load %arg17[%parallel_loop3A_440, %parallel_loop3A_441] {strides = array<i32>} : memref<80x128xf32, #tpu.memory_space<vmem>>, vector<1x16xf32>,
        %parallel_loop3A_443 = vector.shape_cast %parallel_loop3A_442 : vector<1x16xf32> to vector<16xf32>
        %parallel_loop3A_444 = vector.shape_cast %parallel_loop3A_439 : vector<16xf32> to vector<1x16xf32>
        tpu.vector_store %arg17[%parallel_loop3A_440, %parallel_loop3A_441], %parallel_loop3A_444 {strides = array<i32>} : memref<80x128xf32, #tpu.memory_space<vmem>>, vector<1x16xf32>,
        %parallel_loop3A_445 = arith.index_cast %parallel_loop3A_367 : i32 to index
        %parallel_loop3A_446 = arith.constant 112 : index
        %parallel_loop3A_447 = tpu.vector_load %arg17[%parallel_loop3A_445, %parallel_loop3A_446] {strides = array<i32>} : memref<80x128xf32, #tpu.memory_space<vmem>>, vector<1x16xf32>,
        %parallel_loop3A_448 = vector.shape_cast %parallel_loop3A_447 : vector<1x16xf32> to vector<16xf32>
        %parallel_loop3A_449 = arith.mulf %parallel_loop3A_448, %parallel_loop3A_374 : vector<16xf32>
        %parallel_loop3A_450 = arith.index_cast %parallel_loop3A_367 : i32 to index
        %parallel_loop3A_451 = arith.constant 112 : index
        %parallel_loop3A_452 = tpu.vector_load %arg17[%parallel_loop3A_450, %parallel_loop3A_451] {strides = array<i32>} : memref<80x128xf32, #tpu.memory_space<vmem>>, vector<1x16xf32>,
        %parallel_loop3A_453 = vector.shape_cast %parallel_loop3A_452 : vector<1x16xf32> to vector<16xf32>
        %parallel_loop3A_454 = vector.shape_cast %parallel_loop3A_449 : vector<16xf32> to vector<1x16xf32>
        tpu.vector_store %arg17[%parallel_loop3A_450, %parallel_loop3A_451], %parallel_loop3A_454 {strides = array<i32>} : memref<80x128xf32, #tpu.memory_space<vmem>>, vector<1x16xf32>,
      } {sc.loop_unroll_factor = 8 : i64, sc.parallel_access}
      %dma_start3A_282 = arith.constant 0 : i32
      %dma_start3A_283 = arith.constant 0 : i32
      %dma_start3A_284 = tpu.memref_slice %arg20[%dma_start3A_282, %dma_start3A_283] : memref<10240x128xf32, #tpu.memory_space<vmem_shared>> -> memref<10240x128xf32, #tpu.memory_space<vmem_shared>>
      tpu.enqueue_indirect_dma source(%arg17 : memref<80x128xf32, #tpu.memory_space<vmem>>) target(%dma_start3A_284 : memref<10240x128xf32, #tpu.memory_space<vmem_shared>>) offsets(%arg11 : memref<80xi32, #tpu.memory_space<vmem>>) semaphore(%arg31 : memref<!tpu.dma_semaphore, #tpu.memory_space<semaphore_mem>>) {add = true}
      %dma_wait3A_285 = arith.constant 0 : i32
      %dma_wait3A_286 = arith.constant 0 : i32
      %dma_wait3A_287 = tpu.memref_slice %arg20[%dma_wait3A_285, %dma_wait3A_286] : memref<10240x128xf32, #tpu.memory_space<vmem_shared>> -> memref<10240x128xf32, #tpu.memory_space<vmem_shared>>
      tpu.wait_indirect_dma semaphore(%arg30 : memref<!tpu.dma_semaphore, #tpu.memory_space<semaphore_mem>>) src(%arg16 : memref<80x128xf32, #tpu.memory_space<vmem>>) dst(%dma_wait3A_287 : memref<10240x128xf32, #tpu.memory_space<vmem_shared>>)
      %add3A_288 = arith.constant 2 : i32
      %add3A_289 = arith.addi %add3A_254, %add3A_288 : i32
      %mul3A_290 = arith.constant 10000 : i32
      %mul3A_291 = arith.muli %add3A, %mul3A_290 : i32
      %mul3A_292 = arith.constant 80 : i32
      %mul3A_293 = arith.muli %add3A_289, %mul3A_292 : i32
      %add3A_294 = arith.addi %mul3A_291, %mul3A_293 : i32
      %dma_start3A_295 = arith.constant 0 : i32
      %dma_start3A_296 = tpu.memref_slice %arg13[%dma_start3A_295] : memref<96xf32, #tpu.memory_space<vmem>> -> memref<80xf32, #tpu.memory_space<vmem>>
      %dma_start3A_297 = tpu.memref_slice %arg5[%add3A_294] : memref<320000xf32, #tpu.memory_space<hbm>> -> memref<80xf32, #tpu.memory_space<hbm>>
      %dma_start3A_298 = arith.constant 0 : i32
      %dma_start3A_299 = tpu.memref_slice %arg13[%dma_start3A_298] : memref<96xf32, #tpu.memory_space<vmem>> -> memref<80xf32, #tpu.memory_space<vmem>>
      %dma_start3A_300 = tpu.memref_slice %arg5[%add3A_294] : memref<320000xf32, #tpu.memory_space<hbm>> -> memref<80xf32, #tpu.memory_space<hbm>>
      tpu.enqueue_dma source(%dma_start3A_300 : memref<80xf32, #tpu.memory_space<hbm>>) target(%dma_start3A_299 : memref<80xf32, #tpu.memory_space<vmem>>) target_semaphore(%arg24 : memref<!tpu.dma_semaphore, #tpu.memory_space<semaphore_mem>>)
      %dma_start3A_301 = tpu.memref_slice %arg4[%add3A_294] : memref<320000xi32, #tpu.memory_space<hbm>> -> memref<80xi32, #tpu.memory_space<hbm>>
      %dma_start3A_302 = tpu.memref_slice %arg4[%add3A_294] : memref<320000xi32, #tpu.memory_space<hbm>> -> memref<80xi32, #tpu.memory_space<hbm>>
      tpu.enqueue_dma source(%dma_start3A_302 : memref<80xi32, #tpu.memory_space<hbm>>) target(%arg10 : memref<80xi32, #tpu.memory_space<vmem>>) target_semaphore(%arg24 : memref<!tpu.dma_semaphore, #tpu.memory_space<semaphore_mem>>)
      %dma_wait3A_303 = arith.constant 0 : i32
      %dma_wait3A_304 = tpu.memref_slice %arg3[%dma_wait3A_303] : memref<320000xi32, #tpu.memory_space<hbm>> -> memref<80xi32, #tpu.memory_space<hbm>>
      %dma_wait3A_305 = arith.constant 0 : i32
      %dma_wait3A_306 = tpu.memref_slice %arg3[%dma_wait3A_305] : memref<320000xi32, #tpu.memory_space<hbm>> -> memref<80xi32, #tpu.memory_space<hbm>>
      tpu.wait_dma2 semaphore(%arg21 : memref<!tpu.dma_semaphore, #tpu.memory_space<semaphore_mem>>) src(%dma_wait3A_306 : memref<80xi32, #tpu.memory_space<hbm>>) dst(%arg7 : memref<80xi32, #tpu.memory_space<vmem>>)
      %dma_start3A_307 = arith.constant 0 : i32
      %dma_start3A_308 = arith.constant 0 : i32
      %dma_start3A_309 = tpu.memref_slice %arg2[%dma_start3A_307, %dma_start3A_308] : memref<10000x128xf32, #tpu.memory_space<hbm>> -> memref<10000x128xf32, #tpu.memory_space<hbm>>
      tpu.enqueue_indirect_dma source(%dma_start3A_309 : memref<10000x128xf32, #tpu.memory_space<hbm>>) target(%arg16 : memref<80x128xf32, #tpu.memory_space<vmem>>) offsets(%arg7 : memref<80xi32, #tpu.memory_space<vmem>>) semaphore(%arg27 : memref<!tpu.dma_semaphore, #tpu.memory_space<semaphore_mem>>)
      %add3A_310 = arith.constant 2 : i32
      %add3A_311 = arith.addi %mul3A_198, %add3A_310 : i32
      %dma_wait3A_312 = arith.constant 0 : i32
      %dma_wait3A_313 = arith.constant 0 : i32
      %dma_wait3A_314 = tpu.memref_slice %arg2[%dma_wait3A_312, %dma_wait3A_313] : memref<10000x128xf32, #tpu.memory_space<hbm>> -> memref<10000x128xf32, #tpu.memory_space<hbm>>
      tpu.wait_indirect_dma semaphore(%arg29 : memref<!tpu.dma_semaphore, #tpu.memory_space<semaphore_mem>>) src(%dma_wait3A_314 : memref<10000x128xf32, #tpu.memory_space<hbm>>) dst(%arg18 : memref<80x128xf32, #tpu.memory_space<vmem>>)
      %add3A_315 = arith.constant 2 : i32
      %add3A_316 = arith.addi %add3A_311, %add3A_315 : i32
      %mul3A_317 = arith.constant 10000 : i32
      %mul3A_318 = arith.muli %add3A, %mul3A_317 : i32
      %mul3A_319 = arith.constant 80 : i32
      %mul3A_320 = arith.muli %add3A_316, %mul3A_319 : i32
      %add3A_321 = arith.addi %mul3A_318, %mul3A_320 : i32
      %dma_start3A_322 = tpu.memref_slice %arg3[%add3A_321] : memref<320000xi32, #tpu.memory_space<hbm>> -> memref<80xi32, #tpu.memory_space<hbm>>
      %dma_start3A_323 = tpu.memref_slice %arg3[%add3A_321] : memref<320000xi32, #tpu.memory_space<hbm>> -> memref<80xi32, #tpu.memory_space<hbm>>
      tpu.enqueue_dma source(%dma_start3A_323 : memref<80xi32, #tpu.memory_space<hbm>>) target(%arg8 : memref<80xi32, #tpu.memory_space<vmem>>) target_semaphore(%arg22 : memref<!tpu.dma_semaphore, #tpu.memory_space<semaphore_mem>>)
      %dma_wait3A_324 = arith.constant 0 : i32
      %dma_wait3A_325 = tpu.memref_slice %arg15[%dma_wait3A_324] : memref<96xf32, #tpu.memory_space<vmem>> -> memref<80xf32, #tpu.memory_space<vmem>>
      %dma_wait3A_326 = arith.constant 0 : i32
      %dma_wait3A_327 = tpu.memref_slice %arg5[%dma_wait3A_326] : memref<320000xf32, #tpu.memory_space<hbm>> -> memref<80xf32, #tpu.memory_space<hbm>>
      %dma_wait3A_328 = arith.constant 0 : i32
      %dma_wait3A_329 = tpu.memref_slice %arg15[%dma_wait3A_328] : memref<96xf32, #tpu.memory_space<vmem>> -> memref<80xf32, #tpu.memory_space<vmem>>
      %dma_wait3A_330 = arith.constant 0 : i32
      %dma_wait3A_331 = tpu.memref_slice %arg5[%dma_wait3A_330] : memref<320000xf32, #tpu.memory_space<hbm>> -> memref<80xf32, #tpu.memory_space<hbm>>
      tpu.wait_dma2 semaphore(%arg26 : memref<!tpu.dma_semaphore, #tpu.memory_space<semaphore_mem>>) src(%dma_wait3A_331 : memref<80xf32, #tpu.memory_space<hbm>>) dst(%dma_wait3A_329 : memref<80xf32, #tpu.memory_space<vmem>>)
      %dma_wait3A_332 = arith.constant 0 : i32
      %dma_wait3A_333 = tpu.memref_slice %arg4[%dma_wait3A_332] : memref<320000xi32, #tpu.memory_space<hbm>> -> memref<80xi32, #tpu.memory_space<hbm>>
      %dma_wait3A_334 = arith.constant 0 : i32
      %dma_wait3A_335 = tpu.memref_slice %arg4[%dma_wait3A_334] : memref<320000xi32, #tpu.memory_space<hbm>> -> memref<80xi32, #tpu.memory_space<hbm>>
      tpu.wait_dma2 semaphore(%arg26 : memref<!tpu.dma_semaphore, #tpu.memory_space<semaphore_mem>>) src(%dma_wait3A_335 : memref<80xi32, #tpu.memory_space<hbm>>) dst(%arg12 : memref<80xi32, #tpu.memory_space<vmem>>)
      %parallel_loop3A_336 = arith.constant 0 : i32
      %parallel_loop3A_337 = arith.constant 80 : i32
      %parallel_loop3A_338 = arith.constant 1 : i32
      scf.for %parallel_loop3A_367 = %parallel_loop3A_336 to %parallel_loop3A_337 step %parallel_loop3A_338  : i32 {
        %parallel_loop3A_368 = arith.index_cast %parallel_loop3A_367 : i32 to index
        %parallel_loop3A_369 = tpu.vector_load %arg15[%parallel_loop3A_368] {strides = array<i32>} : memref<96xf32, #tpu.memory_space<vmem>>, vector<16xf32>,
        %parallel_loop3A_370 = vector.shape_cast %parallel_loop3A_369 : vector<16xf32> to vector<16xf32>
        %parallel_loop3A_371 = arith.constant 0 : i32
        %parallel_loop3A_372 = vector.broadcast %parallel_loop3A_371 : i32 to vector<16x1xi32>
        %parallel_loop3A_373 = vector.shape_cast %parallel_loop3A_372 : vector<16x1xi32> to vector<16xi32>
        %parallel_loop3A_374 = tpu.dynamic_gather %parallel_loop3A_370[%parallel_loop3A_373] in [0] : vector<16xf32>, vector<16xi32> -> vector<16xf32>
        %parallel_loop3A_375 = arith.index_cast %parallel_loop3A_367 : i32 to index
        %parallel_loop3A_376 = arith.constant 0 : index
        %parallel_loop3A_377 = tpu.vector_load %arg18[%parallel_loop3A_375, %parallel_loop3A_376] {strides = array<i32>} : memref<80x128xf32, #tpu.memory_space<vmem>>, vector<1x16xf32>,
        %parallel_loop3A_378 = vector.shape_cast %parallel_loop3A_377 : vector<1x16xf32> to vector<16xf32>
        %parallel_loop3A_379 = arith.mulf %parallel_loop3A_378, %parallel_loop3A_374 : vector<16xf32>
        %parallel_loop3A_380 = arith.index_cast %parallel_loop3A_367 : i32 to index
        %parallel_loop3A_381 = arith.constant 0 : index
        %parallel_loop3A_382 = tpu.vector_load %arg18[%parallel_loop3A_380, %parallel_loop3A_381] {strides = array<i32>} : memref<80x128xf32, #tpu.memory_space<vmem>>, vector<1x16xf32>,
        %parallel_loop3A_383 = vector.shape_cast %parallel_loop3A_382 : vector<1x16xf32> to vector<16xf32>
        %parallel_loop3A_384 = vector.shape_cast %parallel_loop3A_379 : vector<16xf32> to vector<1x16xf32>
        tpu.vector_store %arg18[%parallel_loop3A_380, %parallel_loop3A_381], %parallel_loop3A_384 {strides = array<i32>} : memref<80x128xf32, #tpu.memory_space<vmem>>, vector<1x16xf32>,
        %parallel_loop3A_385 = arith.index_cast %parallel_loop3A_367 : i32 to index
        %parallel_loop3A_386 = arith.constant 16 : index
        %parallel_loop3A_387 = tpu.vector_load %arg18[%parallel_loop3A_385, %parallel_loop3A_386] {strides = array<i32>} : memref<80x128xf32, #tpu.memory_space<vmem>>, vector<1x16xf32>,
        %parallel_loop3A_388 = vector.shape_cast %parallel_loop3A_387 : vector<1x16xf32> to vector<16xf32>
        %parallel_loop3A_389 = arith.mulf %parallel_loop3A_388, %parallel_loop3A_374 : vector<16xf32>
        %parallel_loop3A_390 = arith.index_cast %parallel_loop3A_367 : i32 to index
        %parallel_loop3A_391 = arith.constant 16 : index
        %parallel_loop3A_392 = tpu.vector_load %arg18[%parallel_loop3A_390, %parallel_loop3A_391] {strides = array<i32>} : memref<80x128xf32, #tpu.memory_space<vmem>>, vector<1x16xf32>,
        %parallel_loop3A_393 = vector.shape_cast %parallel_loop3A_392 : vector<1x16xf32> to vector<16xf32>
        %parallel_loop3A_394 = vector.shape_cast %parallel_loop3A_389 : vector<16xf32> to vector<1x16xf32>
        tpu.vector_store %arg18[%parallel_loop3A_390, %parallel_loop3A_391], %parallel_loop3A_394 {strides = array<i32>} : memref<80x128xf32, #tpu.memory_space<vmem>>, vector<1x16xf32>,
        %parallel_loop3A_395 = arith.index_cast %parallel_loop3A_367 : i32 to index
        %parallel_loop3A_396 = arith.constant 32 : index
        %parallel_loop3A_397 = tpu.vector_load %arg18[%parallel_loop3A_395, %parallel_loop3A_396] {strides = array<i32>} : memref<80x128xf32, #tpu.memory_space<vmem>>, vector<1x16xf32>,
        %parallel_loop3A_398 = vector.shape_cast %parallel_loop3A_397 : vector<1x16xf32> to vector<16xf32>
        %parallel_loop3A_399 = arith.mulf %parallel_loop3A_398, %parallel_loop3A_374 : vector<16xf32>
        %parallel_loop3A_400 = arith.index_cast %parallel_loop3A_367 : i32 to index
        %parallel_loop3A_401 = arith.constant 32 : index
        %parallel_loop3A_402 = tpu.vector_load %arg18[%parallel_loop3A_400, %parallel_loop3A_401] {strides = array<i32>} : memref<80x128xf32, #tpu.memory_space<vmem>>, vector<1x16xf32>,
        %parallel_loop3A_403 = vector.shape_cast %parallel_loop3A_402 : vector<1x16xf32> to vector<16xf32>
        %parallel_loop3A_404 = vector.shape_cast %parallel_loop3A_399 : vector<16xf32> to vector<1x16xf32>
        tpu.vector_store %arg18[%parallel_loop3A_400, %parallel_loop3A_401], %parallel_loop3A_404 {strides = array<i32>} : memref<80x128xf32, #tpu.memory_space<vmem>>, vector<1x16xf32>,
        %parallel_loop3A_405 = arith.index_cast %parallel_loop3A_367 : i32 to index
        %parallel_loop3A_406 = arith.constant 48 : index
        %parallel_loop3A_407 = tpu.vector_load %arg18[%parallel_loop3A_405, %parallel_loop3A_406] {strides = array<i32>} : memref<80x128xf32, #tpu.memory_space<vmem>>, vector<1x16xf32>,
        %parallel_loop3A_408 = vector.shape_cast %parallel_loop3A_407 : vector<1x16xf32> to vector<16xf32>
        %parallel_loop3A_409 = arith.mulf %parallel_loop3A_408, %parallel_loop3A_374 : vector<16xf32>
        %parallel_loop3A_410 = arith.index_cast %parallel_loop3A_367 : i32 to index
        %parallel_loop3A_411 = arith.constant 48 : index
        %parallel_loop3A_412 = tpu.vector_load %arg18[%parallel_loop3A_410, %parallel_loop3A_411] {strides = array<i32>} : memref<80x128xf32, #tpu.memory_space<vmem>>, vector<1x16xf32>,
        %parallel_loop3A_413 = vector.shape_cast %parallel_loop3A_412 : vector<1x16xf32> to vector<16xf32>
        %parallel_loop3A_414 = vector.shape_cast %parallel_loop3A_409 : vector<16xf32> to vector<1x16xf32>
        tpu.vector_store %arg18[%parallel_loop3A_410, %parallel_loop3A_411], %parallel_loop3A_414 {strides = array<i32>} : memref<80x128xf32, #tpu.memory_space<vmem>>, vector<1x16xf32>,
        %parallel_loop3A_415 = arith.index_cast %parallel_loop3A_367 : i32 to index
        %parallel_loop3A_416 = arith.constant 64 : index
        %parallel_loop3A_417 = tpu.vector_load %arg18[%parallel_loop3A_415, %parallel_loop3A_416] {strides = array<i32>} : memref<80x128xf32, #tpu.memory_space<vmem>>, vector<1x16xf32>,
        %parallel_loop3A_418 = vector.shape_cast %parallel_loop3A_417 : vector<1x16xf32> to vector<16xf32>
        %parallel_loop3A_419 = arith.mulf %parallel_loop3A_418, %parallel_loop3A_374 : vector<16xf32>
        %parallel_loop3A_420 = arith.index_cast %parallel_loop3A_367 : i32 to index
        %parallel_loop3A_421 = arith.constant 64 : index
        %parallel_loop3A_422 = tpu.vector_load %arg18[%parallel_loop3A_420, %parallel_loop3A_421] {strides = array<i32>} : memref<80x128xf32, #tpu.memory_space<vmem>>, vector<1x16xf32>,
        %parallel_loop3A_423 = vector.shape_cast %parallel_loop3A_422 : vector<1x16xf32> to vector<16xf32>
        %parallel_loop3A_424 = vector.shape_cast %parallel_loop3A_419 : vector<16xf32> to vector<1x16xf32>
        tpu.vector_store %arg18[%parallel_loop3A_420, %parallel_loop3A_421], %parallel_loop3A_424 {strides = array<i32>} : memref<80x128xf32, #tpu.memory_space<vmem>>, vector<1x16xf32>,
        %parallel_loop3A_425 = arith.index_cast %parallel_loop3A_367 : i32 to index
        %parallel_loop3A_426 = arith.constant 80 : index
        %parallel_loop3A_427 = tpu.vector_load %arg18[%parallel_loop3A_425, %parallel_loop3A_426] {strides = array<i32>} : memref<80x128xf32, #tpu.memory_space<vmem>>, vector<1x16xf32>,
        %parallel_loop3A_428 = vector.shape_cast %parallel_loop3A_427 : vector<1x16xf32> to vector<16xf32>
        %parallel_loop3A_429 = arith.mulf %parallel_loop3A_428, %parallel_loop3A_374 : vector<16xf32>
        %parallel_loop3A_430 = arith.index_cast %parallel_loop3A_367 : i32 to index
        %parallel_loop3A_431 = arith.constant 80 : index
        %parallel_loop3A_432 = tpu.vector_load %arg18[%parallel_loop3A_430, %parallel_loop3A_431] {strides = array<i32>} : memref<80x128xf32, #tpu.memory_space<vmem>>, vector<1x16xf32>,
        %parallel_loop3A_433 = vector.shape_cast %parallel_loop3A_432 : vector<1x16xf32> to vector<16xf32>
        %parallel_loop3A_434 = vector.shape_cast %parallel_loop3A_429 : vector<16xf32> to vector<1x16xf32>
        tpu.vector_store %arg18[%parallel_loop3A_430, %parallel_loop3A_431], %parallel_loop3A_434 {strides = array<i32>} : memref<80x128xf32, #tpu.memory_space<vmem>>, vector<1x16xf32>,
        %parallel_loop3A_435 = arith.index_cast %parallel_loop3A_367 : i32 to index
        %parallel_loop3A_436 = arith.constant 96 : index
        %parallel_loop3A_437 = tpu.vector_load %arg18[%parallel_loop3A_435, %parallel_loop3A_436] {strides = array<i32>} : memref<80x128xf32, #tpu.memory_space<vmem>>, vector<1x16xf32>,
        %parallel_loop3A_438 = vector.shape_cast %parallel_loop3A_437 : vector<1x16xf32> to vector<16xf32>
        %parallel_loop3A_439 = arith.mulf %parallel_loop3A_438, %parallel_loop3A_374 : vector<16xf32>
        %parallel_loop3A_440 = arith.index_cast %parallel_loop3A_367 : i32 to index
        %parallel_loop3A_441 = arith.constant 96 : index
        %parallel_loop3A_442 = tpu.vector_load %arg18[%parallel_loop3A_440, %parallel_loop3A_441] {strides = array<i32>} : memref<80x128xf32, #tpu.memory_space<vmem>>, vector<1x16xf32>,
        %parallel_loop3A_443 = vector.shape_cast %parallel_loop3A_442 : vector<1x16xf32> to vector<16xf32>
        %parallel_loop3A_444 = vector.shape_cast %parallel_loop3A_439 : vector<16xf32> to vector<1x16xf32>
        tpu.vector_store %arg18[%parallel_loop3A_440, %parallel_loop3A_441], %parallel_loop3A_444 {strides = array<i32>} : memref<80x128xf32, #tpu.memory_space<vmem>>, vector<1x16xf32>,
        %parallel_loop3A_445 = arith.index_cast %parallel_loop3A_367 : i32 to index
        %parallel_loop3A_446 = arith.constant 112 : index
        %parallel_loop3A_447 = tpu.vector_load %arg18[%parallel_loop3A_445, %parallel_loop3A_446] {strides = array<i32>} : memref<80x128xf32, #tpu.memory_space<vmem>>, vector<1x16xf32>,
        %parallel_loop3A_448 = vector.shape_cast %parallel_loop3A_447 : vector<1x16xf32> to vector<16xf32>
        %parallel_loop3A_449 = arith.mulf %parallel_loop3A_448, %parallel_loop3A_374 : vector<16xf32>
        %parallel_loop3A_450 = arith.index_cast %parallel_loop3A_367 : i32 to index
        %parallel_loop3A_451 = arith.constant 112 : index
        %parallel_loop3A_452 = tpu.vector_load %arg18[%parallel_loop3A_450, %parallel_loop3A_451] {strides = array<i32>} : memref<80x128xf32, #tpu.memory_space<vmem>>, vector<1x16xf32>,
        %parallel_loop3A_453 = vector.shape_cast %parallel_loop3A_452 : vector<1x16xf32> to vector<16xf32>
        %parallel_loop3A_454 = vector.shape_cast %parallel_loop3A_449 : vector<16xf32> to vector<1x16xf32>
        tpu.vector_store %arg18[%parallel_loop3A_450, %parallel_loop3A_451], %parallel_loop3A_454 {strides = array<i32>} : memref<80x128xf32, #tpu.memory_space<vmem>>, vector<1x16xf32>,
      } {sc.loop_unroll_factor = 8 : i64, sc.parallel_access}
      %dma_start3A_339 = arith.constant 0 : i32
      %dma_start3A_340 = arith.constant 0 : i32
      %dma_start3A_341 = tpu.memref_slice %arg20[%dma_start3A_339, %dma_start3A_340] : memref<10240x128xf32, #tpu.memory_space<vmem_shared>> -> memref<10240x128xf32, #tpu.memory_space<vmem_shared>>
      tpu.enqueue_indirect_dma source(%arg18 : memref<80x128xf32, #tpu.memory_space<vmem>>) target(%dma_start3A_341 : memref<10240x128xf32, #tpu.memory_space<vmem_shared>>) offsets(%arg12 : memref<80xi32, #tpu.memory_space<vmem>>) semaphore(%arg32 : memref<!tpu.dma_semaphore, #tpu.memory_space<semaphore_mem>>) {add = true}
      %dma_wait3A_342 = arith.constant 0 : i32
      %dma_wait3A_343 = arith.constant 0 : i32
      %dma_wait3A_344 = tpu.memref_slice %arg20[%dma_wait3A_342, %dma_wait3A_343] : memref<10240x128xf32, #tpu.memory_space<vmem_shared>> -> memref<10240x128xf32, #tpu.memory_space<vmem_shared>>
      tpu.wait_indirect_dma semaphore(%arg31 : memref<!tpu.dma_semaphore, #tpu.memory_space<semaphore_mem>>) src(%arg17 : memref<80x128xf32, #tpu.memory_space<vmem>>) dst(%dma_wait3A_344 : memref<10240x128xf32, #tpu.memory_space<vmem_shared>>)
      %add3A_345 = arith.constant 2 : i32
      %add3A_346 = arith.addi %add3A_311, %add3A_345 : i32
      %mul3A_347 = arith.constant 10000 : i32
      %mul3A_348 = arith.muli %add3A, %mul3A_347 : i32
      %mul3A_349 = arith.constant 80 : i32
      %mul3A_350 = arith.muli %add3A_346, %mul3A_349 : i32
      %add3A_351 = arith.addi %mul3A_348, %mul3A_350 : i32
      %dma_start3A_352 = arith.constant 0 : i32
      %dma_start3A_353 = tpu.memref_slice %arg14[%dma_start3A_352] : memref<96xf32, #tpu.memory_space<vmem>> -> memref<80xf32, #tpu.memory_space<vmem>>
      %dma_start3A_354 = tpu.memref_slice %arg5[%add3A_351] : memref<320000xf32, #tpu.memory_space<hbm>> -> memref<80xf32, #tpu.memory_space<hbm>>
      %dma_start3A_355 = arith.constant 0 : i32
      %dma_start3A_356 = tpu.memref_slice %arg14[%dma_start3A_355] : memref<96xf32, #tpu.memory_space<vmem>> -> memref<80xf32, #tpu.memory_space<vmem>>
      %dma_start3A_357 = tpu.memref_slice %arg5[%add3A_351] : memref<320000xf32, #tpu.memory_space<hbm>> -> memref<80xf32, #tpu.memory_space<hbm>>
      tpu.enqueue_dma source(%dma_start3A_357 : memref<80xf32, #tpu.memory_space<hbm>>) target(%dma_start3A_356 : memref<80xf32, #tpu.memory_space<vmem>>) target_semaphore(%arg25 : memref<!tpu.dma_semaphore, #tpu.memory_space<semaphore_mem>>)
      %dma_start3A_358 = tpu.memref_slice %arg4[%add3A_351] : memref<320000xi32, #tpu.memory_space<hbm>> -> memref<80xi32, #tpu.memory_space<hbm>>
      %dma_start3A_359 = tpu.memref_slice %arg4[%add3A_351] : memref<320000xi32, #tpu.memory_space<hbm>> -> memref<80xi32, #tpu.memory_space<hbm>>
      tpu.enqueue_dma source(%dma_start3A_359 : memref<80xi32, #tpu.memory_space<hbm>>) target(%arg11 : memref<80xi32, #tpu.memory_space<vmem>>) target_semaphore(%arg25 : memref<!tpu.dma_semaphore, #tpu.memory_space<semaphore_mem>>)
      %dma_wait3A_360 = arith.constant 0 : i32
      %dma_wait3A_361 = tpu.memref_slice %arg3[%dma_wait3A_360] : memref<320000xi32, #tpu.memory_space<hbm>> -> memref<80xi32, #tpu.memory_space<hbm>>
      %dma_wait3A_362 = arith.constant 0 : i32
      %dma_wait3A_363 = tpu.memref_slice %arg3[%dma_wait3A_362] : memref<320000xi32, #tpu.memory_space<hbm>> -> memref<80xi32, #tpu.memory_space<hbm>>
      tpu.wait_dma2 semaphore(%arg22 : memref<!tpu.dma_semaphore, #tpu.memory_space<semaphore_mem>>) src(%dma_wait3A_363 : memref<80xi32, #tpu.memory_space<hbm>>) dst(%arg8 : memref<80xi32, #tpu.memory_space<vmem>>)
      %dma_start3A_364 = arith.constant 0 : i32
      %dma_start3A_365 = arith.constant 0 : i32
      %dma_start3A_366 = tpu.memref_slice %arg2[%dma_start3A_364, %dma_start3A_365] : memref<10000x128xf32, #tpu.memory_space<hbm>> -> memref<10000x128xf32, #tpu.memory_space<hbm>>
      tpu.enqueue_indirect_dma source(%dma_start3A_366 : memref<10000x128xf32, #tpu.memory_space<hbm>>) target(%arg17 : memref<80x128xf32, #tpu.memory_space<vmem>>) offsets(%arg8 : memref<80xi32, #tpu.memory_space<vmem>>) semaphore(%arg28 : memref<!tpu.dma_semaphore, #tpu.memory_space<semaphore_mem>>)
    }
    %scan3A_140 = arith.constant 41 : i32
    %dma_wait3A_141 = arith.constant 0 : i32
    %dma_wait3A_142 = arith.constant 0 : i32
    %dma_wait3A_143 = tpu.memref_slice %arg2[%dma_wait3A_141, %dma_wait3A_142] : memref<10000x128xf32, #tpu.memory_space<hbm>> -> memref<10000x128xf32, #tpu.memory_space<hbm>>
    tpu.wait_indirect_dma semaphore(%arg27 : memref<!tpu.dma_semaphore, #tpu.memory_space<semaphore_mem>>) src(%dma_wait3A_143 : memref<10000x128xf32, #tpu.memory_space<hbm>>) dst(%arg16 : memref<80x128xf32, #tpu.memory_space<vmem>>)
    %dma_wait3A_144 = arith.constant 0 : i32
    %dma_wait3A_145 = tpu.memref_slice %arg13[%dma_wait3A_144] : memref<96xf32, #tpu.memory_space<vmem>> -> memref<80xf32, #tpu.memory_space<vmem>>
    %dma_wait3A_146 = arith.constant 0 : i32
    %dma_wait3A_147 = tpu.memref_slice %arg5[%dma_wait3A_146] : memref<320000xf32, #tpu.memory_space<hbm>> -> memref<80xf32, #tpu.memory_space<hbm>>
    %dma_wait3A_148 = arith.constant 0 : i32
    %dma_wait3A_149 = tpu.memref_slice %arg13[%dma_wait3A_148] : memref<96xf32, #tpu.memory_space<vmem>> -> memref<80xf32, #tpu.memory_space<vmem>>
    %dma_wait3A_150 = arith.constant 0 : i32
    %dma_wait3A_151 = tpu.memref_slice %arg5[%dma_wait3A_150] : memref<320000xf32, #tpu.memory_space<hbm>> -> memref<80xf32, #tpu.memory_space<hbm>>
    tpu.wait_dma2 semaphore(%arg24 : memref<!tpu.dma_semaphore, #tpu.memory_space<semaphore_mem>>) src(%dma_wait3A_151 : memref<80xf32, #tpu.memory_space<hbm>>) dst(%dma_wait3A_149 : memref<80xf32, #tpu.memory_space<vmem>>)
    %dma_wait3A_152 = arith.constant 0 : i32
    %dma_wait3A_153 = tpu.memref_slice %arg4[%dma_wait3A_152] : memref<320000xi32, #tpu.memory_space<hbm>> -> memref<80xi32, #tpu.memory_space<hbm>>
    %dma_wait3A_154 = arith.constant 0 : i32
    %dma_wait3A_155 = tpu.memref_slice %arg4[%dma_wait3A_154] : memref<320000xi32, #tpu.memory_space<hbm>> -> memref<80xi32, #tpu.memory_space<hbm>>
    tpu.wait_dma2 semaphore(%arg24 : memref<!tpu.dma_semaphore, #tpu.memory_space<semaphore_mem>>) src(%dma_wait3A_155 : memref<80xi32, #tpu.memory_space<hbm>>) dst(%arg10 : memref<80xi32, #tpu.memory_space<vmem>>)
    %parallel_loop3A = arith.constant 0 : i32
    %parallel_loop3A_156 = arith.constant 80 : i32
    %parallel_loop3A_157 = arith.constant 1 : i32
    scf.for %parallel_loop3A_196 = %parallel_loop3A to %parallel_loop3A_156 step %parallel_loop3A_157  : i32 {
      %parallel_loop3A_197 = arith.index_cast %parallel_loop3A_196 : i32 to index
      %parallel_loop3A_198 = tpu.vector_load %arg13[%parallel_loop3A_197] {strides = array<i32>} : memref<96xf32, #tpu.memory_space<vmem>>, vector<16xf32>,
      %parallel_loop3A_199 = vector.shape_cast %parallel_loop3A_198 : vector<16xf32> to vector<16xf32>
      %parallel_loop3A_200 = arith.constant 0 : i32
      %parallel_loop3A_201 = vector.broadcast %parallel_loop3A_200 : i32 to vector<16x1xi32>
      %parallel_loop3A_202 = vector.shape_cast %parallel_loop3A_201 : vector<16x1xi32> to vector<16xi32>
      %parallel_loop3A_203 = tpu.dynamic_gather %parallel_loop3A_199[%parallel_loop3A_202] in [0] : vector<16xf32>, vector<16xi32> -> vector<16xf32>
      %parallel_loop3A_204 = arith.index_cast %parallel_loop3A_196 : i32 to index
      %parallel_loop3A_205 = arith.constant 0 : index
      %parallel_loop3A_206 = tpu.vector_load %arg16[%parallel_loop3A_204, %parallel_loop3A_205] {strides = array<i32>} : memref<80x128xf32, #tpu.memory_space<vmem>>, vector<1x16xf32>,
      %parallel_loop3A_207 = vector.shape_cast %parallel_loop3A_206 : vector<1x16xf32> to vector<16xf32>
      %parallel_loop3A_208 = arith.mulf %parallel_loop3A_207, %parallel_loop3A_203 : vector<16xf32>
      %parallel_loop3A_209 = arith.index_cast %parallel_loop3A_196 : i32 to index
      %parallel_loop3A_210 = arith.constant 0 : index
      %parallel_loop3A_211 = tpu.vector_load %arg16[%parallel_loop3A_209, %parallel_loop3A_210] {strides = array<i32>} : memref<80x128xf32, #tpu.memory_space<vmem>>, vector<1x16xf32>,
      %parallel_loop3A_212 = vector.shape_cast %parallel_loop3A_211 : vector<1x16xf32> to vector<16xf32>
      %parallel_loop3A_213 = vector.shape_cast %parallel_loop3A_208 : vector<16xf32> to vector<1x16xf32>
      tpu.vector_store %arg16[%parallel_loop3A_209, %parallel_loop3A_210], %parallel_loop3A_213 {strides = array<i32>} : memref<80x128xf32, #tpu.memory_space<vmem>>, vector<1x16xf32>,
      %parallel_loop3A_214 = arith.index_cast %parallel_loop3A_196 : i32 to index
      %parallel_loop3A_215 = arith.constant 16 : index
      %parallel_loop3A_216 = tpu.vector_load %arg16[%parallel_loop3A_214, %parallel_loop3A_215] {strides = array<i32>} : memref<80x128xf32, #tpu.memory_space<vmem>>, vector<1x16xf32>,
      %parallel_loop3A_217 = vector.shape_cast %parallel_loop3A_216 : vector<1x16xf32> to vector<16xf32>
      %parallel_loop3A_218 = arith.mulf %parallel_loop3A_217, %parallel_loop3A_203 : vector<16xf32>
      %parallel_loop3A_219 = arith.index_cast %parallel_loop3A_196 : i32 to index
      %parallel_loop3A_220 = arith.constant 16 : index
      %parallel_loop3A_221 = tpu.vector_load %arg16[%parallel_loop3A_219, %parallel_loop3A_220] {strides = array<i32>} : memref<80x128xf32, #tpu.memory_space<vmem>>, vector<1x16xf32>,
      %parallel_loop3A_222 = vector.shape_cast %parallel_loop3A_221 : vector<1x16xf32> to vector<16xf32>
      %parallel_loop3A_223 = vector.shape_cast %parallel_loop3A_218 : vector<16xf32> to vector<1x16xf32>
      tpu.vector_store %arg16[%parallel_loop3A_219, %parallel_loop3A_220], %parallel_loop3A_223 {strides = array<i32>} : memref<80x128xf32, #tpu.memory_space<vmem>>, vector<1x16xf32>,
      %parallel_loop3A_224 = arith.index_cast %parallel_loop3A_196 : i32 to index
      %parallel_loop3A_225 = arith.constant 32 : index
      %parallel_loop3A_226 = tpu.vector_load %arg16[%parallel_loop3A_224, %parallel_loop3A_225] {strides = array<i32>} : memref<80x128xf32, #tpu.memory_space<vmem>>, vector<1x16xf32>,
      %parallel_loop3A_227 = vector.shape_cast %parallel_loop3A_226 : vector<1x16xf32> to vector<16xf32>
      %parallel_loop3A_228 = arith.mulf %parallel_loop3A_227, %parallel_loop3A_203 : vector<16xf32>
      %parallel_loop3A_229 = arith.index_cast %parallel_loop3A_196 : i32 to index
      %parallel_loop3A_230 = arith.constant 32 : index
      %parallel_loop3A_231 = tpu.vector_load %arg16[%parallel_loop3A_229, %parallel_loop3A_230] {strides = array<i32>} : memref<80x128xf32, #tpu.memory_space<vmem>>, vector<1x16xf32>,
      %parallel_loop3A_232 = vector.shape_cast %parallel_loop3A_231 : vector<1x16xf32> to vector<16xf32>
      %parallel_loop3A_233 = vector.shape_cast %parallel_loop3A_228 : vector<16xf32> to vector<1x16xf32>
      tpu.vector_store %arg16[%parallel_loop3A_229, %parallel_loop3A_230], %parallel_loop3A_233 {strides = array<i32>} : memref<80x128xf32, #tpu.memory_space<vmem>>, vector<1x16xf32>,
      %parallel_loop3A_234 = arith.index_cast %parallel_loop3A_196 : i32 to index
      %parallel_loop3A_235 = arith.constant 48 : index
      %parallel_loop3A_236 = tpu.vector_load %arg16[%parallel_loop3A_234, %parallel_loop3A_235] {strides = array<i32>} : memref<80x128xf32, #tpu.memory_space<vmem>>, vector<1x16xf32>,
      %parallel_loop3A_237 = vector.shape_cast %parallel_loop3A_236 : vector<1x16xf32> to vector<16xf32>
      %parallel_loop3A_238 = arith.mulf %parallel_loop3A_237, %parallel_loop3A_203 : vector<16xf32>
      %parallel_loop3A_239 = arith.index_cast %parallel_loop3A_196 : i32 to index
      %parallel_loop3A_240 = arith.constant 48 : index
      %parallel_loop3A_241 = tpu.vector_load %arg16[%parallel_loop3A_239, %parallel_loop3A_240] {strides = array<i32>} : memref<80x128xf32, #tpu.memory_space<vmem>>, vector<1x16xf32>,
      %parallel_loop3A_242 = vector.shape_cast %parallel_loop3A_241 : vector<1x16xf32> to vector<16xf32>
      %parallel_loop3A_243 = vector.shape_cast %parallel_loop3A_238 : vector<16xf32> to vector<1x16xf32>
      tpu.vector_store %arg16[%parallel_loop3A_239, %parallel_loop3A_240], %parallel_loop3A_243 {strides = array<i32>} : memref<80x128xf32, #tpu.memory_space<vmem>>, vector<1x16xf32>,
      %parallel_loop3A_244 = arith.index_cast %parallel_loop3A_196 : i32 to index
      %parallel_loop3A_245 = arith.constant 64 : index
      %parallel_loop3A_246 = tpu.vector_load %arg16[%parallel_loop3A_244, %parallel_loop3A_245] {strides = array<i32>} : memref<80x128xf32, #tpu.memory_space<vmem>>, vector<1x16xf32>,
      %parallel_loop3A_247 = vector.shape_cast %parallel_loop3A_246 : vector<1x16xf32> to vector<16xf32>
      %parallel_loop3A_248 = arith.mulf %parallel_loop3A_247, %parallel_loop3A_203 : vector<16xf32>
      %parallel_loop3A_249 = arith.index_cast %parallel_loop3A_196 : i32 to index
      %parallel_loop3A_250 = arith.constant 64 : index
      %parallel_loop3A_251 = tpu.vector_load %arg16[%parallel_loop3A_249, %parallel_loop3A_250] {strides = array<i32>} : memref<80x128xf32, #tpu.memory_space<vmem>>, vector<1x16xf32>,
      %parallel_loop3A_252 = vector.shape_cast %parallel_loop3A_251 : vector<1x16xf32> to vector<16xf32>
      %parallel_loop3A_253 = vector.shape_cast %parallel_loop3A_248 : vector<16xf32> to vector<1x16xf32>
      tpu.vector_store %arg16[%parallel_loop3A_249, %parallel_loop3A_250], %parallel_loop3A_253 {strides = array<i32>} : memref<80x128xf32, #tpu.memory_space<vmem>>, vector<1x16xf32>,
      %parallel_loop3A_254 = arith.index_cast %parallel_loop3A_196 : i32 to index
      %parallel_loop3A_255 = arith.constant 80 : index
      %parallel_loop3A_256 = tpu.vector_load %arg16[%parallel_loop3A_254, %parallel_loop3A_255] {strides = array<i32>} : memref<80x128xf32, #tpu.memory_space<vmem>>, vector<1x16xf32>,
      %parallel_loop3A_257 = vector.shape_cast %parallel_loop3A_256 : vector<1x16xf32> to vector<16xf32>
      %parallel_loop3A_258 = arith.mulf %parallel_loop3A_257, %parallel_loop3A_203 : vector<16xf32>
      %parallel_loop3A_259 = arith.index_cast %parallel_loop3A_196 : i32 to index
      %parallel_loop3A_260 = arith.constant 80 : index
      %parallel_loop3A_261 = tpu.vector_load %arg16[%parallel_loop3A_259, %parallel_loop3A_260] {strides = array<i32>} : memref<80x128xf32, #tpu.memory_space<vmem>>, vector<1x16xf32>,
      %parallel_loop3A_262 = vector.shape_cast %parallel_loop3A_261 : vector<1x16xf32> to vector<16xf32>
      %parallel_loop3A_263 = vector.shape_cast %parallel_loop3A_258 : vector<16xf32> to vector<1x16xf32>
      tpu.vector_store %arg16[%parallel_loop3A_259, %parallel_loop3A_260], %parallel_loop3A_263 {strides = array<i32>} : memref<80x128xf32, #tpu.memory_space<vmem>>, vector<1x16xf32>,
      %parallel_loop3A_264 = arith.index_cast %parallel_loop3A_196 : i32 to index
      %parallel_loop3A_265 = arith.constant 96 : index
      %parallel_loop3A_266 = tpu.vector_load %arg16[%parallel_loop3A_264, %parallel_loop3A_265] {strides = array<i32>} : memref<80x128xf32, #tpu.memory_space<vmem>>, vector<1x16xf32>,
      %parallel_loop3A_267 = vector.shape_cast %parallel_loop3A_266 : vector<1x16xf32> to vector<16xf32>
      %parallel_loop3A_268 = arith.mulf %parallel_loop3A_267, %parallel_loop3A_203 : vector<16xf32>
      %parallel_loop3A_269 = arith.index_cast %parallel_loop3A_196 : i32 to index
      %parallel_loop3A_270 = arith.constant 96 : index
      %parallel_loop3A_271 = tpu.vector_load %arg16[%parallel_loop3A_269, %parallel_loop3A_270] {strides = array<i32>} : memref<80x128xf32, #tpu.memory_space<vmem>>, vector<1x16xf32>,
      %parallel_loop3A_272 = vector.shape_cast %parallel_loop3A_271 : vector<1x16xf32> to vector<16xf32>
      %parallel_loop3A_273 = vector.shape_cast %parallel_loop3A_268 : vector<16xf32> to vector<1x16xf32>
      tpu.vector_store %arg16[%parallel_loop3A_269, %parallel_loop3A_270], %parallel_loop3A_273 {strides = array<i32>} : memref<80x128xf32, #tpu.memory_space<vmem>>, vector<1x16xf32>,
      %parallel_loop3A_274 = arith.index_cast %parallel_loop3A_196 : i32 to index
      %parallel_loop3A_275 = arith.constant 112 : index
      %parallel_loop3A_276 = tpu.vector_load %arg16[%parallel_loop3A_274, %parallel_loop3A_275] {strides = array<i32>} : memref<80x128xf32, #tpu.memory_space<vmem>>, vector<1x16xf32>,
      %parallel_loop3A_277 = vector.shape_cast %parallel_loop3A_276 : vector<1x16xf32> to vector<16xf32>
      %parallel_loop3A_278 = arith.mulf %parallel_loop3A_277, %parallel_loop3A_203 : vector<16xf32>
      %parallel_loop3A_279 = arith.index_cast %parallel_loop3A_196 : i32 to index
      %parallel_loop3A_280 = arith.constant 112 : index
      %parallel_loop3A_281 = tpu.vector_load %arg16[%parallel_loop3A_279, %parallel_loop3A_280] {strides = array<i32>} : memref<80x128xf32, #tpu.memory_space<vmem>>, vector<1x16xf32>,
      %parallel_loop3A_282 = vector.shape_cast %parallel_loop3A_281 : vector<1x16xf32> to vector<16xf32>
      %parallel_loop3A_283 = vector.shape_cast %parallel_loop3A_278 : vector<16xf32> to vector<1x16xf32>
      tpu.vector_store %arg16[%parallel_loop3A_279, %parallel_loop3A_280], %parallel_loop3A_283 {strides = array<i32>} : memref<80x128xf32, #tpu.memory_space<vmem>>, vector<1x16xf32>,
    } {sc.loop_unroll_factor = 8 : i64, sc.parallel_access}
    %dma_start3A_158 = arith.constant 0 : i32
    %dma_start3A_159 = arith.constant 0 : i32
    %dma_start3A_160 = tpu.memref_slice %arg20[%dma_start3A_158, %dma_start3A_159] : memref<10240x128xf32, #tpu.memory_space<vmem_shared>> -> memref<10240x128xf32, #tpu.memory_space<vmem_shared>>
    tpu.enqueue_indirect_dma source(%arg16 : memref<80x128xf32, #tpu.memory_space<vmem>>) target(%dma_start3A_160 : memref<10240x128xf32, #tpu.memory_space<vmem_shared>>) offsets(%arg10 : memref<80xi32, #tpu.memory_space<vmem>>) semaphore(%arg30 : memref<!tpu.dma_semaphore, #tpu.memory_space<semaphore_mem>>) {add = true}
    %dma_wait3A_161 = arith.constant 0 : i32
    %dma_wait3A_162 = arith.constant 0 : i32
    %dma_wait3A_163 = tpu.memref_slice %arg2[%dma_wait3A_161, %dma_wait3A_162] : memref<10000x128xf32, #tpu.memory_space<hbm>> -> memref<10000x128xf32, #tpu.memory_space<hbm>>
    tpu.wait_indirect_dma semaphore(%arg28 : memref<!tpu.dma_semaphore, #tpu.memory_space<semaphore_mem>>) src(%dma_wait3A_163 : memref<10000x128xf32, #tpu.memory_space<hbm>>) dst(%arg17 : memref<80x128xf32, #tpu.memory_space<vmem>>)
    %dma_wait3A_164 = arith.constant 0 : i32
    %dma_wait3A_165 = tpu.memref_slice %arg14[%dma_wait3A_164] : memref<96xf32, #tpu.memory_space<vmem>> -> memref<80xf32, #tpu.memory_space<vmem>>
    %dma_wait3A_166 = arith.constant 0 : i32
    %dma_wait3A_167 = tpu.memref_slice %arg5[%dma_wait3A_166] : memref<320000xf32, #tpu.memory_space<hbm>> -> memref<80xf32, #tpu.memory_space<hbm>>
    %dma_wait3A_168 = arith.constant 0 : i32
    %dma_wait3A_169 = tpu.memref_slice %arg14[%dma_wait3A_168] : memref<96xf32, #tpu.memory_space<vmem>> -> memref<80xf32, #tpu.memory_space<vmem>>
    %dma_wait3A_170 = arith.constant 0 : i32
    %dma_wait3A_171 = tpu.memref_slice %arg5[%dma_wait3A_170] : memref<320000xf32, #tpu.memory_space<hbm>> -> memref<80xf32, #tpu.memory_space<hbm>>
    tpu.wait_dma2 semaphore(%arg25 : memref<!tpu.dma_semaphore, #tpu.memory_space<semaphore_mem>>) src(%dma_wait3A_171 : memref<80xf32, #tpu.memory_space<hbm>>) dst(%dma_wait3A_169 : memref<80xf32, #tpu.memory_space<vmem>>)
    %dma_wait3A_172 = arith.constant 0 : i32
    %dma_wait3A_173 = tpu.memref_slice %arg4[%dma_wait3A_172] : memref<320000xi32, #tpu.memory_space<hbm>> -> memref<80xi32, #tpu.memory_space<hbm>>
    %dma_wait3A_174 = arith.constant 0 : i32
    %dma_wait3A_175 = tpu.memref_slice %arg4[%dma_wait3A_174] : memref<320000xi32, #tpu.memory_space<hbm>> -> memref<80xi32, #tpu.memory_space<hbm>>
    tpu.wait_dma2 semaphore(%arg25 : memref<!tpu.dma_semaphore, #tpu.memory_space<semaphore_mem>>) src(%dma_wait3A_175 : memref<80xi32, #tpu.memory_space<hbm>>) dst(%arg11 : memref<80xi32, #tpu.memory_space<vmem>>)
    %parallel_loop3A_176 = arith.constant 0 : i32
    %parallel_loop3A_177 = arith.constant 80 : i32
    %parallel_loop3A_178 = arith.constant 1 : i32
    scf.for %parallel_loop3A_196 = %parallel_loop3A_176 to %parallel_loop3A_177 step %parallel_loop3A_178  : i32 {
      %parallel_loop3A_197 = arith.index_cast %parallel_loop3A_196 : i32 to index
      %parallel_loop3A_198 = tpu.vector_load %arg14[%parallel_loop3A_197] {strides = array<i32>} : memref<96xf32, #tpu.memory_space<vmem>>, vector<16xf32>,
      %parallel_loop3A_199 = vector.shape_cast %parallel_loop3A_198 : vector<16xf32> to vector<16xf32>
      %parallel_loop3A_200 = arith.constant 0 : i32
      %parallel_loop3A_201 = vector.broadcast %parallel_loop3A_200 : i32 to vector<16x1xi32>
      %parallel_loop3A_202 = vector.shape_cast %parallel_loop3A_201 : vector<16x1xi32> to vector<16xi32>
      %parallel_loop3A_203 = tpu.dynamic_gather %parallel_loop3A_199[%parallel_loop3A_202] in [0] : vector<16xf32>, vector<16xi32> -> vector<16xf32>
      %parallel_loop3A_204 = arith.index_cast %parallel_loop3A_196 : i32 to index
      %parallel_loop3A_205 = arith.constant 0 : index
      %parallel_loop3A_206 = tpu.vector_load %arg17[%parallel_loop3A_204, %parallel_loop3A_205] {strides = array<i32>} : memref<80x128xf32, #tpu.memory_space<vmem>>, vector<1x16xf32>,
      %parallel_loop3A_207 = vector.shape_cast %parallel_loop3A_206 : vector<1x16xf32> to vector<16xf32>
      %parallel_loop3A_208 = arith.mulf %parallel_loop3A_207, %parallel_loop3A_203 : vector<16xf32>
      %parallel_loop3A_209 = arith.index_cast %parallel_loop3A_196 : i32 to index
      %parallel_loop3A_210 = arith.constant 0 : index
      %parallel_loop3A_211 = tpu.vector_load %arg17[%parallel_loop3A_209, %parallel_loop3A_210] {strides = array<i32>} : memref<80x128xf32, #tpu.memory_space<vmem>>, vector<1x16xf32>,
      %parallel_loop3A_212 = vector.shape_cast %parallel_loop3A_211 : vector<1x16xf32> to vector<16xf32>
      %parallel_loop3A_213 = vector.shape_cast %parallel_loop3A_208 : vector<16xf32> to vector<1x16xf32>
      tpu.vector_store %arg17[%parallel_loop3A_209, %parallel_loop3A_210], %parallel_loop3A_213 {strides = array<i32>} : memref<80x128xf32, #tpu.memory_space<vmem>>, vector<1x16xf32>,
      %parallel_loop3A_214 = arith.index_cast %parallel_loop3A_196 : i32 to index
      %parallel_loop3A_215 = arith.constant 16 : index
      %parallel_loop3A_216 = tpu.vector_load %arg17[%parallel_loop3A_214, %parallel_loop3A_215] {strides = array<i32>} : memref<80x128xf32, #tpu.memory_space<vmem>>, vector<1x16xf32>,
      %parallel_loop3A_217 = vector.shape_cast %parallel_loop3A_216 : vector<1x16xf32> to vector<16xf32>
      %parallel_loop3A_218 = arith.mulf %parallel_loop3A_217, %parallel_loop3A_203 : vector<16xf32>
      %parallel_loop3A_219 = arith.index_cast %parallel_loop3A_196 : i32 to index
      %parallel_loop3A_220 = arith.constant 16 : index
      %parallel_loop3A_221 = tpu.vector_load %arg17[%parallel_loop3A_219, %parallel_loop3A_220] {strides = array<i32>} : memref<80x128xf32, #tpu.memory_space<vmem>>, vector<1x16xf32>,
      %parallel_loop3A_222 = vector.shape_cast %parallel_loop3A_221 : vector<1x16xf32> to vector<16xf32>
      %parallel_loop3A_223 = vector.shape_cast %parallel_loop3A_218 : vector<16xf32> to vector<1x16xf32>
      tpu.vector_store %arg17[%parallel_loop3A_219, %parallel_loop3A_220], %parallel_loop3A_223 {strides = array<i32>} : memref<80x128xf32, #tpu.memory_space<vmem>>, vector<1x16xf32>,
      %parallel_loop3A_224 = arith.index_cast %parallel_loop3A_196 : i32 to index
      %parallel_loop3A_225 = arith.constant 32 : index
      %parallel_loop3A_226 = tpu.vector_load %arg17[%parallel_loop3A_224, %parallel_loop3A_225] {strides = array<i32>} : memref<80x128xf32, #tpu.memory_space<vmem>>, vector<1x16xf32>,
      %parallel_loop3A_227 = vector.shape_cast %parallel_loop3A_226 : vector<1x16xf32> to vector<16xf32>
      %parallel_loop3A_228 = arith.mulf %parallel_loop3A_227, %parallel_loop3A_203 : vector<16xf32>
      %parallel_loop3A_229 = arith.index_cast %parallel_loop3A_196 : i32 to index
      %parallel_loop3A_230 = arith.constant 32 : index
      %parallel_loop3A_231 = tpu.vector_load %arg17[%parallel_loop3A_229, %parallel_loop3A_230] {strides = array<i32>} : memref<80x128xf32, #tpu.memory_space<vmem>>, vector<1x16xf32>,
      %parallel_loop3A_232 = vector.shape_cast %parallel_loop3A_231 : vector<1x16xf32> to vector<16xf32>
      %parallel_loop3A_233 = vector.shape_cast %parallel_loop3A_228 : vector<16xf32> to vector<1x16xf32>
      tpu.vector_store %arg17[%parallel_loop3A_229, %parallel_loop3A_230], %parallel_loop3A_233 {strides = array<i32>} : memref<80x128xf32, #tpu.memory_space<vmem>>, vector<1x16xf32>,
      %parallel_loop3A_234 = arith.index_cast %parallel_loop3A_196 : i32 to index
      %parallel_loop3A_235 = arith.constant 48 : index
      %parallel_loop3A_236 = tpu.vector_load %arg17[%parallel_loop3A_234, %parallel_loop3A_235] {strides = array<i32>} : memref<80x128xf32, #tpu.memory_space<vmem>>, vector<1x16xf32>,
      %parallel_loop3A_237 = vector.shape_cast %parallel_loop3A_236 : vector<1x16xf32> to vector<16xf32>
      %parallel_loop3A_238 = arith.mulf %parallel_loop3A_237, %parallel_loop3A_203 : vector<16xf32>
      %parallel_loop3A_239 = arith.index_cast %parallel_loop3A_196 : i32 to index
      %parallel_loop3A_240 = arith.constant 48 : index
      %parallel_loop3A_241 = tpu.vector_load %arg17[%parallel_loop3A_239, %parallel_loop3A_240] {strides = array<i32>} : memref<80x128xf32, #tpu.memory_space<vmem>>, vector<1x16xf32>,
      %parallel_loop3A_242 = vector.shape_cast %parallel_loop3A_241 : vector<1x16xf32> to vector<16xf32>
      %parallel_loop3A_243 = vector.shape_cast %parallel_loop3A_238 : vector<16xf32> to vector<1x16xf32>
      tpu.vector_store %arg17[%parallel_loop3A_239, %parallel_loop3A_240], %parallel_loop3A_243 {strides = array<i32>} : memref<80x128xf32, #tpu.memory_space<vmem>>, vector<1x16xf32>,
      %parallel_loop3A_244 = arith.index_cast %parallel_loop3A_196 : i32 to index
      %parallel_loop3A_245 = arith.constant 64 : index
      %parallel_loop3A_246 = tpu.vector_load %arg17[%parallel_loop3A_244, %parallel_loop3A_245] {strides = array<i32>} : memref<80x128xf32, #tpu.memory_space<vmem>>, vector<1x16xf32>,
      %parallel_loop3A_247 = vector.shape_cast %parallel_loop3A_246 : vector<1x16xf32> to vector<16xf32>
      %parallel_loop3A_248 = arith.mulf %parallel_loop3A_247, %parallel_loop3A_203 : vector<16xf32>
      %parallel_loop3A_249 = arith.index_cast %parallel_loop3A_196 : i32 to index
      %parallel_loop3A_250 = arith.constant 64 : index
      %parallel_loop3A_251 = tpu.vector_load %arg17[%parallel_loop3A_249, %parallel_loop3A_250] {strides = array<i32>} : memref<80x128xf32, #tpu.memory_space<vmem>>, vector<1x16xf32>,
      %parallel_loop3A_252 = vector.shape_cast %parallel_loop3A_251 : vector<1x16xf32> to vector<16xf32>
      %parallel_loop3A_253 = vector.shape_cast %parallel_loop3A_248 : vector<16xf32> to vector<1x16xf32>
      tpu.vector_store %arg17[%parallel_loop3A_249, %parallel_loop3A_250], %parallel_loop3A_253 {strides = array<i32>} : memref<80x128xf32, #tpu.memory_space<vmem>>, vector<1x16xf32>,
      %parallel_loop3A_254 = arith.index_cast %parallel_loop3A_196 : i32 to index
      %parallel_loop3A_255 = arith.constant 80 : index
      %parallel_loop3A_256 = tpu.vector_load %arg17[%parallel_loop3A_254, %parallel_loop3A_255] {strides = array<i32>} : memref<80x128xf32, #tpu.memory_space<vmem>>, vector<1x16xf32>,
      %parallel_loop3A_257 = vector.shape_cast %parallel_loop3A_256 : vector<1x16xf32> to vector<16xf32>
      %parallel_loop3A_258 = arith.mulf %parallel_loop3A_257, %parallel_loop3A_203 : vector<16xf32>
      %parallel_loop3A_259 = arith.index_cast %parallel_loop3A_196 : i32 to index
      %parallel_loop3A_260 = arith.constant 80 : index
      %parallel_loop3A_261 = tpu.vector_load %arg17[%parallel_loop3A_259, %parallel_loop3A_260] {strides = array<i32>} : memref<80x128xf32, #tpu.memory_space<vmem>>, vector<1x16xf32>,
      %parallel_loop3A_262 = vector.shape_cast %parallel_loop3A_261 : vector<1x16xf32> to vector<16xf32>
      %parallel_loop3A_263 = vector.shape_cast %parallel_loop3A_258 : vector<16xf32> to vector<1x16xf32>
      tpu.vector_store %arg17[%parallel_loop3A_259, %parallel_loop3A_260], %parallel_loop3A_263 {strides = array<i32>} : memref<80x128xf32, #tpu.memory_space<vmem>>, vector<1x16xf32>,
      %parallel_loop3A_264 = arith.index_cast %parallel_loop3A_196 : i32 to index
      %parallel_loop3A_265 = arith.constant 96 : index
      %parallel_loop3A_266 = tpu.vector_load %arg17[%parallel_loop3A_264, %parallel_loop3A_265] {strides = array<i32>} : memref<80x128xf32, #tpu.memory_space<vmem>>, vector<1x16xf32>,
      %parallel_loop3A_267 = vector.shape_cast %parallel_loop3A_266 : vector<1x16xf32> to vector<16xf32>
      %parallel_loop3A_268 = arith.mulf %parallel_loop3A_267, %parallel_loop3A_203 : vector<16xf32>
      %parallel_loop3A_269 = arith.index_cast %parallel_loop3A_196 : i32 to index
      %parallel_loop3A_270 = arith.constant 96 : index
      %parallel_loop3A_271 = tpu.vector_load %arg17[%parallel_loop3A_269, %parallel_loop3A_270] {strides = array<i32>} : memref<80x128xf32, #tpu.memory_space<vmem>>, vector<1x16xf32>,
      %parallel_loop3A_272 = vector.shape_cast %parallel_loop3A_271 : vector<1x16xf32> to vector<16xf32>
      %parallel_loop3A_273 = vector.shape_cast %parallel_loop3A_268 : vector<16xf32> to vector<1x16xf32>
      tpu.vector_store %arg17[%parallel_loop3A_269, %parallel_loop3A_270], %parallel_loop3A_273 {strides = array<i32>} : memref<80x128xf32, #tpu.memory_space<vmem>>, vector<1x16xf32>,
      %parallel_loop3A_274 = arith.index_cast %parallel_loop3A_196 : i32 to index
      %parallel_loop3A_275 = arith.constant 112 : index
      %parallel_loop3A_276 = tpu.vector_load %arg17[%parallel_loop3A_274, %parallel_loop3A_275] {strides = array<i32>} : memref<80x128xf32, #tpu.memory_space<vmem>>, vector<1x16xf32>,
      %parallel_loop3A_277 = vector.shape_cast %parallel_loop3A_276 : vector<1x16xf32> to vector<16xf32>
      %parallel_loop3A_278 = arith.mulf %parallel_loop3A_277, %parallel_loop3A_203 : vector<16xf32>
      %parallel_loop3A_279 = arith.index_cast %parallel_loop3A_196 : i32 to index
      %parallel_loop3A_280 = arith.constant 112 : index
      %parallel_loop3A_281 = tpu.vector_load %arg17[%parallel_loop3A_279, %parallel_loop3A_280] {strides = array<i32>} : memref<80x128xf32, #tpu.memory_space<vmem>>, vector<1x16xf32>,
      %parallel_loop3A_282 = vector.shape_cast %parallel_loop3A_281 : vector<1x16xf32> to vector<16xf32>
      %parallel_loop3A_283 = vector.shape_cast %parallel_loop3A_278 : vector<16xf32> to vector<1x16xf32>
      tpu.vector_store %arg17[%parallel_loop3A_279, %parallel_loop3A_280], %parallel_loop3A_283 {strides = array<i32>} : memref<80x128xf32, #tpu.memory_space<vmem>>, vector<1x16xf32>,
    } {sc.loop_unroll_factor = 8 : i64, sc.parallel_access}
    %dma_start3A_179 = arith.constant 0 : i32
    %dma_start3A_180 = arith.constant 0 : i32
    %dma_start3A_181 = tpu.memref_slice %arg20[%dma_start3A_179, %dma_start3A_180] : memref<10240x128xf32, #tpu.memory_space<vmem_shared>> -> memref<10240x128xf32, #tpu.memory_space<vmem_shared>>
    tpu.enqueue_indirect_dma source(%arg17 : memref<80x128xf32, #tpu.memory_space<vmem>>) target(%dma_start3A_181 : memref<10240x128xf32, #tpu.memory_space<vmem_shared>>) offsets(%arg11 : memref<80xi32, #tpu.memory_space<vmem>>) semaphore(%arg31 : memref<!tpu.dma_semaphore, #tpu.memory_space<semaphore_mem>>) {add = true}
    %dma_wait3A_182 = arith.constant 0 : i32
    %dma_wait3A_183 = arith.constant 0 : i32
    %dma_wait3A_184 = tpu.memref_slice %arg20[%dma_wait3A_182, %dma_wait3A_183] : memref<10240x128xf32, #tpu.memory_space<vmem_shared>> -> memref<10240x128xf32, #tpu.memory_space<vmem_shared>>
    tpu.wait_indirect_dma semaphore(%arg30 : memref<!tpu.dma_semaphore, #tpu.memory_space<semaphore_mem>>) src(%arg16 : memref<80x128xf32, #tpu.memory_space<vmem>>) dst(%dma_wait3A_184 : memref<10240x128xf32, #tpu.memory_space<vmem_shared>>)
    %dma_wait3A_185 = arith.constant 0 : i32
    %dma_wait3A_186 = arith.constant 0 : i32
    %dma_wait3A_187 = tpu.memref_slice %arg20[%dma_wait3A_185, %dma_wait3A_186] : memref<10240x128xf32, #tpu.memory_space<vmem_shared>> -> memref<10240x128xf32, #tpu.memory_space<vmem_shared>>
    tpu.wait_indirect_dma semaphore(%arg31 : memref<!tpu.dma_semaphore, #tpu.memory_space<semaphore_mem>>) src(%arg17 : memref<80x128xf32, #tpu.memory_space<vmem>>) dst(%dma_wait3A_187 : memref<10240x128xf32, #tpu.memory_space<vmem_shared>>)
    %dma_wait3A_188 = arith.constant 0 : i32
    %dma_wait3A_189 = arith.constant 0 : i32
    %dma_wait3A_190 = tpu.memref_slice %arg20[%dma_wait3A_188, %dma_wait3A_189] : memref<10240x128xf32, #tpu.memory_space<vmem_shared>> -> memref<10240x128xf32, #tpu.memory_space<vmem_shared>>
    tpu.wait_indirect_dma semaphore(%arg32 : memref<!tpu.dma_semaphore, #tpu.memory_space<semaphore_mem>>) src(%arg18 : memref<80x128xf32, #tpu.memory_space<vmem>>) dst(%dma_wait3A_190 : memref<10240x128xf32, #tpu.memory_space<vmem_shared>>)
    %barrier3A_191 = arith.constant 0 : index
    tpu.barrier barrier_id(%barrier3A_191)
    %mul3A_192 = arith.constant 640 : i32
    %mul3A_193 = arith.muli %arg1, %mul3A_192 : i32
    %mul3A_194 = arith.constant 640 : i32
    %mul3A_195 = arith.muli %arg1, %mul3A_194 : i32
    "tpu.region"() ({
      %run_scoped3A = tpu.sem_alloc : memref<!tpu.dma_semaphore, #tpu.memory_space<semaphore_mem>>
      %dma_start3A_196 = arith.constant 0 : i32
      %dma_start3A_197 = tpu.memref_slice %arg6[%arg0, %mul3A_195, %dma_start3A_196] : memref<2x10240x128xf32, #tpu.memory_space<hbm>> -> memref<1x640x128xf32, #tpu.memory_space<hbm>>
      %dma_start3A_198 = tpu.memref_squeeze %dma_start3A_197 : memref<1x640x128xf32, #tpu.memory_space<hbm>> -> memref<640x128xf32, #tpu.memory_space<hbm>>
      %dma_start3A_199 = arith.constant 0 : i32
      %dma_start3A_200 = tpu.memref_slice %arg20[%mul3A_193, %dma_start3A_199] : memref<10240x128xf32, #tpu.memory_space<vmem_shared>> -> memref<640x128xf32, #tpu.memory_space<vmem_shared>>
      tpu.enqueue_dma source(%dma_start3A_200 : memref<640x128xf32, #tpu.memory_space<vmem_shared>>) target(%dma_start3A_198 : memref<640x128xf32, #tpu.memory_space<hbm>>) target_semaphore(%run_scoped3A : memref<!tpu.dma_semaphore, #tpu.memory_space<semaphore_mem>>)
      %dma_wait3A_201 = arith.constant 0 : i32
      %dma_wait3A_202 = tpu.memref_slice %arg6[%arg0, %mul3A_195, %dma_wait3A_201] : memref<2x10240x128xf32, #tpu.memory_space<hbm>> -> memref<1x640x128xf32, #tpu.memory_space<hbm>>
      %dma_wait3A_203 = tpu.memref_squeeze %dma_wait3A_202 : memref<1x640x128xf32, #tpu.memory_space<hbm>> -> memref<640x128xf32, #tpu.memory_space<hbm>>
      %dma_wait3A_204 = arith.constant 0 : i32
      %dma_wait3A_205 = tpu.memref_slice %arg20[%mul3A_193, %dma_wait3A_204] : memref<10240x128xf32, #tpu.memory_space<vmem_shared>> -> memref<640x128xf32, #tpu.memory_space<vmem_shared>>
      tpu.wait_dma2 semaphore(%run_scoped3A : memref<!tpu.dma_semaphore, #tpu.memory_space<semaphore_mem>>) src(%dma_wait3A_205 : memref<640x128xf32, #tpu.memory_space<vmem_shared>>) dst(%dma_wait3A_203 : memref<640x128xf32, #tpu.memory_space<hbm>>)
      tpu.yield
    }) : () -> ()
    return
  }
}

module attributes {stable_mosaic.version = 14 : i64} {
  func.func @body(%arg0: i32, %arg1: memref<2x1000x128xf32, #tpu.memory_space<vmem>>, %arg2: memref<1x128xf32, #tpu.memory_space<vmem>>, %arg3: memref<1000x128xf32, #tpu.memory_space<vmem>>) attributes {dimension_semantics = [#tpu.dimension_semantics<arbitrary>], iteration_bounds = array<i64: 10>, scalar_prefetch = 0 : i64, scratch_operands = 0 : i64, tpu.core_type = #tpu.core_type<tc>, window_params = [{transform_indices = @transform_0, window_bounds = array<i64: 2, 1000, 128>}, {pipeline_mode = #tpu.pipeline_mode<synchronous>, transform_indices = @transform_1, window_bounds = array<i64: 1, 128>}, {transform_indices = @transform_2, window_bounds = array<i64: 1000, 128>}]} {
    %get3A = arith.constant 0 : index
    %get3A_0 = arith.constant 0 : index
    %get3A_1 = arith.constant 0 : index
    %get3A_2 = vector.load %arg1[%get3A, %get3A_0, %get3A_1] : memref<2x1000x128xf32, #tpu.memory_space<vmem>>, vector<1x1000x128xf32>
    %get3A_3 = vector.shape_cast %get3A_2 : vector<1x1000x128xf32> to vector<1000x128xf32>
    %get3A_4 = arith.constant 1 : index
    %get3A_5 = arith.constant 0 : index
    %get3A_6 = arith.constant 0 : index
    %get3A_7 = vector.load %arg1[%get3A_4, %get3A_5, %get3A_6] : memref<2x1000x128xf32, #tpu.memory_space<vmem>>, vector<1x1000x128xf32>
    %get3A_8 = vector.shape_cast %get3A_7 : vector<1x1000x128xf32> to vector<1000x128xf32>
    %add3A = arith.addf %get3A_3, %get3A_8 : vector<1000x128xf32>
    %get3A_9 = arith.constant 0 : index
    %get3A_10 = arith.constant 0 : index
    %get3A_11 = vector.load %arg2[%get3A_9, %get3A_10] : memref<1x128xf32, #tpu.memory_space<vmem>>, vector<1x128xf32>
    %mul3A = vector.broadcast %get3A_11 : vector<1x128xf32> to vector<1000x128xf32>
    %mul3A_12 = arith.mulf %add3A, %mul3A : vector<1000x128xf32>
    %swap3A = arith.constant 0 : index
    %swap3A_13 = arith.constant 0 : index
    %swap3A_14 = vector.load %arg3[%swap3A, %swap3A_13] : memref<1000x128xf32, #tpu.memory_space<vmem>>, vector<1000x128xf32>
    tpu.vector_store %arg3[%swap3A, %swap3A_13], %mul3A_12 {strides = array<i32>} : memref<1000x128xf32, #tpu.memory_space<vmem>>, vector<1000x128xf32>,
    return
  }
  func.func @transform_0(%arg0: i32) -> (i32, i32, i32) {
    %c0_i32 = arith.constant 0 : i32
    %c0_i32_0 = arith.constant 0 : i32
    %c0_i32_1 = arith.constant 0 : i32
    return %c0_i32, %arg0, %c0_i32_0 : i32, i32, i32
  }
  func.func @transform_1(%arg0: i32) -> (i32, i32) {
    %c0_i32 = arith.constant 0 : i32
    %c0_i32_0 = arith.constant 0 : i32
    %c0_i32_1 = arith.constant 0 : i32
    return %c0_i32, %c0_i32_0 : i32, i32
  }
  func.func @transform_2(%arg0: i32) -> (i32, i32) {
    %c0_i32 = arith.constant 0 : i32
    %c0_i32_0 = arith.constant 0 : i32
    return %arg0, %c0_i32 : i32, i32
  }
}

</mosaic_0001>

<sc_bundles>
// kernel: kernel.4.cloned.1.call-start
scs
__scs_entry_jumppad:
0x0: {  	(pc) =	sbr.rel $0x88, $3  }
0x1: {  	(tag) =	ssettag $0x0;
	lr =	simm.s32 $0x1  }
0x2: {  	[smem:$0x3F9D] =	sst lr;
	_ =	strace $0xD0000000  }
0x3: {  	_ = 	snop  }
0x4: {  	_ = 	snop  }
0x5: {  	_ = 	snop  }
0x6: {  	_ = 	snop  }
0x7: {  	_ = 	snop  }
__scs_overlays_trampoline_lowered:
0x8: {  	[smem:$0x3FAC] =	sst s0  }
0x9: {  	[smem:$0x3FAD] =	sst s1  }
0xa: {  	[smem:$0x3FAE] =	sst s2  }
0xb: {  	[smem:$0x3FAF] =	sst s3  }
0xc: {  	[smem:$0x3FB0] =	sst s4  }
0xd: {  	[smem:$0x3FB1] =	sst s5  }
0xe: {  	[smem:$0x3FB2] =	sst s6  }
0xf: {  	[smem:$0x3FB3] =	sst s7  }
0x10: {  	[smem:$0x3FB4] =	sst s8  }
0x11: {  	[smem:$0x3FB5] =	sst s9;
	s0 =	simm.s32 @!p0 $0x0  }
0x12: {  	s1 =	sld [smem:$0x3F9B];
	s0 =	simm.s32 @p0 $0x1  }
0x13: {  	[smem:$0x3FB6] =	sst s0;
	s0 =	simm.s32 @!p1 $0x0  }
0x14: {  	s2 =	sld [smem:$0x3F9A];
	s0 =	simm.s32 @p1 $0x1  }
0x15: {  	[smem:$0x3FB7] =	sst s0;
	s0 =	simm.s32 @!p2 $0x0  }
0x16: {  	s3 =	sld [smem:$0x3FDB];
	s0 =	simm.s32 @p2 $0x1  }
0x17: {  	s4 =	simm.s32 $0x1BF5;
	[smem:$0x3FB9] =	sst s0  }
0x18: {  	s0 =	sld [smem:$0x3F9C];
	_ =	swait.ge [sflag:s4], $0x0  }
0x19: {  	s7 =	sld [smem:$0x3F9D]  }
0x1a: {  	s8 =	sadd.s32 $0xFFFFE003, lr  }
0x1b: {  	s9 =	sadd.s32 $0xFFFFFEF7, lr;
	s5 =	simm.s32 $0xFFFFFFFF;
	p2 =	slt.u32 s8, $0xFFFFF086  }
0x1c: {  	p1 =	slt.u32 s9, $0xF7A;
	s5 =	simm.s32 @!p2 $0x0  }
0x1d: {  	s5 =	simm.s32 @p1 $0x1;
	p0 =	seq.s32 s7, s2  }
0x1e: {  	s7 =	smul.u32 @!p0 $0xF7A, s2;
	p2 =	seq.s32 @!p0 s5, $0x0  }
0x1f: {  	s9 =	smul.u32 $0xF7A, s1;
	s8 =	simm.s32 @!p0 $0x1BF5;
	p2 =	por !p2, p0  }
0x20: {  	[sflag:s8] =	ssyncset.s32 @!p0 $0xFFFFF086;
	s6 =	sadd.s32 @!p0 s3, s7;
	s7 =	simm.s32 @!p0 $0x108  }
0x21: {  	s3 =	sadd.s32 s3, s9;
	s6 =	sadd.s32 @!p0 $0x88, s6;
	s7 =	simm.s32 @p2 $0x1082  }
0x22: {  	[simem:s7], [sflag:s8] =	dma.local @!p0 [hbm:s6], $0xF7A  }
0x23: {  	s9 =	sor.u32 $0xD0000000, s2;
	s6 =	simm.s32 $0x108;
	_ =	swait.ge @!p0 [sflag:s8], $0x0  }
0x24: {  	s3 =	sadd.s32 $0x88, s3;
	s6 =	simm.s32 @!p1 $0x1082;
	[sflag:s4] =	ssyncset.s32 $0xFFFFF086  }
0x25: {  	[simem:s6], [sflag:s4] =	dma.local [hbm:s3], $0xF7A  }
0x26: {  	[smem:$0x3F9D] =	sst s1;
	(tag) =	ssettag s2;
	_ =	strace s9  }
0x27: {  	s1 =	sld [smem:$0x3FAD]  }
0x28: {  	s2 =	sld [smem:$0x3FAE]  }
0x29: {  	s4 =	sld [smem:$0x3FB0]  }
0x2a: {  	p0 =	seq.s32 s5, $0x0;
	s5 =	sld [smem:$0x3FB1]  }
0x2b: {  	s6 =	sld [smem:$0x3FB2]  }
0x2c: {  	s7 =	sld [smem:$0x3FB3]  }
0x2d: {  	s3 =	simm.s32 $0x108;
	s8 =	sld [smem:$0x3FB4]  }
0x2e: {  	s3 =	simm.s32 @!p0 $0x1082;
	s9 =	sld [smem:$0x3FB5]  }
0x2f: {  	lr =	sadd.s32 s0, s3;
	s0 =	sld [smem:$0x3FAC]  }
0x30: {  	s3 =	sld [smem:$0x3FAF]  }
0x31: {  	[smem:$0x3FB8] =	sst s10  }
0x32: {  	s10 =	sld [smem:$0x3FB6];
	_ =	sdelay $0x3  }
0x33: {  	p0 =	seq.s32 s10, $0x1;
	s10 =	sld [smem:$0x3FB8];
	_ =	sdelay $0x3  }
0x34: {  	[smem:$0x3FB8] =	sst s10  }
0x35: {  	s10 =	sld [smem:$0x3FB7];
	_ =	sdelay $0x3  }
0x36: {  	p1 =	seq.s32 s10, $0x1;
	s10 =	sld [smem:$0x3FB8];
	_ =	sdelay $0x3  }
0x37: {  	[smem:$0x3FB8] =	sst s10  }
0x38: {  	s10 =	sld [smem:$0x3FB9]  }
0x39: {  	_ = 	snop;
	(pc) =	sbr.ind lr, $3  }
0x3a: {  	_ = 	snop  }
0x3b: {  	_ = 	snop  }
0x3c: {  	p2 =	seq.s32 s10, $0x1;
	s10 =	sld [smem:$0x3FB8]  }
0x3d: {  	_ =	shalt  }
0x3e: {  	_ =	shalt  }
0x3f: {  	_ =	shalt  }
0x40: {  	_ =	shalt  }
0x41: {  	_ =	shalt  }
0x42: {  	_ =	shalt  }
0x43: {  	_ =	shalt  }
0x44: {  	_ =	shalt  }
0x45: {  	_ =	shalt  }
0x46: {  	_ =	shalt  }
0x47: {  	_ =	shalt  }
0x48: {  	_ =	shalt  }
0x49: {  	_ =	shalt  }
0x4a: {  	_ =	shalt  }
0x4b: {  	_ =	shalt  }
0x4c: {  	_ =	shalt  }
0x4d: {  	_ =	shalt  }
0x4e: {  	_ =	shalt  }
0x4f: {  	_ =	shalt  }
0x50: {  	_ =	shalt  }
0x51: {  	_ =	shalt  }
0x52: {  	_ =	shalt  }
0x53: {  	_ =	shalt  }
0x54: {  	_ =	shalt  }
0x55: {  	_ =	shalt  }
0x56: {  	_ =	shalt  }
0x57: {  	_ =	shalt  }
0x58: {  	_ =	shalt  }
0x59: {  	_ =	shalt  }
0x5a: {  	_ =	shalt  }
0x5b: {  	_ =	shalt  }
0x5c: {  	_ =	shalt  }
0x5d: {  	_ =	shalt  }
0x5e: {  	_ =	shalt  }
0x5f: {  	_ =	shalt  }
0x60: {  	_ =	shalt  }
0x61: {  	_ =	shalt  }
0x62: {  	_ =	shalt  }
0x63: {  	_ =	shalt  }
0x64: {  	_ =	shalt  }
0x65: {  	_ =	shalt  }
0x66: {  	_ =	shalt  }
0x67: {  	_ =	shalt  }
0x68: {  	_ =	shalt  }
0x69: {  	_ =	shalt  }
0x6a: {  	_ =	shalt  }
0x6b: {  	_ =	shalt  }
0x6c: {  	_ =	shalt  }
0x6d: {  	_ =	shalt  }
0x6e: {  	_ =	shalt  }
0x6f: {  	_ =	shalt  }
0x70: {  	_ =	shalt  }
0x71: {  	_ =	shalt  }
0x72: {  	_ =	shalt  }
0x73: {  	_ =	shalt  }
0x74: {  	_ =	shalt  }
0x75: {  	_ =	shalt  }
0x76: {  	_ =	shalt  }
0x77: {  	_ =	shalt  }
0x78: {  	_ =	shalt  }
0x79: {  	_ =	shalt  }
0x7a: {  	_ =	shalt  }
0x7b: {  	_ =	shalt  }
0x7c: {  	_ =	shalt  }
0x7d: {  	_ =	shalt  }
0x7e: {  	_ =	shalt  }
0x7f: {  	_ =	shalt  }
0x80: {  	_ =	shalt  }
0x81: {  	_ =	shalt  }
0x82: {  	_ =	shalt  }
0x83: {  	_ =	shalt  }
0x84: {  	_ =	shalt  }
0x85: {  	_ =	shalt  }
0x86: {  	_ =	shalt  }
0x87: {  	_ =	shalt  }
.Lfunc_end0:
.L_simem_size_0:
called_computation_lowered:
.L_overlay_start_0:
0x88: {  	s2 =	sld [smem:$0x3FD9]  }
0x89: {  	s3 =	sld [smem:$0x3FFE];
	_ =	sdelay $0x1  }
0x8a: {  	s1 =	srdreg.scid  }
0x8b: {  	s0 =	sand.u32 $0x1, s1  }
0x8c: {  	s17 =	sshll.u32 s0, $0xA;
	s2 =	sadd.s32 s3, s2  }
0x8d: {  	s2 =	sadd.s32 s2, s17  }
0x8e: {  	[smem:$0x3FC4] =	sst s2  }
0x8f: {  	_ = 	snop  }
0x90: {  	s2 =	sld [smem:$0x3FC9]  }
0x91: {  	s18 =	sld [smem:$0x3FC7]  }
0x92: {  	s4 =	sld [smem:$0x3FD0];
	(tm) =	ssettm $0x1  }
0x93: {  	s5 =	sld [smem:$0x3FFB];
	_ =	sdelay $0x3  }
0x94: {  	_ =	strace s5  }
0x95: {  	s5 =	sld [smem:$0x3FFC];
	_ =	sdelay $0x3  }
0x96: {  	_ =	strace s5  }
0x97: {  	s5 =	sld [smem:$0x3FFD];
	_ =	sdelay $0x3  }
0x98: {  	_ =	strace s5  }
0x99: {  	_ =	strace $0x8FFFFFFF  }
0x9a: {  	s19 =	sld [smem:$0x3FDB];
	_ =	sdelay $0x1  }
0x9b: {  	s6 =	simm.s32 $_scs_section_size  }
0x9c: {  	s7 =	simm.s32 $_size__tile_overlayer_lowered;
	s8 =	simm.s32 $_tile_overlayer_lowered  }
0x9d: {  	s22 =	simm.s32 $0x1BFF;
	s21 =	sshll.u32 s8, $0x1;
	s5 =	sadd.s32 s6, s19  }
0x9e: {  	s9 =	simm.s32 $0x0;
	s20 =	sshll.u32 s7, $0x1;
	s7 =	sadd.s32 s21, s5  }
0x9f: {  	[timem:s9], [sflag:s22] =	dma.local [hbm:s7], s20  }
0xa0: {  	_ =	swait.ge [sflag:s22], s20  }
0xa1: {  	s6 =	ssub.s32 $0x0, s20;
	[sflag:s22] =	ssyncset.done $0x0  }
0xa2: {  	[sflag:s22] =	ssyncadd.s32 s6;
	_ =	sdelay $0x1  }
0xa3: {  	s23 =	simm.s32 $0x1B8B  }
0xa4: {  	_ =	swait.ge [sflag:s23], $0x1  }
0xa5: {  	[sflag:s23] =	ssyncset.done $0x0  }
0xa6: {  	s25 =	simm.s32 $0x1B8E;
	s24 =	sld [smem:$0x3FFE];
	[sflag:s23] =	ssyncadd.s32 $0xFFFFFFFF  }
0xa7: {  	s26 =	simm.s32 $execute0_lowered;
	[smem:$0x3FD2] =	sst s25  }
0xa8: {  	s7 =	sshll.u32 s26, $0x1;
	_ =	strace $0x80000046;
	[dreg:$0x1] =	wrdreg $0xFFFFFFFF  }
0xa9: {  	s28 =	simm.s32 $_size_execute0_lowered;
	s5 =	sadd.s32 s5, s7;
	[dreg:$0x0] =	wrdreg $0x0  }
0xaa: {  	s7 =	sshll.u32 s28, $0x1;
	[dreg:$0x2] =	wrdreg s5  }
0xab: {  	[dreg:$0x3] =	wrdreg s7  }
0xac: {  	[dreg:$0x4] =	wrdreg $0xC0  }
0xad: {  	_ =	task [dreg:s9], $0x5FFFF  }
0xae: {  	[dreg:$0x1] =	wrdreg $0xFFFFFFFF  }
0xaf: {  	[dreg:$0x0] =	wrdreg $0x60  }
0xb0: {  	[dreg:$0x2] =	wrdreg s2  }
0xb1: {  	[dreg:$0x3] =	wrdreg s24  }
0xb2: {  	[dreg:$0x4] =	wrdreg s4  }
0xb3: {  	[dreg:$0x5] =	wrdreg s18  }
0xb4: {  	[dreg:$0x6] =	wrdreg $0x8C800  }
0xb5: {  	[dreg:$0x7] =	wrdreg $0x9  }
0xb6: {  	_ =	task.clear_ibuf [dreg:s9], $0x8FFFF;
	_ =	strace $0x90000046  }
0xb7: {  	s29 =	simm.s32 $0x9;
	_ =	strace $0x80000048  }
0xb8: {  	_ =	swait.ge [sflag:s29], $0x1  }
0xb9: {  	[sflag:s29] =	ssyncadd.s32 $0xFFFFFFFF  }
0xba: {  	_ =	strace $0x90000048  }
0xbb: {  	_ =	sfence  }
0xbc: {  	s30 =	sld [smem:$0x0];
	_ =	sdelay $0x2  }
0xbd: {  	s31 =	sshll.u32 s1, $0xD;
	s1 =	sshrl.u32 s1, $0x2  }
0xbe: {  	s3 =	sand.u32 $0x4000, s31;
	s1 =	sadd.s32 s1, s30  }
0xbf: {  	s0 =	sor.u32 s3, s0;
	s1 =	sshll.u32 s1, $0x11  }
0xc0: {  	s0 =	sor.u32 s1, s0  }
0xc1: {  	s0 =	sadd.s32 $0x8F2B, s0  }
0xc2: {  	[sflag:s0] =	ssyncadd.remote.s32 $0x1  }
0xc3: {  	_ =	sfence.sel $0xFFFF  }
0xc4: {  	[dreg:$0x0] =	wrdreg $0xFFFFFFFF;
	(pc) =	sbr.abs _section_cstart, $3  }
0xc5: {  	[dreg:$0x1] =	wrdreg $0xFFFFFFFF  }
0xc6: {  	_ =	task.clear_ibuf [dreg:s9], $0x2FFFF;
	_ =	strace $0x9FFFFFFF  }
0xc7: {  	(tm) =	ssettm $0x7FFFFFFF  }
tec
execute0_lowered:
.L_overlay_start_1:
0x0: {  	(tag) =	ssettag $0x1  }
0x1: {  	s0 =	rddreg [dreg:$0x0]  }
0x2: {  	s1 =	rddreg [dreg:$0x1]  }
0x3: {  	s3 =	rddreg [dreg:$0x2];
	s2 =	srdreg.scid  }
0x4: {  	s5 =	rddreg [dreg:$0x3];
	s10 =	stileid.u32  }
0x5: {  	s2 =	sand.u32 $0x1, s2;
	s8 =	smul.u32 $0x14000, s10;
	s9 =	sshll.u32 s10, $0x1  }
0x6: {  	s4 =	smul.u32 $0x140000, s2;
	s16 =	sor.u32 s2, s9;
	s2 =	ssub.s32 $0x2, s2  }
0x7: {  	s6 =	rddreg [dreg:$0x4];
	s7 =	simm.s32 $0x0;
	s17 =	sshrl.u32 s2, $0x1  }
0x8: {  	s4 =	sadd.s32 s8, s4;
	s8 =	smul.u32 $0x2710, s16;
	s2 =	ssub.s32 s2, s17  }
0x9: {  	[smem:$0x7FF] =	sst s7;
	s2 =	smax.u32 s2, $0x1  }
0xa: {  	_ =	strace $0x80000047;
	s12 =	sadd.s32 $0xA0, s8;
	[dreg:$0x17] =	wrdreg s2  }
0xb: {  	s13 =	sadd.s32 $0xF0, s8;
	[dreg:$0x13] =	wrdreg s12  }
0xc: {  	s18 =	sshrl.u32 s8, $0x3;
	s8 =	sadd.s32 $0x140, s8;
	[dreg:$0x14] =	wrdreg s13  }
0xd: {  	s10 =	smul.u32 $0x50000, s10;
	s11 =	sadd.s32 s1, s18;
	[dreg:$0x15] =	wrdreg s8  }
0xe: {  	s4 =	sshrl.u32 s4, $0x3;
	s19 =	sadd.s32 s5, s18;
	[dreg:$0x6] =	wrdreg s11  }
0xf: {  	s4 =	sadd.s32 s4, s1;
	s9 =	sadd.s32 s3, s18;
	[dreg:$0x7] =	wrdreg s19  }
0x10: {  	s22 =	sshrl.u32 s10, $0x2;
	s4 =	sadd.s32 $0x9E00, s4;
	[dreg:$0x8] =	wrdreg s9  }
0x11: {  	s20 =	sadd.s32 $0xA, s18;
	s18 =	sadd.s32 s22, s6;
	[dreg:$0x16] =	wrdreg s4  }
0x12: {  	s21 =	sadd.s32 s1, s20;
	[dreg:$0xc] =	wrdreg s18  }
0x13: {  	s23 =	sadd.s32 s5, s20;
	[dreg:$0x9] =	wrdreg s21  }
0x14: {  	s24 =	sadd.s32 s3, s20;
	[dreg:$0xa] =	wrdreg s23  }
0x15: {  	s9 =	sadd.s32 $0x1000, s18;
	[dreg:$0xb] =	wrdreg s24  }
0x16: {  	s25 =	sadd.s32 $0x2000, s18;
	[dreg:$0xd] =	wrdreg s9  }
0x17: {  	s26 =	sadd.s32 $0x3000, s18;
	[dreg:$0xe] =	wrdreg s25  }
0x18: {  	s30 =	sadd.s32 $0x4000, s18;
	[dreg:$0xf] =	wrdreg s26  }
0x19: {  	s10 =	sadd.s32 $0x5000, s18;
	[dreg:$0x10] =	wrdreg s30  }
0x1a: {  	s11 =	sadd.s32 $0x6000, s18;
	[dreg:$0x11] =	wrdreg s10  }
0x1b: {  	s14 =	sadd.s32 $0x7000, s18;
	[dreg:$0x12] =	wrdreg s11  }
0x1c: {  	s28 =	simm.s32 $0x2C80;
	s15 =	sadd.s32 $0x8000, s18;
	[dreg:$0x18] =	wrdreg s14  }
0x1d: {  	s31 =	simm.s32 $0x7;
	s16 =	sadd.s32 $0x9000, s18;
	[dreg:$0x19] =	wrdreg s15  }
0x1e: {  	s29 =	simm.s32 $0x9;
	s17 =	sadd.s32 $0xA000, s18;
	[dreg:$0x1a] =	wrdreg s16  }
0x1f: {  	s2 =	simm.s32 $0x4;
	s19 =	sadd.s32 $0xB000, s18;
	[dreg:$0x1b] =	wrdreg s17  }
0x20: {  	s12 =	simm.s32 $0x8;
	s20 =	sadd.s32 $0xC000, s18;
	[dreg:$0x1c] =	wrdreg s19  }
0x21: {  	s13 =	simm.s32 $0x5;
	s22 =	sadd.s32 $0xE000, s18;
	[dreg:$0x1d] =	wrdreg s20  }
0x22: {  	s8 =	simm.s32 $0x6;
	s21 =	sadd.s32 $0xD000, s18;
	[dreg:$0x1f] =	wrdreg s22  }
0x23: {  	s23 =	sadd.s32 $0xF000, s18;
	s24 =	sadd.s32 $0x10000, s18;
	s25 =	sadd.s32 $0x11000, s18  }
0x24: {  	s26 =	sadd.s32 $0x12000, s18;
	s30 =	sadd.s32 $0x13000, s18;
	[dreg:$0x1e] =	wrdreg s21  }
0x25: {  	s16 =	simm.s32 $0x180;
	s17 =	simm.s32 $0x80;
	[smem:$0x7F9] =	sst s23  }
0x26: {  	s19 =	simm.s32 $0x200;
	s20 =	simm.s32 $0x1;
	[smem:$0x7FA] =	sst s24  }
0x27: {  	s10 =	simm.s32 $0x3;
	s11 =	simm.s32 $0x5480;
	[smem:$0x7FB] =	sst s25  }
0x28: {  	s14 =	simm.s32 $0xA;
	s15 =	simm.s32 $0xB;
	[smem:$0x7FC] =	sst s26  }
0x29: {  	s9 =	simm.s32 $0x0;
	[smem:$0x7FD] =	sst s30;
	s24 =	simm.s32 $0x50  }
0x2a: {  	v0 =	vimm.f32 $0.0e+00;
	v1 =	vimm.s32 $0x0;
	s25 =	simm.s32 $0x480;
	s26 =	simm.s32 $0x2;
	s21 =	simm.s32 $0xD  }
.LBB2_1:
0x2b: {  	[smem:$0x7F8] =	sst s9  }
0x2c: {  	s4 =	rddreg [dreg:$0x6]  }
0x2d: {  	[tilespmem:s7], [sflag:$0x1] =	stream.linear.gather [hbm4b:s4+s7], $0x50, $0x38;
	[tilespmem:$0x1CC80] =	vst v63  }
0x2e: {  	s22 =	rddreg [dreg:$0x7];
	s23 =	simm.s32 $0x300  }
0x2f: {  	[tilespmem:s23], [sflag:$0x4] =	stream.linear.gather [hbm4b:s22+s7], $0x50, $0x38;
	[tilespmem:$0x1CC80] =	vst v63  }
0x30: {  	s30 =	rddreg [dreg:$0x8]  }
0x31: {  	[tilespmem:s16], [sflag:$0x4] =	stream.linear.gather [hbm4b:s30+s7], $0x50, $0x38;
	[tilespmem:$0x1CC80] =	vst v63  }
0x32: {  	s9 =	rddreg [dreg:$0x9]  }
0x33: {  	[tilespmem:s17], [sflag:$0x2] =	stream.linear.gather [hbm4b:s9+s7], $0x50, $0x38;
	[tilespmem:$0x1CC80] =	vst v63  }
0x34: {  	s22 =	rddreg [dreg:$0xa];
	s23 =	simm.s32 $0x380  }
0x35: {  	[tilespmem:s23], [sflag:$0x5] =	stream.linear.gather [hbm4b:s22+s7], $0x50, $0x38;
	[tilespmem:$0x1CC80] =	vst v63  }
0x36: {  	s30 =	rddreg [dreg:$0xb]  }
0x37: {  	[tilespmem:s19], [sflag:$0x5] =	stream.linear.gather [hbm4b:s30+s7], $0x50, $0x38;
	[tilespmem:$0x1CC80] =	vst v63  }
0x38: {  	_ =	swait.ge [sflag:s20], $0x50  }
0x39: {  	[sflag:s20] =	ssyncset.done $0x0  }
0x3a: {  	[sflag:s20] =	ssyncadd.s32 $0xFFFFFFB0  }
0x3b: {  	[tilespmem:s25], [sflag:$0x7] =	stream.indirect.gather [hbm4b:s0+s24], $0x80, s7, s24, $0xb8;
	[tilespmem:$0x1CC80] =	vst v63  }
0x3c: {  	_ =	swait.ge [sflag:s26], $0x50  }
0x3d: {  	[sflag:s26] =	ssyncset.done $0x0  }
0x3e: {  	s4 =	simm.s32 $0x0;
	s9 =	simm.s32 $0x200;
	[sflag:s26] =	ssyncadd.s32 $0xFFFFFFB0  }
0x3f: {  	[tilespmem:s28], [sflag:$0x8] =	stream.indirect.gather [hbm4b:s0+s24], $0x80, s17, s24, $0xb8;
	[tilespmem:$0x1CC80] =	vst v63  }
.LBB2_2:
0x40: {  	p0 =	sne.s32 s9, $0x3E00;
	[tilespmem:s4+$0x7CF0] =	vst v0  }
0x41: {  	[tilespmem:s4+$0x7C80] =	vst v0  }
0x42: {  	[tilespmem:s4+$0x7C90] =	vst v0  }
.Ltmp0:
0x43: {  	[tilespmem:s4+$0x7CA0] =	vst v0;
	(pc) =	sbr.rel @p0 .LBB2_2-.Ltmp0, $4  }
0x44: {  	[tilespmem:s4+$0x7CB0] =	vst v0  }
0x45: {  	[tilespmem:s4+$0x7CC0] =	vst v0  }
0x46: {  	[tilespmem:s4+$0x7CD0] =	vst v0  }
0x47: {  	[tilespmem:s4+$0x7CE0] =	vst v0;
	s4 =	sshra.s32 s9, $0x2;
	s9 =	sadd.s32 $0x200, s9  }
0x48: {  	[tilespmem:s4+$0x7CF0] =	vst v0  }
0x49: {  	[tilespmem:s4+$0x7C80] =	vst v0  }
0x4a: {  	[tilespmem:s4+$0x7C90] =	vst v0  }
0x4b: {  	[tilespmem:s4+$0x7CA0] =	vst v0  }
0x4c: {  	[tilespmem:s4+$0x7CB0] =	vst v0  }
0x4d: {  	[tilespmem:s4+$0x7CC0] =	vst v0  }
0x4e: {  	[tilespmem:s4+$0x7CD0] =	vst v0  }
0x4f: {  	[tilespmem:s4+$0x7CE0] =	vst v0;
	s9 =	simm.s32 $0x7C80  }
0x50: {  	[spmem:s18] =	stream.linear.scatter [tilespmem:s9], [sflag:$0xD], $0x1000, $0x38;
	[tilespmem:$0x1CC80] =	vst v63  }
0x51: {  	_ =	swait.ge [sflag:s21], $0x1000  }
0x52: {  	[sflag:s21] =	ssyncset.done $0x0  }
0x53: {  	s22 =	rddreg [dreg:$0xd];
	[sflag:s21] =	ssyncadd.s32 $0xFFFFF000  }
0x54: {  	[spmem:s22] =	stream.linear.scatter [tilespmem:s9], [sflag:$0xD], $0x1000, $0x38;
	[tilespmem:$0x1CC80] =	vst v63  }
0x55: {  	_ =	swait.ge [sflag:s21], $0x1000  }
0x56: {  	[sflag:s21] =	ssyncset.done $0x0  }
0x57: {  	s23 =	rddreg [dreg:$0xe];
	[sflag:s21] =	ssyncadd.s32 $0xFFFFF000  }
0x58: {  	[spmem:s23] =	stream.linear.scatter [tilespmem:s9], [sflag:$0xD], $0x1000, $0x38;
	[tilespmem:$0x1CC80] =	vst v63  }
0x59: {  	_ =	swait.ge [sflag:s21], $0x1000  }
0x5a: {  	[sflag:s21] =	ssyncset.done $0x0  }
0x5b: {  	s30 =	rddreg [dreg:$0xf];
	[sflag:s21] =	ssyncadd.s32 $0xFFFFF000  }
0x5c: {  	[spmem:s30] =	stream.linear.scatter [tilespmem:s9], [sflag:$0xD], $0x1000, $0x38;
	[tilespmem:$0x1CC80] =	vst v63  }
0x5d: {  	_ =	swait.ge [sflag:s21], $0x1000  }
0x5e: {  	[sflag:s21] =	ssyncset.done $0x0  }
0x5f: {  	s18 =	rddreg [dreg:$0x10];
	[sflag:s21] =	ssyncadd.s32 $0xFFFFF000  }
0x60: {  	[spmem:s18] =	stream.linear.scatter [tilespmem:s9], [sflag:$0xD], $0x1000, $0x38;
	[tilespmem:$0x1CC80] =	vst v63  }
0x61: {  	_ =	swait.ge [sflag:s21], $0x1000  }
0x62: {  	[sflag:s21] =	ssyncset.done $0x0  }
0x63: {  	s22 =	rddreg [dreg:$0x11];
	[sflag:s21] =	ssyncadd.s32 $0xFFFFF000  }
0x64: {  	[spmem:s22] =	stream.linear.scatter [tilespmem:s9], [sflag:$0xD], $0x1000, $0x38;
	[tilespmem:$0x1CC80] =	vst v63  }
0x65: {  	_ =	swait.ge [sflag:s21], $0x1000  }
0x66: {  	[sflag:s21] =	ssyncset.done $0x0  }
0x67: {  	s23 =	rddreg [dreg:$0x12];
	[sflag:s21] =	ssyncadd.s32 $0xFFFFF000  }
0x68: {  	[spmem:s23] =	stream.linear.scatter [tilespmem:s9], [sflag:$0xD], $0x1000, $0x38;
	[tilespmem:$0x1CC80] =	vst v63  }
0x69: {  	_ =	swait.ge [sflag:s21], $0x1000  }
0x6a: {  	[sflag:s21] =	ssyncset.done $0x0  }
0x6b: {  	s30 =	rddreg [dreg:$0x18];
	[sflag:s21] =	ssyncadd.s32 $0xFFFFF000  }
0x6c: {  	[spmem:s30] =	stream.linear.scatter [tilespmem:s9], [sflag:$0xD], $0x1000, $0x38;
	[tilespmem:$0x1CC80] =	vst v63  }
0x6d: {  	_ =	swait.ge [sflag:s21], $0x1000  }
0x6e: {  	[sflag:s21] =	ssyncset.done $0x0  }
0x6f: {  	s18 =	rddreg [dreg:$0x19];
	[sflag:s21] =	ssyncadd.s32 $0xFFFFF000  }
0x70: {  	[spmem:s18] =	stream.linear.scatter [tilespmem:s9], [sflag:$0xD], $0x1000, $0x38;
	[tilespmem:$0x1CC80] =	vst v63  }
0x71: {  	_ =	swait.ge [sflag:s21], $0x1000  }
0x72: {  	[sflag:s21] =	ssyncset.done $0x0  }
0x73: {  	s22 =	rddreg [dreg:$0x1a];
	[sflag:s21] =	ssyncadd.s32 $0xFFFFF000  }
0x74: {  	[spmem:s22] =	stream.linear.scatter [tilespmem:s9], [sflag:$0xD], $0x1000, $0x38;
	[tilespmem:$0x1CC80] =	vst v63  }
0x75: {  	_ =	swait.ge [sflag:s21], $0x1000  }
0x76: {  	[sflag:s21] =	ssyncset.done $0x0  }
0x77: {  	s23 =	rddreg [dreg:$0x1b];
	[sflag:s21] =	ssyncadd.s32 $0xFFFFF000  }
0x78: {  	[spmem:s23] =	stream.linear.scatter [tilespmem:s9], [sflag:$0xD], $0x1000, $0x38;
	[tilespmem:$0x1CC80] =	vst v63  }
0x79: {  	_ =	swait.ge [sflag:s21], $0x1000  }
0x7a: {  	[sflag:s21] =	ssyncset.done $0x0  }
0x7b: {  	s30 =	rddreg [dreg:$0x1c];
	[sflag:s21] =	ssyncadd.s32 $0xFFFFF000  }
0x7c: {  	[spmem:s30] =	stream.linear.scatter [tilespmem:s9], [sflag:$0xD], $0x1000, $0x38;
	[tilespmem:$0x1CC80] =	vst v63  }
0x7d: {  	_ =	swait.ge [sflag:s21], $0x1000  }
0x7e: {  	[sflag:s21] =	ssyncset.done $0x0  }
0x7f: {  	s18 =	rddreg [dreg:$0x1d];
	[sflag:s21] =	ssyncadd.s32 $0xFFFFF000  }
0x80: {  	[spmem:s18] =	stream.linear.scatter [tilespmem:s9], [sflag:$0xD], $0x1000, $0x38;
	[tilespmem:$0x1CC80] =	vst v63  }
0x81: {  	_ =	swait.ge [sflag:s21], $0x1000  }
0x82: {  	[sflag:s21] =	ssyncset.done $0x0  }
0x83: {  	s22 =	rddreg [dreg:$0x1e];
	[sflag:s21] =	ssyncadd.s32 $0xFFFFF000  }
0x84: {  	[spmem:s22] =	stream.linear.scatter [tilespmem:s9], [sflag:$0xD], $0x1000, $0x38;
	[tilespmem:$0x1CC80] =	vst v63  }
0x85: {  	_ =	swait.ge [sflag:s21], $0x1000  }
0x86: {  	[sflag:s21] =	ssyncset.done $0x0  }
0x87: {  	s23 =	rddreg [dreg:$0x1f];
	[sflag:s21] =	ssyncadd.s32 $0xFFFFF000  }
0x88: {  	[spmem:s23] =	stream.linear.scatter [tilespmem:s9], [sflag:$0xD], $0x1000, $0x38;
	[tilespmem:$0x1CC80] =	vst v63  }
0x89: {  	_ =	swait.ge [sflag:s21], $0x1000  }
0x8a: {  	s30 =	sld [smem:$0x7F9]  }
0x8b: {  	[sflag:s21] =	ssyncset.done $0x0  }
0x8c: {  	[sflag:s21] =	ssyncadd.s32 $0xFFFFF000  }
0x8d: {  	[spmem:s30] =	stream.linear.scatter [tilespmem:s9], [sflag:$0xD], $0x1000, $0x38;
	[tilespmem:$0x1CC80] =	vst v63  }
0x8e: {  	_ =	swait.ge [sflag:s21], $0x1000  }
0x8f: {  	s18 =	sld [smem:$0x7FA]  }
0x90: {  	[sflag:s21] =	ssyncset.done $0x0  }
0x91: {  	[sflag:s21] =	ssyncadd.s32 $0xFFFFF000  }
0x92: {  	[spmem:s18] =	stream.linear.scatter [tilespmem:s9], [sflag:$0xD], $0x1000, $0x38;
	[tilespmem:$0x1CC80] =	vst v63  }
0x93: {  	_ =	swait.ge [sflag:s21], $0x1000  }
0x94: {  	s22 =	sld [smem:$0x7FB]  }
0x95: {  	[sflag:s21] =	ssyncset.done $0x0  }
0x96: {  	[sflag:s21] =	ssyncadd.s32 $0xFFFFF000  }
0x97: {  	[spmem:s22] =	stream.linear.scatter [tilespmem:s9], [sflag:$0xD], $0x1000, $0x38;
	[tilespmem:$0x1CC80] =	vst v63  }
0x98: {  	_ =	swait.ge [sflag:s21], $0x1000  }
0x99: {  	s23 =	sld [smem:$0x7FC]  }
0x9a: {  	[sflag:s21] =	ssyncset.done $0x0  }
0x9b: {  	[sflag:s21] =	ssyncadd.s32 $0xFFFFF000  }
0x9c: {  	[spmem:s23] =	stream.linear.scatter [tilespmem:s9], [sflag:$0xD], $0x1000, $0x38;
	[tilespmem:$0x1CC80] =	vst v63  }
0x9d: {  	_ =	swait.ge [sflag:s21], $0x1000  }
0x9e: {  	s30 =	sld [smem:$0x7FD]  }
0x9f: {  	[sflag:s21] =	ssyncset.done $0x0  }
0xa0: {  	[sflag:s21] =	ssyncadd.s32 $0xFFFFF000  }
0xa1: {  	[spmem:s30] =	stream.linear.scatter [tilespmem:s9], [sflag:$0xD], $0x1000, $0x38;
	[tilespmem:$0x1CC80] =	vst v63  }
0xa2: {  	_ =	swait.ge [sflag:s21], $0x1000  }
0xa3: {  	[sflag:s21] =	ssyncset.done $0x0  }
0xa4: {  	[sflag:s21] =	ssyncadd.s32 $0xFFFFF000  }
0xa5: {  	s18 =	simm.s32 $0x0;
	[bflag:$0x0] =	sbarrier.arrive $0xFFFF  }
.LBB2_4:
0xa6: {  	s30 =	smul.u32 $0xF0, s18;
	_ =	swait.ge [sflag:s31], $0x2800  }
0xa7: {  	s4 =	rddreg [dreg:$0x13]  }
0xa8: {  	s4 =	sadd.s32 s30, s4  }
0xa9: {  	[sflag:s31] =	ssyncset.done $0x0;
	s21 =	sshrl.u32 s4, $0x3  }
0xaa: {  	s9 =	simm.s32 $0x100;
	[sflag:s31] =	ssyncadd.s32 $0xFFFFD800;
	s4 =	sadd.s32 s1, s21  }
0xab: {  	[tilespmem:s9], [sflag:$0x3] =	stream.linear.gather [hbm4b:s4+s7], $0x50, $0x38;
	[tilespmem:$0x1CC80] =	vst v63  }
0xac: {  	_ =	swait.ge [sflag:s2], $0x50  }
0xad: {  	[sflag:s2] =	ssyncset.done $0x0  }
0xae: {  	[sflag:s2] =	ssyncadd.s32 $0xFFFFFFB0  }
0xaf: {  	_ =	swait.ge [sflag:s2], $0x50  }
0xb0: {  	[sflag:s2] =	ssyncset.done $0x0  }
0xb1: {  	s23 =	simm.s32 $0x304;
	[sflag:s2] =	ssyncadd.s32 $0xFFFFFFB0  }
0xb2: {  	v2 =	vld [tilespmem:s23+$0x3]  }
0xb3: {  	s22 =	simm.s32 $0x680;
	v5 =	vld [tilespmem:s23+$0xFFFFFFFD]  }
0xb4: {  	v6 =	vld [tilespmem:s22+$0x1F0]  }
0xb5: {  	v7 =	vld [tilespmem:s23+$0xFFFFFFFE]  }
0xb6: {  	v8 =	vld [tilespmem:s23+$0xFFFFFFFF]  }
0xb7: {  	v9 =	vld [tilespmem:s23+$0x0]  }
0xb8: {  	v4 =	vld [tilespmem:s23+$0x1]  }
0xb9: {  	v10 =	vld [tilespmem:s23+$0xFFFFFFFC]  }
0xba: {  	v11 =	vld [tilespmem:s22+$0xFFFFFE00]  }
0xbb: {  	v12 =	vld [tilespmem:s22+$0xFFFFFE10]  }
0xbc: {  	v13 =	vld [tilespmem:s22+$0xFFFFFE20]  }
0xbd: {  	v14 =	vld [tilespmem:s22+$0xFFFFFE30]  }
0xbe: {  	v15 =	vld [tilespmem:s22+$0xFFFFFE40]  }
0xbf: {  	v16 =	vld [tilespmem:s22+$0xFFFFFE50]  }
0xc0: {  	v17 =	vld [tilespmem:s22+$0xFFFFFE60]  }
0xc1: {  	v38 =	vld [tilespmem:s22+$0xFFFFFE70];
	v2 =	vperm.xlane v2, v1  }
0xc2: {  	v39 =	vld [tilespmem:s22+$0xFFFFFEA0];
	v10 =	vperm.xlane v10, v1  }
0xc3: {  	v40 =	vld [tilespmem:s22+$0xFFFFFEB0];
	v6 =	vmul.f32 v6, v2  }
0xc4: {  	v41 =	vld [tilespmem:s22+$0xFFFFFEC0];
	v11 =	vmul.f32 v11, v10  }
0xc5: {  	v48 =	vld [tilespmem:s22+$0xFFFFFFA0];
	v13 =	vmul.f32 v13, v10;
	[tilespmem:s22+$0x1F0] =	vst v6  }
0xc6: {  	v49 =	vld [tilespmem:s22+$0xFFFFFFB0];
	v14 =	vmul.f32 v14, v10;
	[tilespmem:s22+$0xFFFFFE00] =	vst v11  }
0xc7: {  	v50 =	vld [tilespmem:s22+$0xFFFFFFC0];
	v15 =	vmul.f32 v15, v10;
	[tilespmem:s22+$0xFFFFFE20] =	vst v13  }
0xc8: {  	v42 =	vld [tilespmem:s22+$0xFFFFFED0];
	v8 =	vperm.xlane v8, v1;
	v16 =	vmul.f32 v16, v10;
	[tilespmem:s22+$0xFFFFFE30] =	vst v14  }
0xc9: {  	v43 =	vld [tilespmem:s22+$0xFFFFFEE0];
	v17 =	vmul.f32 v17, v10;
	[tilespmem:s22+$0xFFFFFE40] =	vst v15  }
0xca: {  	v55 =	vld [tilespmem:s22+$0x30];
	v51 =	vmul.f32 v48, v8;
	[tilespmem:s22+$0xFFFFFE50] =	vst v16  }
0xcb: {  	v52 =	vmul.f32 v49, v8;
	v11 =	vld [tilespmem:s22+$0xFFFFFE80];
	[tilespmem:s22+$0xFFFFFE60] =	vst v17  }
0xcc: {  	v56 =	vld [tilespmem:s22+$0x40];
	v53 =	vmul.f32 v50, v8;
	[tilespmem:s22+$0xFFFFFFA0] =	vst v51  }
0xcd: {  	v60 =	vld [tilespmem:s22+$0xC0];
	v9 =	vperm.xlane v9, v1;
	v6 =	vmul.f32 v12, v10;
	[tilespmem:s22+$0xFFFFFFB0] =	vst v52  }
0xce: {  	v44 =	vld [tilespmem:s22+$0xFFFFFF20];
	v5 =	vperm.xlane v5, v1;
	v10 =	vmul.f32 v38, v10;
	[tilespmem:s22+$0xFFFFFFC0] =	vst v53  }
0xcf: {  	v57 =	vmul.f32 v55, v9;
	[tilespmem:s22+$0xFFFFFE10] =	vst v6;
	v6 =	vld [tilespmem:s22+$0xFFFFFE90]  }
0xd0: {  	v4 =	vperm.xlane v4, v1;
	[tilespmem:s22+$0xFFFFFE70] =	vst v10;
	v10 =	vld [tilespmem:s22+$0xFFFFFEF0];
	v11 =	vmul.f32 v11, v5  }
0xd1: {  	v45 =	vld [tilespmem:s22+$0xFFFFFF30];
	v7 =	vperm.xlane v7, v1;
	v58 =	vmul.f32 v56, v9;
	[tilespmem:s22+$0x30] =	vst v57  }
0xd2: {  	v61 =	vmul.f32 v60, v4;
	v13 =	vmul.f32 v39, v5;
	[tilespmem:s22+$0xFFFFFE80] =	vst v11;
	v11 =	vld [tilespmem:s22+$0xFFFFFF00]  }
0xd3: {  	v46 =	vld [tilespmem:s22+$0xFFFFFF40];
	v14 =	vmul.f32 v40, v5;
	v15 =	vmul.f32 v41, v5;
	[tilespmem:s22+$0x40] =	vst v58  }
0xd4: {  	v47 =	vld [tilespmem:s22+$0xFFFFFF60];
	v12 =	vmul.f32 v42, v5;
	[tilespmem:s22+$0xC0] =	vst v61;
	v6 =	vmul.f32 v6, v5  }
0xd5: {  	v16 =	vmul.f32 v43, v5;
	[tilespmem:s22+$0xFFFFFEA0] =	vst v13;
	v5 =	vmul.f32 v10, v5;
	v10 =	vld [tilespmem:s22+$0xFFFFFF50]  }
0xd6: {  	[tilespmem:s22+$0xFFFFFE90] =	vst v6;
	v6 =	vld [tilespmem:s22+$0xFFFFFF10]  }
0xd7: {  	[tilespmem:s22+$0xFFFFFEF0] =	vst v5;
	v5 =	vld [tilespmem:s22+$0xFFFFFF70];
	v11 =	vmul.f32 v11, v7  }
0xd8: {  	[tilespmem:s22+$0xFFFFFEB0] =	vst v14  }
0xd9: {  	v13 =	vmul.f32 v44, v7;
	[tilespmem:s22+$0xFFFFFF00] =	vst v11;
	v11 =	vld [tilespmem:s22+$0xFFFFFF80]  }
0xda: {  	[tilespmem:s22+$0xFFFFFEC0] =	vst v15;
	v14 =	vmul.f32 v45, v7;
	v10 =	vmul.f32 v10, v7  }
0xdb: {  	[tilespmem:s22+$0xFFFFFED0] =	vst v12;
	v15 =	vmul.f32 v46, v7;
	v6 =	vmul.f32 v6, v7  }
0xdc: {  	v12 =	vmul.f32 v47, v7;
	v5 =	vmul.f32 v5, v7;
	[tilespmem:s22+$0xFFFFFF50] =	vst v10;
	v7 =	vld [tilespmem:s22+$0xFFFFFFD0]  }
0xdd: {  	[tilespmem:s22+$0xFFFFFF10] =	vst v6;
	v6 =	vld [tilespmem:s22+$0xFFFFFF90]  }
0xde: {  	[tilespmem:s22+$0xFFFFFF70] =	vst v5;
	v5 =	vld [tilespmem:s22+$0xFFFFFFF0];
	v10 =	vmul.f32 v11, v8  }
0xdf: {  	[tilespmem:s22+$0xFFFFFEE0] =	vst v16;
	v11 =	vld [tilespmem:s22+$0xFFFFFFE0]  }
0xe0: {  	[tilespmem:s22+$0xFFFFFF80] =	vst v10;
	v10 =	vld [tilespmem:s22+$0x0]  }
0xe1: {  	v54 =	vld [tilespmem:s22+$0x20];
	[tilespmem:s22+$0xFFFFFF20] =	vst v13;
	v7 =	vmul.f32 v7, v8  }
0xe2: {  	v3 =	vld [tilespmem:s23+$0x2];
	[tilespmem:s22+$0xFFFFFF30] =	vst v14;
	v6 =	vmul.f32 v6, v8  }
0xe3: {  	v5 =	vmul.f32 v5, v8;
	[tilespmem:s22+$0xFFFFFFD0] =	vst v7;
	v7 =	vld [tilespmem:s22+$0x50]  }
0xe4: {  	[tilespmem:s22+$0xFFFFFF90] =	vst v6;
	v6 =	vld [tilespmem:s22+$0x10];
	v11 =	vmul.f32 v11, v8  }
0xe5: {  	[tilespmem:s22+$0xFFFFFFF0] =	vst v5;
	v5 =	vld [tilespmem:s22+$0x70];
	v8 =	vmul.f32 v10, v9  }
0xe6: {  	[tilespmem:s22+$0xFFFFFFE0] =	vst v11;
	v10 =	vld [tilespmem:s22+$0x60];
	v11 =	vmul.f32 v54, v9  }
0xe7: {  	[tilespmem:s22+$0x0] =	vst v8;
	v8 =	vld [tilespmem:s22+$0x80]  }
0xe8: {  	v7 =	vmul.f32 v7, v9;
	[tilespmem:s22+$0x20] =	vst v11;
	v11 =	vld [tilespmem:s22+$0xA0]  }
0xe9: {  	v59 =	vld [tilespmem:s22+$0xB0];
	[tilespmem:s22+$0xFFFFFF40] =	vst v15;
	v6 =	vmul.f32 v6, v9  }
0xea: {  	v5 =	vmul.f32 v5, v9;
	[tilespmem:s22+$0x50] =	vst v7;
	v7 =	vld [tilespmem:s22+$0xD0]  }
0xeb: {  	[tilespmem:s22+$0x10] =	vst v6;
	v6 =	vld [tilespmem:s22+$0x90];
	v10 =	vmul.f32 v10, v9  }
0xec: {  	[tilespmem:s22+$0x70] =	vst v5;
	v9 =	vld [tilespmem:s22+$0xE0];
	v8 =	vmul.f32 v8, v4  }
0xed: {  	v5 =	vld [tilespmem:s22+$0xF0];
	[tilespmem:s22+$0x60] =	vst v10;
	v10 =	vmul.f32 v11, v4  }
0xee: {  	v11 =	vmul.f32 v59, v4;
	[tilespmem:s22+$0x80] =	vst v8;
	v8 =	vld [tilespmem:s22+$0x100]  }
0xef: {  	[tilespmem:s22+$0xA0] =	vst v10;
	v10 =	vld [tilespmem:s22+$0x120]  }
0xf0: {  	v6 =	vmul.f32 v6, v4;
	[tilespmem:s22+$0xB0] =	vst v11;
	v11 =	vld [tilespmem:s22+$0x130]  }
0xf1: {  	v62 =	vperm.xlane v3, v1;
	[tilespmem:s22+$0xFFFFFF60] =	vst v12;
	v3 =	vmul.f32 v9, v4;
	v9 =	vld [tilespmem:s22+$0x140]  }
0xf2: {  	v7 =	vmul.f32 v7, v4;
	[tilespmem:s22+$0x90] =	vst v6;
	v6 =	vld [tilespmem:s22+$0x110]  }
0xf3: {  	v4 =	vmul.f32 v5, v4;
	[tilespmem:s22+$0xE0] =	vst v3;
	v3 =	vld [tilespmem:s22+$0x160]  }
0xf4: {  	[tilespmem:s22+$0xD0] =	vst v7;
	v5 =	vld [tilespmem:s22+$0x150];
	v7 =	vmul.f32 v8, v62  }
0xf5: {  	[tilespmem:s22+$0xF0] =	vst v4;
	v8 =	vld [tilespmem:s22+$0x170];
	v4 =	vmul.f32 v10, v62  }
0xf6: {  	v10 =	vmul.f32 v11, v62;
	v11 =	vld [tilespmem:s22+$0x190];
	[tilespmem:s22+$0x100] =	vst v7  }
0xf7: {  	v6 =	vmul.f32 v6, v62;
	v7 =	vld [tilespmem:s22+$0x180];
	[tilespmem:s22+$0x120] =	vst v4  }
0xf8: {  	v4 =	vld [tilespmem:s22+$0x1A0];
	[tilespmem:s22+$0x130] =	vst v10;
	v63 =	vmul.f32 v3, v62  }
0xf9: {  	[tilespmem:s22+$0x110] =	vst v6;
	v6 =	vmul.f32 v9, v62;
	v9 =	vmul.f32 v5, v62;
	v5 =	vld [tilespmem:s22+$0x1B0]  }
0xfa: {  	v3 =	vld [tilespmem:s22+$0x1C0];
	[tilespmem:s22+$0x160] =	vst v63  }
0xfb: {  	v8 =	vmul.f32 v8, v62;
	[tilespmem:s22+$0x140] =	vst v6;
	v6 =	vld [tilespmem:s22+$0x1D0]  }
0xfc: {  	s4 =	simm.s32 $0x0;
	s9 =	simm.s32 $0x30C;
	s23 =	simm.s32 $0x680;
	[tilespmem:s22+$0x150] =	vst v9;
	v9 =	vmul.f32 v11, v2;
	v10 =	vmul.f32 v7, v2;
	v7 =	vld [tilespmem:s22+$0x1E0]  }
.LBB2_5:
0xfd: {  	v11 =	vld [tilespmem:s9+$0x3];
	s4 =	sadd.s32 $0x8, s4;
	[tilespmem:s22+$0x170] =	vst v8;
	v4 =	vmul.f32 v4, v2  }
0xfe: {  	s22 =	sadd.s32 $0x400, s22;
	v8 =	vld [tilespmem:s9+$0xFFFFFFFD];
	p0 =	slt.u32 s4, $0x48;
	[tilespmem:s23+$0x180] =	vst v10;
	v5 =	vmul.f32 v5, v2  }
0xff: {  	v10 =	vld [tilespmem:s22+$0x1F0];
	[tilespmem:s23+$0x190] =	vst v9;
	v3 =	vmul.f32 v3, v2  }
0x100: {  	v9 =	vld [tilespmem:s9+$0xFFFFFFFE];
	[tilespmem:s23+$0x1A0] =	vst v4;
	v4 =	vmul.f32 v6, v2  }
0x101: {  	v6 =	vld [tilespmem:s9+$0xFFFFFFFF];
	[tilespmem:s23+$0x1B0] =	vst v5;
	v5 =	vmul.f32 v7, v2  }
0x102: {  	v7 =	vld [tilespmem:s9+$0x0];
	v2 =	vperm.xlane v11, v1;
	[tilespmem:s23+$0x1C0] =	vst v3  }
0x103: {  	v8 =	vperm.xlane v8, v1;
	v3 =	vld [tilespmem:s9+$0x1];
	[tilespmem:s23+$0x1D0] =	vst v4  }
0x104: {  	v11 =	vld [tilespmem:s9+$0x2];
	v4 =	vmul.f32 v10, v2;
	[tilespmem:s23+$0x1E0] =	vst v5;
	s23 =	smov.u32 s22  }
0x105: {  	v10 =	vld [tilespmem:s9+$0xFFFFFFFC];
	v9 =	vperm.xlane v9, v1  }
0x106: {  	v12 =	vld [tilespmem:s22+$0xFFFFFE00];
	v6 =	vperm.xlane v6, v1;
	[tilespmem:s22+$0x1F0] =	vst v4  }
0x107: {  	v13 =	vld [tilespmem:s22+$0xFFFFFE10];
	v5 =	vperm.xlane v7, v1  }
0x108: {  	v7 =	vld [tilespmem:s22+$0xFFFFFE20];
	v4 =	vperm.xlane v3, v1  }
0x109: {  	v14 =	vld [tilespmem:s22+$0xFFFFFE30];
	v3 =	vperm.xlane v11, v1  }
0x10a: {  	v10 =	vperm.xlane v10, v1;
	v11 =	vld [tilespmem:s22+$0xFFFFFE40]  }
0x10b: {  	v15 =	vld [tilespmem:s22+$0xFFFFFE50]  }
0x10c: {  	v12 =	vmul.f32 v12, v10;
	v13 =	vmul.f32 v13, v10;
	v16 =	vld [tilespmem:s22+$0xFFFFFE60]  }
0x10d: {  	v7 =	vmul.f32 v7, v10;
	v17 =	vld [tilespmem:s22+$0xFFFFFE70]  }
0x10e: {  	[tilespmem:s22+$0xFFFFFE00] =	vst v12;
	v12 =	vmul.f32 v14, v10;
	v14 =	vld [tilespmem:s22+$0xFFFFFE80]  }
0x10f: {  	[tilespmem:s22+$0xFFFFFE10] =	vst v13;
	v11 =	vmul.f32 v11, v10;
	v13 =	vld [tilespmem:s22+$0xFFFFFE90]  }
0x110: {  	[tilespmem:s22+$0xFFFFFE20] =	vst v7;
	v7 =	vmul.f32 v15, v10;
	v15 =	vld [tilespmem:s22+$0xFFFFFEA0]  }
0x111: {  	[tilespmem:s22+$0xFFFFFE30] =	vst v12;
	v12 =	vmul.f32 v16, v10;
	v16 =	vld [tilespmem:s22+$0xFFFFFEB0]  }
0x112: {  	[tilespmem:s22+$0xFFFFFE40] =	vst v11;
	v10 =	vmul.f32 v17, v10;
	v11 =	vld [tilespmem:s22+$0xFFFFFEC0]  }
0x113: {  	[tilespmem:s22+$0xFFFFFE50] =	vst v7;
	v7 =	vmul.f32 v14, v8;
	v14 =	vld [tilespmem:s22+$0xFFFFFED0]  }
0x114: {  	[tilespmem:s22+$0xFFFFFE60] =	vst v12;
	v12 =	vmul.f32 v13, v8;
	v13 =	vld [tilespmem:s22+$0xFFFFFEE0]  }
0x115: {  	[tilespmem:s22+$0xFFFFFE70] =	vst v10;
	v10 =	vmul.f32 v15, v8;
	v15 =	vld [tilespmem:s22+$0xFFFFFEF0]  }
0x116: {  	[tilespmem:s22+$0xFFFFFE80] =	vst v7;
	v7 =	vmul.f32 v16, v8;
	v16 =	vld [tilespmem:s22+$0xFFFFFF00]  }
0x117: {  	[tilespmem:s22+$0xFFFFFE90] =	vst v12;
	v11 =	vmul.f32 v11, v8;
	v12 =	vld [tilespmem:s22+$0xFFFFFF10]  }
0x118: {  	[tilespmem:s22+$0xFFFFFEA0] =	vst v10;
	v10 =	vmul.f32 v14, v8;
	v14 =	vld [tilespmem:s22+$0xFFFFFF20]  }
0x119: {  	[tilespmem:s22+$0xFFFFFEB0] =	vst v7;
	v7 =	vmul.f32 v13, v8;
	v13 =	vld [tilespmem:s22+$0xFFFFFF30]  }
0x11a: {  	[tilespmem:s22+$0xFFFFFEC0] =	vst v11;
	v8 =	vmul.f32 v15, v8;
	v11 =	vld [tilespmem:s22+$0xFFFFFF40]  }
0x11b: {  	[tilespmem:s22+$0xFFFFFED0] =	vst v10;
	v10 =	vmul.f32 v16, v9;
	v15 =	vld [tilespmem:s22+$0xFFFFFF50]  }
0x11c: {  	[tilespmem:s22+$0xFFFFFEE0] =	vst v7;
	v7 =	vmul.f32 v12, v9;
	v12 =	vld [tilespmem:s22+$0xFFFFFF60]  }
0x11d: {  	[tilespmem:s22+$0xFFFFFEF0] =	vst v8;
	v8 =	vmul.f32 v14, v9;
	v14 =	vld [tilespmem:s22+$0xFFFFFF70]  }
0x11e: {  	[tilespmem:s22+$0xFFFFFF00] =	vst v10;
	v10 =	vmul.f32 v13, v9;
	v13 =	vld [tilespmem:s22+$0xFFFFFF80]  }
0x11f: {  	[tilespmem:s22+$0xFFFFFF10] =	vst v7;
	v7 =	vmul.f32 v11, v9;
	v11 =	vld [tilespmem:s22+$0xFFFFFF90]  }
0x120: {  	[tilespmem:s22+$0xFFFFFF20] =	vst v8;
	v8 =	vmul.f32 v15, v9;
	v15 =	vld [tilespmem:s22+$0xFFFFFFA0]  }
0x121: {  	[tilespmem:s22+$0xFFFFFF30] =	vst v10;
	v10 =	vmul.f32 v12, v9;
	v12 =	vld [tilespmem:s22+$0xFFFFFFB0]  }
0x122: {  	[tilespmem:s22+$0xFFFFFF40] =	vst v7;
	v7 =	vmul.f32 v14, v9;
	v9 =	vld [tilespmem:s22+$0xFFFFFFC0]  }
0x123: {  	[tilespmem:s22+$0xFFFFFF50] =	vst v8;
	v8 =	vmul.f32 v13, v6;
	v13 =	vld [tilespmem:s22+$0xFFFFFFD0]  }
0x124: {  	[tilespmem:s22+$0xFFFFFF60] =	vst v10;
	v10 =	vmul.f32 v11, v6;
	v11 =	vld [tilespmem:s22+$0xFFFFFFE0]  }
0x125: {  	[tilespmem:s22+$0xFFFFFF70] =	vst v7;
	v7 =	vmul.f32 v15, v6;
	v14 =	vld [tilespmem:s22+$0xFFFFFFF0]  }
0x126: {  	[tilespmem:s22+$0xFFFFFF80] =	vst v8;
	v8 =	vmul.f32 v12, v6;
	v12 =	vld [tilespmem:s22+$0x0]  }
0x127: {  	[tilespmem:s22+$0xFFFFFF90] =	vst v10;
	v9 =	vmul.f32 v9, v6;
	v10 =	vld [tilespmem:s22+$0x10]  }
0x128: {  	[tilespmem:s22+$0xFFFFFFA0] =	vst v7;
	v7 =	vmul.f32 v13, v6;
	v13 =	vld [tilespmem:s22+$0x20]  }
0x129: {  	[tilespmem:s22+$0xFFFFFFB0] =	vst v8;
	v8 =	vmul.f32 v11, v6;
	v11 =	vld [tilespmem:s22+$0x30]  }
0x12a: {  	[tilespmem:s22+$0xFFFFFFC0] =	vst v9;
	v6 =	vmul.f32 v14, v6;
	v9 =	vld [tilespmem:s22+$0x40]  }
0x12b: {  	[tilespmem:s22+$0xFFFFFFD0] =	vst v7;
	v7 =	vmul.f32 v12, v5;
	v12 =	vld [tilespmem:s22+$0x50]  }
0x12c: {  	[tilespmem:s22+$0xFFFFFFE0] =	vst v8;
	v8 =	vmul.f32 v10, v5;
	v10 =	vld [tilespmem:s22+$0x60]  }
0x12d: {  	[tilespmem:s22+$0xFFFFFFF0] =	vst v6;
	v6 =	vmul.f32 v13, v5;
	v13 =	vld [tilespmem:s22+$0x70]  }
0x12e: {  	[tilespmem:s22+$0x0] =	vst v7;
	v7 =	vmul.f32 v11, v5;
	v11 =	vld [tilespmem:s22+$0x80]  }
0x12f: {  	[tilespmem:s22+$0x10] =	vst v8;
	v8 =	vmul.f32 v9, v5;
	v9 =	vld [tilespmem:s22+$0x90]  }
0x130: {  	[tilespmem:s22+$0x20] =	vst v6;
	v6 =	vmul.f32 v12, v5;
	v12 =	vld [tilespmem:s22+$0xA0]  }
0x131: {  	[tilespmem:s22+$0x30] =	vst v7;
	v7 =	vmul.f32 v10, v5;
	v10 =	vld [tilespmem:s22+$0xB0]  }
0x132: {  	[tilespmem:s22+$0x40] =	vst v8;
	v5 =	vmul.f32 v13, v5;
	v8 =	vld [tilespmem:s22+$0xC0]  }
0x133: {  	[tilespmem:s22+$0x50] =	vst v6;
	v6 =	vmul.f32 v11, v4;
	v11 =	vld [tilespmem:s22+$0xD0]  }
0x134: {  	[tilespmem:s22+$0x60] =	vst v7;
	v7 =	vmul.f32 v9, v4;
	v9 =	vld [tilespmem:s22+$0xE0]  }
0x135: {  	[tilespmem:s22+$0x70] =	vst v5;
	v5 =	vmul.f32 v12, v4;
	v12 =	vld [tilespmem:s22+$0xF0]  }
0x136: {  	[tilespmem:s22+$0x80] =	vst v6;
	v6 =	vmul.f32 v10, v4;
	v10 =	vld [tilespmem:s22+$0x100]  }
0x137: {  	[tilespmem:s22+$0x90] =	vst v7;
	v7 =	vmul.f32 v8, v4;
	v8 =	vld [tilespmem:s22+$0x110]  }
0x138: {  	[tilespmem:s22+$0xA0] =	vst v5;
	v5 =	vmul.f32 v11, v4;
	v11 =	vld [tilespmem:s22+$0x120]  }
0x139: {  	[tilespmem:s22+$0xB0] =	vst v6;
	v6 =	vmul.f32 v9, v4;
	v9 =	vld [tilespmem:s22+$0x130]  }
0x13a: {  	[tilespmem:s22+$0xC0] =	vst v7;
	v4 =	vmul.f32 v12, v4;
	v7 =	vld [tilespmem:s22+$0x140]  }
0x13b: {  	[tilespmem:s22+$0xD0] =	vst v5;
	v5 =	vmul.f32 v10, v3;
	v10 =	vld [tilespmem:s22+$0x150]  }
0x13c: {  	[tilespmem:s22+$0xE0] =	vst v6;
	v6 =	vmul.f32 v8, v3;
	v8 =	vld [tilespmem:s22+$0x160]  }
0x13d: {  	[tilespmem:s22+$0xF0] =	vst v4;
	v4 =	vmul.f32 v11, v3;
	v11 =	vld [tilespmem:s22+$0x170]  }
0x13e: {  	[tilespmem:s22+$0x100] =	vst v5;
	v5 =	vmul.f32 v9, v3;
	v9 =	vld [tilespmem:s22+$0x180]  }
0x13f: {  	[tilespmem:s22+$0x110] =	vst v6;
	v6 =	vmul.f32 v7, v3;
	v7 =	vld [tilespmem:s22+$0x190]  }
.Ltmp1:
0x140: {  	[tilespmem:s22+$0x120] =	vst v4;
	v10 =	vmul.f32 v10, v3;
	v4 =	vld [tilespmem:s22+$0x1A0];
	(pc) =	sbr.rel @p0 .LBB2_5-.Ltmp1, $4  }
0x141: {  	[tilespmem:s22+$0x130] =	vst v5;
	v12 =	vmul.f32 v8, v3;
	v5 =	vld [tilespmem:s22+$0x1B0]  }
0x142: {  	[tilespmem:s22+$0x140] =	vst v6;
	v8 =	vmul.f32 v11, v3;
	v3 =	vld [tilespmem:s22+$0x1C0]  }
0x143: {  	[tilespmem:s22+$0x150] =	vst v10;
	v10 =	vmul.f32 v9, v2;
	v6 =	vld [tilespmem:s22+$0x1D0]  }
0x144: {  	s9 =	sadd.s32 $0x8, s9;
	[tilespmem:s22+$0x160] =	vst v12;
	v9 =	vmul.f32 v7, v2;
	v7 =	vld [tilespmem:s22+$0x1E0]  }
0x145: {  	[tilespmem:s22+$0x170] =	vst v8  }
0x146: {  	v4 =	vmul.f32 v4, v2;
	[tilespmem:s23+$0x180] =	vst v10  }
0x147: {  	v5 =	vmul.f32 v5, v2;
	[tilespmem:s23+$0x190] =	vst v9  }
0x148: {  	v3 =	vmul.f32 v3, v2;
	[tilespmem:s23+$0x1A0] =	vst v4  }
0x149: {  	v4 =	vmul.f32 v6, v2;
	[tilespmem:s23+$0x1B0] =	vst v5  }
0x14a: {  	v2 =	vmul.f32 v7, v2;
	[tilespmem:s23+$0x1C0] =	vst v3  }
0x14b: {  	p0 =	seq.s32 s18, $0x0;
	[tilespmem:s23+$0x1D0] =	vst v4  }
0x14c: {  	s4 =	simm.s32 @!p0 $0xC;
	[tilespmem:s23+$0x1E0] =	vst v2  }
0x14d: {  	[spmem:s6] =	stream.indirect.scatter.add.f32 [tilespmem:s25], [sflag:$0xA], $0x80, s16, s24, $0xb8;
	[tilespmem:$0x1CC80] =	vst v63  }
0x14e: {  	_ =	swait.ge @!p0 [sflag:s4], $0x2800  }
0x14f: {  	[sflag:s4] =	ssyncset.done @!p0 $0x0  }
0x150: {  	s9 =	simm.s32 $0x400;
	s23 =	sadd.s32 s5, s21;
	[sflag:s4] =	ssyncadd.s32 @!p0 $0xFFFFD800  }
0x151: {  	[tilespmem:s9], [sflag:$0x6] =	stream.linear.gather [hbm4b:s23+s7], $0x50, $0x38;
	[tilespmem:$0x1CC80] =	vst v63  }
0x152: {  	s22 =	sadd.s32 s3, s21;
	s23 =	simm.s32 $0x280  }
0x153: {  	[tilespmem:s23], [sflag:$0x6] =	stream.linear.gather [hbm4b:s22+s7], $0x50, $0x38;
	[tilespmem:$0x1CC80] =	vst v63  }
0x154: {  	_ =	swait.ge [sflag:s10], $0x50  }
0x155: {  	[sflag:s10] =	ssyncset.done $0x0  }
0x156: {  	s21 =	simm.s32 $0x100;
	[sflag:s10] =	ssyncadd.s32 $0xFFFFFFB0  }
0x157: {  	[tilespmem:s11], [sflag:$0x9] =	stream.indirect.gather [hbm4b:s0+s24], $0x80, s21, s24, $0xb8;
	[tilespmem:$0x1CC80] =	vst v63  }
0x158: {  	_ =	swait.ge [sflag:s12], $0x2800  }
0x159: {  	s22 =	rddreg [dreg:$0x14]  }
0x15a: {  	s4 =	sadd.s32 s30, s22  }
0x15b: {  	[sflag:s12] =	ssyncset.done $0x0;
	s21 =	sshrl.u32 s4, $0x3  }
0x15c: {  	[sflag:s12] =	ssyncadd.s32 $0xFFFFD800;
	s4 =	sadd.s32 s1, s21  }
0x15d: {  	[tilespmem:s7], [sflag:$0x1] =	stream.linear.gather [hbm4b:s4+s7], $0x50, $0x38;
	[tilespmem:$0x1CC80] =	vst v63  }
0x15e: {  	_ =	swait.ge [sflag:s13], $0x50  }
0x15f: {  	[sflag:s13] =	ssyncset.done $0x0  }
0x160: {  	[sflag:s13] =	ssyncadd.s32 $0xFFFFFFB0  }
0x161: {  	_ =	swait.ge [sflag:s13], $0x50  }
0x162: {  	[sflag:s13] =	ssyncset.done $0x0  }
0x163: {  	s23 =	simm.s32 $0x384;
	[sflag:s13] =	ssyncadd.s32 $0xFFFFFFB0  }
0x164: {  	v2 =	vld [tilespmem:s23+$0x3]  }
0x165: {  	s22 =	simm.s32 $0x2E80;
	v5 =	vld [tilespmem:s23+$0xFFFFFFFD]  }
0x166: {  	v6 =	vld [tilespmem:s22+$0x1F0]  }
0x167: {  	v7 =	vld [tilespmem:s23+$0xFFFFFFFE]  }
0x168: {  	v8 =	vld [tilespmem:s23+$0xFFFFFFFF]  }
0x169: {  	v9 =	vld [tilespmem:s23+$0x0]  }
0x16a: {  	v4 =	vld [tilespmem:s23+$0x1]  }
0x16b: {  	v10 =	vld [tilespmem:s23+$0xFFFFFFFC]  }
0x16c: {  	v11 =	vld [tilespmem:s22+$0xFFFFFE00]  }
0x16d: {  	v12 =	vld [tilespmem:s22+$0xFFFFFE10]  }
0x16e: {  	v13 =	vld [tilespmem:s22+$0xFFFFFE20]  }
0x16f: {  	v14 =	vld [tilespmem:s22+$0xFFFFFE30]  }
0x170: {  	v15 =	vld [tilespmem:s22+$0xFFFFFE40]  }
0x171: {  	v16 =	vld [tilespmem:s22+$0xFFFFFE50]  }
0x172: {  	v17 =	vld [tilespmem:s22+$0xFFFFFE60]  }
0x173: {  	v38 =	vld [tilespmem:s22+$0xFFFFFE70];
	v2 =	vperm.xlane v2, v1  }
0x174: {  	v39 =	vld [tilespmem:s22+$0xFFFFFEA0];
	v10 =	vperm.xlane v10, v1  }
0x175: {  	v40 =	vld [tilespmem:s22+$0xFFFFFEB0];
	v6 =	vmul.f32 v6, v2  }
0x176: {  	v41 =	vld [tilespmem:s22+$0xFFFFFEC0];
	v11 =	vmul.f32 v11, v10  }
0x177: {  	v48 =	vld [tilespmem:s22+$0xFFFFFFA0];
	v13 =	vmul.f32 v13, v10;
	[tilespmem:s22+$0x1F0] =	vst v6  }
0x178: {  	v49 =	vld [tilespmem:s22+$0xFFFFFFB0];
	v14 =	vmul.f32 v14, v10;
	[tilespmem:s22+$0xFFFFFE00] =	vst v11  }
0x179: {  	v50 =	vld [tilespmem:s22+$0xFFFFFFC0];
	v15 =	vmul.f32 v15, v10;
	[tilespmem:s22+$0xFFFFFE20] =	vst v13  }
0x17a: {  	v42 =	vld [tilespmem:s22+$0xFFFFFED0];
	v8 =	vperm.xlane v8, v1;
	v16 =	vmul.f32 v16, v10;
	[tilespmem:s22+$0xFFFFFE30] =	vst v14  }
0x17b: {  	v43 =	vld [tilespmem:s22+$0xFFFFFEE0];
	v17 =	vmul.f32 v17, v10;
	[tilespmem:s22+$0xFFFFFE40] =	vst v15  }
0x17c: {  	v55 =	vld [tilespmem:s22+$0x30];
	v51 =	vmul.f32 v48, v8;
	[tilespmem:s22+$0xFFFFFE50] =	vst v16  }
0x17d: {  	v52 =	vmul.f32 v49, v8;
	v11 =	vld [tilespmem:s22+$0xFFFFFE80];
	[tilespmem:s22+$0xFFFFFE60] =	vst v17  }
0x17e: {  	v56 =	vld [tilespmem:s22+$0x40];
	v53 =	vmul.f32 v50, v8;
	[tilespmem:s22+$0xFFFFFFA0] =	vst v51  }
0x17f: {  	v60 =	vld [tilespmem:s22+$0xC0];
	v9 =	vperm.xlane v9, v1;
	v6 =	vmul.f32 v12, v10;
	[tilespmem:s22+$0xFFFFFFB0] =	vst v52  }
0x180: {  	v44 =	vld [tilespmem:s22+$0xFFFFFF20];
	v5 =	vperm.xlane v5, v1;
	v10 =	vmul.f32 v38, v10;
	[tilespmem:s22+$0xFFFFFFC0] =	vst v53  }
0x181: {  	v57 =	vmul.f32 v55, v9;
	[tilespmem:s22+$0xFFFFFE10] =	vst v6;
	v6 =	vld [tilespmem:s22+$0xFFFFFE90]  }
0x182: {  	v4 =	vperm.xlane v4, v1;
	[tilespmem:s22+$0xFFFFFE70] =	vst v10;
	v10 =	vld [tilespmem:s22+$0xFFFFFEF0];
	v11 =	vmul.f32 v11, v5  }
0x183: {  	v45 =	vld [tilespmem:s22+$0xFFFFFF30];
	v7 =	vperm.xlane v7, v1;
	v58 =	vmul.f32 v56, v9;
	[tilespmem:s22+$0x30] =	vst v57  }
0x184: {  	v61 =	vmul.f32 v60, v4;
	v13 =	vmul.f32 v39, v5;
	[tilespmem:s22+$0xFFFFFE80] =	vst v11;
	v11 =	vld [tilespmem:s22+$0xFFFFFF00]  }
0x185: {  	v46 =	vld [tilespmem:s22+$0xFFFFFF40];
	v14 =	vmul.f32 v40, v5;
	v15 =	vmul.f32 v41, v5;
	[tilespmem:s22+$0x40] =	vst v58  }
0x186: {  	v47 =	vld [tilespmem:s22+$0xFFFFFF60];
	v12 =	vmul.f32 v42, v5;
	[tilespmem:s22+$0xC0] =	vst v61;
	v6 =	vmul.f32 v6, v5  }
0x187: {  	v16 =	vmul.f32 v43, v5;
	[tilespmem:s22+$0xFFFFFEA0] =	vst v13;
	v5 =	vmul.f32 v10, v5;
	v10 =	vld [tilespmem:s22+$0xFFFFFF50]  }
0x188: {  	[tilespmem:s22+$0xFFFFFE90] =	vst v6;
	v6 =	vld [tilespmem:s22+$0xFFFFFF10]  }
0x189: {  	[tilespmem:s22+$0xFFFFFEF0] =	vst v5;
	v5 =	vld [tilespmem:s22+$0xFFFFFF70];
	v11 =	vmul.f32 v11, v7  }
0x18a: {  	[tilespmem:s22+$0xFFFFFEB0] =	vst v14  }
0x18b: {  	v13 =	vmul.f32 v44, v7;
	[tilespmem:s22+$0xFFFFFF00] =	vst v11;
	v11 =	vld [tilespmem:s22+$0xFFFFFF80]  }
0x18c: {  	[tilespmem:s22+$0xFFFFFEC0] =	vst v15;
	v14 =	vmul.f32 v45, v7;
	v10 =	vmul.f32 v10, v7  }
0x18d: {  	[tilespmem:s22+$0xFFFFFED0] =	vst v12;
	v15 =	vmul.f32 v46, v7;
	v6 =	vmul.f32 v6, v7  }
0x18e: {  	v12 =	vmul.f32 v47, v7;
	v5 =	vmul.f32 v5, v7;
	[tilespmem:s22+$0xFFFFFF50] =	vst v10;
	v7 =	vld [tilespmem:s22+$0xFFFFFFD0]  }
0x18f: {  	[tilespmem:s22+$0xFFFFFF10] =	vst v6;
	v6 =	vld [tilespmem:s22+$0xFFFFFF90]  }
0x190: {  	[tilespmem:s22+$0xFFFFFF70] =	vst v5;
	v5 =	vld [tilespmem:s22+$0xFFFFFFF0];
	v10 =	vmul.f32 v11, v8  }
0x191: {  	[tilespmem:s22+$0xFFFFFEE0] =	vst v16;
	v11 =	vld [tilespmem:s22+$0xFFFFFFE0]  }
0x192: {  	[tilespmem:s22+$0xFFFFFF80] =	vst v10;
	v10 =	vld [tilespmem:s22+$0x0]  }
0x193: {  	v54 =	vld [tilespmem:s22+$0x20];
	[tilespmem:s22+$0xFFFFFF20] =	vst v13;
	v7 =	vmul.f32 v7, v8  }
0x194: {  	v3 =	vld [tilespmem:s23+$0x2];
	[tilespmem:s22+$0xFFFFFF30] =	vst v14;
	v6 =	vmul.f32 v6, v8  }
0x195: {  	v5 =	vmul.f32 v5, v8;
	[tilespmem:s22+$0xFFFFFFD0] =	vst v7;
	v7 =	vld [tilespmem:s22+$0x50]  }
0x196: {  	[tilespmem:s22+$0xFFFFFF90] =	vst v6;
	v6 =	vld [tilespmem:s22+$0x10];
	v11 =	vmul.f32 v11, v8  }
0x197: {  	[tilespmem:s22+$0xFFFFFFF0] =	vst v5;
	v5 =	vld [tilespmem:s22+$0x70];
	v8 =	vmul.f32 v10, v9  }
0x198: {  	[tilespmem:s22+$0xFFFFFFE0] =	vst v11;
	v10 =	vld [tilespmem:s22+$0x60];
	v11 =	vmul.f32 v54, v9  }
0x199: {  	[tilespmem:s22+$0x0] =	vst v8;
	v8 =	vld [tilespmem:s22+$0x80]  }
0x19a: {  	v7 =	vmul.f32 v7, v9;
	[tilespmem:s22+$0x20] =	vst v11;
	v11 =	vld [tilespmem:s22+$0xA0]  }
0x19b: {  	v59 =	vld [tilespmem:s22+$0xB0];
	[tilespmem:s22+$0xFFFFFF40] =	vst v15;
	v6 =	vmul.f32 v6, v9  }
0x19c: {  	v5 =	vmul.f32 v5, v9;
	[tilespmem:s22+$0x50] =	vst v7;
	v7 =	vld [tilespmem:s22+$0xD0]  }
0x19d: {  	[tilespmem:s22+$0x10] =	vst v6;
	v6 =	vld [tilespmem:s22+$0x90];
	v10 =	vmul.f32 v10, v9  }
0x19e: {  	[tilespmem:s22+$0x70] =	vst v5;
	v9 =	vld [tilespmem:s22+$0xE0];
	v8 =	vmul.f32 v8, v4  }
0x19f: {  	v5 =	vld [tilespmem:s22+$0xF0];
	[tilespmem:s22+$0x60] =	vst v10;
	v10 =	vmul.f32 v11, v4  }
0x1a0: {  	v11 =	vmul.f32 v59, v4;
	[tilespmem:s22+$0x80] =	vst v8;
	v8 =	vld [tilespmem:s22+$0x100]  }
0x1a1: {  	[tilespmem:s22+$0xA0] =	vst v10;
	v10 =	vld [tilespmem:s22+$0x120]  }
0x1a2: {  	v6 =	vmul.f32 v6, v4;
	[tilespmem:s22+$0xB0] =	vst v11;
	v11 =	vld [tilespmem:s22+$0x130]  }
0x1a3: {  	v62 =	vperm.xlane v3, v1;
	[tilespmem:s22+$0xFFFFFF60] =	vst v12;
	v3 =	vmul.f32 v9, v4;
	v9 =	vld [tilespmem:s22+$0x140]  }
0x1a4: {  	v7 =	vmul.f32 v7, v4;
	[tilespmem:s22+$0x90] =	vst v6;
	v6 =	vld [tilespmem:s22+$0x110]  }
0x1a5: {  	v4 =	vmul.f32 v5, v4;
	[tilespmem:s22+$0xE0] =	vst v3;
	v3 =	vld [tilespmem:s22+$0x160]  }
0x1a6: {  	[tilespmem:s22+$0xD0] =	vst v7;
	v5 =	vld [tilespmem:s22+$0x150];
	v7 =	vmul.f32 v8, v62  }
0x1a7: {  	[tilespmem:s22+$0xF0] =	vst v4;
	v8 =	vld [tilespmem:s22+$0x170];
	v4 =	vmul.f32 v10, v62  }
0x1a8: {  	v10 =	vmul.f32 v11, v62;
	v11 =	vld [tilespmem:s22+$0x190];
	[tilespmem:s22+$0x100] =	vst v7  }
0x1a9: {  	v6 =	vmul.f32 v6, v62;
	v7 =	vld [tilespmem:s22+$0x180];
	[tilespmem:s22+$0x120] =	vst v4  }
0x1aa: {  	v4 =	vld [tilespmem:s22+$0x1A0];
	[tilespmem:s22+$0x130] =	vst v10;
	v63 =	vmul.f32 v3, v62  }
0x1ab: {  	[tilespmem:s22+$0x110] =	vst v6;
	v6 =	vmul.f32 v9, v62;
	v9 =	vmul.f32 v5, v62;
	v5 =	vld [tilespmem:s22+$0x1B0]  }
0x1ac: {  	v3 =	vld [tilespmem:s22+$0x1C0];
	[tilespmem:s22+$0x160] =	vst v63  }
0x1ad: {  	v8 =	vmul.f32 v8, v62;
	[tilespmem:s22+$0x140] =	vst v6;
	v6 =	vld [tilespmem:s22+$0x1D0]  }
0x1ae: {  	s9 =	simm.s32 $0x38C;
	s4 =	simm.s32 $0x0;
	s23 =	simm.s32 $0x2E80;
	[tilespmem:s22+$0x150] =	vst v9;
	v9 =	vmul.f32 v11, v2;
	v10 =	vmul.f32 v7, v2;
	v7 =	vld [tilespmem:s22+$0x1E0]  }
.LBB2_7:
0x1af: {  	v11 =	vld [tilespmem:s9+$0x3];
	s4 =	sadd.s32 $0x8, s4;
	[tilespmem:s22+$0x170] =	vst v8;
	v4 =	vmul.f32 v4, v2  }
0x1b0: {  	s22 =	sadd.s32 $0x400, s22;
	v8 =	vld [tilespmem:s9+$0xFFFFFFFD];
	p0 =	slt.u32 s4, $0x48;
	[tilespmem:s23+$0x180] =	vst v10;
	v5 =	vmul.f32 v5, v2  }
0x1b1: {  	v10 =	vld [tilespmem:s22+$0x1F0];
	[tilespmem:s23+$0x190] =	vst v9;
	v3 =	vmul.f32 v3, v2  }
0x1b2: {  	v9 =	vld [tilespmem:s9+$0xFFFFFFFE];
	[tilespmem:s23+$0x1A0] =	vst v4;
	v4 =	vmul.f32 v6, v2  }
0x1b3: {  	v6 =	vld [tilespmem:s9+$0xFFFFFFFF];
	[tilespmem:s23+$0x1B0] =	vst v5;
	v5 =	vmul.f32 v7, v2  }
0x1b4: {  	v7 =	vld [tilespmem:s9+$0x0];
	v2 =	vperm.xlane v11, v1;
	[tilespmem:s23+$0x1C0] =	vst v3  }
0x1b5: {  	v8 =	vperm.xlane v8, v1;
	v3 =	vld [tilespmem:s9+$0x1];
	[tilespmem:s23+$0x1D0] =	vst v4  }
0x1b6: {  	v11 =	vld [tilespmem:s9+$0x2];
	v4 =	vmul.f32 v10, v2;
	[tilespmem:s23+$0x1E0] =	vst v5;
	s23 =	smov.u32 s22  }
0x1b7: {  	v10 =	vld [tilespmem:s9+$0xFFFFFFFC];
	v9 =	vperm.xlane v9, v1  }
0x1b8: {  	v12 =	vld [tilespmem:s22+$0xFFFFFE00];
	v6 =	vperm.xlane v6, v1;
	[tilespmem:s22+$0x1F0] =	vst v4  }
0x1b9: {  	v13 =	vld [tilespmem:s22+$0xFFFFFE10];
	v5 =	vperm.xlane v7, v1  }
0x1ba: {  	v7 =	vld [tilespmem:s22+$0xFFFFFE20];
	v4 =	vperm.xlane v3, v1  }
0x1bb: {  	v14 =	vld [tilespmem:s22+$0xFFFFFE30];
	v3 =	vperm.xlane v11, v1  }
0x1bc: {  	v10 =	vperm.xlane v10, v1;
	v11 =	vld [tilespmem:s22+$0xFFFFFE40]  }
0x1bd: {  	v15 =	vld [tilespmem:s22+$0xFFFFFE50]  }
0x1be: {  	v12 =	vmul.f32 v12, v10;
	v13 =	vmul.f32 v13, v10;
	v16 =	vld [tilespmem:s22+$0xFFFFFE60]  }
0x1bf: {  	v7 =	vmul.f32 v7, v10;
	v17 =	vld [tilespmem:s22+$0xFFFFFE70]  }
0x1c0: {  	[tilespmem:s22+$0xFFFFFE00] =	vst v12;
	v12 =	vmul.f32 v14, v10;
	v14 =	vld [tilespmem:s22+$0xFFFFFE80]  }
0x1c1: {  	[tilespmem:s22+$0xFFFFFE10] =	vst v13;
	v11 =	vmul.f32 v11, v10;
	v13 =	vld [tilespmem:s22+$0xFFFFFE90]  }
0x1c2: {  	[tilespmem:s22+$0xFFFFFE20] =	vst v7;
	v7 =	vmul.f32 v15, v10;
	v15 =	vld [tilespmem:s22+$0xFFFFFEA0]  }
0x1c3: {  	[tilespmem:s22+$0xFFFFFE30] =	vst v12;
	v12 =	vmul.f32 v16, v10;
	v16 =	vld [tilespmem:s22+$0xFFFFFEB0]  }
0x1c4: {  	[tilespmem:s22+$0xFFFFFE40] =	vst v11;
	v10 =	vmul.f32 v17, v10;
	v11 =	vld [tilespmem:s22+$0xFFFFFEC0]  }
0x1c5: {  	[tilespmem:s22+$0xFFFFFE50] =	vst v7;
	v7 =	vmul.f32 v14, v8;
	v14 =	vld [tilespmem:s22+$0xFFFFFED0]  }
0x1c6: {  	[tilespmem:s22+$0xFFFFFE60] =	vst v12;
	v12 =	vmul.f32 v13, v8;
	v13 =	vld [tilespmem:s22+$0xFFFFFEE0]  }
0x1c7: {  	[tilespmem:s22+$0xFFFFFE70] =	vst v10;
	v10 =	vmul.f32 v15, v8;
	v15 =	vld [tilespmem:s22+$0xFFFFFEF0]  }
0x1c8: {  	[tilespmem:s22+$0xFFFFFE80] =	vst v7;
	v7 =	vmul.f32 v16, v8;
	v16 =	vld [tilespmem:s22+$0xFFFFFF00]  }
0x1c9: {  	[tilespmem:s22+$0xFFFFFE90] =	vst v12;
	v11 =	vmul.f32 v11, v8;
	v12 =	vld [tilespmem:s22+$0xFFFFFF10]  }
0x1ca: {  	[tilespmem:s22+$0xFFFFFEA0] =	vst v10;
	v10 =	vmul.f32 v14, v8;
	v14 =	vld [tilespmem:s22+$0xFFFFFF20]  }
0x1cb: {  	[tilespmem:s22+$0xFFFFFEB0] =	vst v7;
	v7 =	vmul.f32 v13, v8;
	v13 =	vld [tilespmem:s22+$0xFFFFFF30]  }
0x1cc: {  	[tilespmem:s22+$0xFFFFFEC0] =	vst v11;
	v8 =	vmul.f32 v15, v8;
	v11 =	vld [tilespmem:s22+$0xFFFFFF40]  }
0x1cd: {  	[tilespmem:s22+$0xFFFFFED0] =	vst v10;
	v10 =	vmul.f32 v16, v9;
	v15 =	vld [tilespmem:s22+$0xFFFFFF50]  }
0x1ce: {  	[tilespmem:s22+$0xFFFFFEE0] =	vst v7;
	v7 =	vmul.f32 v12, v9;
	v12 =	vld [tilespmem:s22+$0xFFFFFF60]  }
0x1cf: {  	[tilespmem:s22+$0xFFFFFEF0] =	vst v8;
	v8 =	vmul.f32 v14, v9;
	v14 =	vld [tilespmem:s22+$0xFFFFFF70]  }
0x1d0: {  	[tilespmem:s22+$0xFFFFFF00] =	vst v10;
	v10 =	vmul.f32 v13, v9;
	v13 =	vld [tilespmem:s22+$0xFFFFFF80]  }
0x1d1: {  	[tilespmem:s22+$0xFFFFFF10] =	vst v7;
	v7 =	vmul.f32 v11, v9;
	v11 =	vld [tilespmem:s22+$0xFFFFFF90]  }
0x1d2: {  	[tilespmem:s22+$0xFFFFFF20] =	vst v8;
	v8 =	vmul.f32 v15, v9;
	v15 =	vld [tilespmem:s22+$0xFFFFFFA0]  }
0x1d3: {  	[tilespmem:s22+$0xFFFFFF30] =	vst v10;
	v10 =	vmul.f32 v12, v9;
	v12 =	vld [tilespmem:s22+$0xFFFFFFB0]  }
0x1d4: {  	[tilespmem:s22+$0xFFFFFF40] =	vst v7;
	v7 =	vmul.f32 v14, v9;
	v9 =	vld [tilespmem:s22+$0xFFFFFFC0]  }
0x1d5: {  	[tilespmem:s22+$0xFFFFFF50] =	vst v8;
	v8 =	vmul.f32 v13, v6;
	v13 =	vld [tilespmem:s22+$0xFFFFFFD0]  }
0x1d6: {  	[tilespmem:s22+$0xFFFFFF60] =	vst v10;
	v10 =	vmul.f32 v11, v6;
	v11 =	vld [tilespmem:s22+$0xFFFFFFE0]  }
0x1d7: {  	[tilespmem:s22+$0xFFFFFF70] =	vst v7;
	v7 =	vmul.f32 v15, v6;
	v14 =	vld [tilespmem:s22+$0xFFFFFFF0]  }
0x1d8: {  	[tilespmem:s22+$0xFFFFFF80] =	vst v8;
	v8 =	vmul.f32 v12, v6;
	v12 =	vld [tilespmem:s22+$0x0]  }
0x1d9: {  	[tilespmem:s22+$0xFFFFFF90] =	vst v10;
	v9 =	vmul.f32 v9, v6;
	v10 =	vld [tilespmem:s22+$0x10]  }
0x1da: {  	[tilespmem:s22+$0xFFFFFFA0] =	vst v7;
	v7 =	vmul.f32 v13, v6;
	v13 =	vld [tilespmem:s22+$0x20]  }
0x1db: {  	[tilespmem:s22+$0xFFFFFFB0] =	vst v8;
	v8 =	vmul.f32 v11, v6;
	v11 =	vld [tilespmem:s22+$0x30]  }
0x1dc: {  	[tilespmem:s22+$0xFFFFFFC0] =	vst v9;
	v6 =	vmul.f32 v14, v6;
	v9 =	vld [tilespmem:s22+$0x40]  }
0x1dd: {  	[tilespmem:s22+$0xFFFFFFD0] =	vst v7;
	v7 =	vmul.f32 v12, v5;
	v12 =	vld [tilespmem:s22+$0x50]  }
0x1de: {  	[tilespmem:s22+$0xFFFFFFE0] =	vst v8;
	v8 =	vmul.f32 v10, v5;
	v10 =	vld [tilespmem:s22+$0x60]  }
0x1df: {  	[tilespmem:s22+$0xFFFFFFF0] =	vst v6;
	v6 =	vmul.f32 v13, v5;
	v13 =	vld [tilespmem:s22+$0x70]  }
0x1e0: {  	[tilespmem:s22+$0x0] =	vst v7;
	v7 =	vmul.f32 v11, v5;
	v11 =	vld [tilespmem:s22+$0x80]  }
0x1e1: {  	[tilespmem:s22+$0x10] =	vst v8;
	v8 =	vmul.f32 v9, v5;
	v9 =	vld [tilespmem:s22+$0x90]  }
0x1e2: {  	[tilespmem:s22+$0x20] =	vst v6;
	v6 =	vmul.f32 v12, v5;
	v12 =	vld [tilespmem:s22+$0xA0]  }
0x1e3: {  	[tilespmem:s22+$0x30] =	vst v7;
	v7 =	vmul.f32 v10, v5;
	v10 =	vld [tilespmem:s22+$0xB0]  }
0x1e4: {  	[tilespmem:s22+$0x40] =	vst v8;
	v5 =	vmul.f32 v13, v5;
	v8 =	vld [tilespmem:s22+$0xC0]  }
0x1e5: {  	[tilespmem:s22+$0x50] =	vst v6;
	v6 =	vmul.f32 v11, v4;
	v11 =	vld [tilespmem:s22+$0xD0]  }
0x1e6: {  	[tilespmem:s22+$0x60] =	vst v7;
	v7 =	vmul.f32 v9, v4;
	v9 =	vld [tilespmem:s22+$0xE0]  }
0x1e7: {  	[tilespmem:s22+$0x70] =	vst v5;
	v5 =	vmul.f32 v12, v4;
	v12 =	vld [tilespmem:s22+$0xF0]  }
0x1e8: {  	[tilespmem:s22+$0x80] =	vst v6;
	v6 =	vmul.f32 v10, v4;
	v10 =	vld [tilespmem:s22+$0x100]  }
0x1e9: {  	[tilespmem:s22+$0x90] =	vst v7;
	v7 =	vmul.f32 v8, v4;
	v8 =	vld [tilespmem:s22+$0x110]  }
0x1ea: {  	[tilespmem:s22+$0xA0] =	vst v5;
	v5 =	vmul.f32 v11, v4;
	v11 =	vld [tilespmem:s22+$0x120]  }
0x1eb: {  	[tilespmem:s22+$0xB0] =	vst v6;
	v6 =	vmul.f32 v9, v4;
	v9 =	vld [tilespmem:s22+$0x130]  }
0x1ec: {  	[tilespmem:s22+$0xC0] =	vst v7;
	v4 =	vmul.f32 v12, v4;
	v7 =	vld [tilespmem:s22+$0x140]  }
0x1ed: {  	[tilespmem:s22+$0xD0] =	vst v5;
	v5 =	vmul.f32 v10, v3;
	v10 =	vld [tilespmem:s22+$0x150]  }
0x1ee: {  	[tilespmem:s22+$0xE0] =	vst v6;
	v6 =	vmul.f32 v8, v3;
	v8 =	vld [tilespmem:s22+$0x160]  }
0x1ef: {  	[tilespmem:s22+$0xF0] =	vst v4;
	v4 =	vmul.f32 v11, v3;
	v11 =	vld [tilespmem:s22+$0x170]  }
0x1f0: {  	[tilespmem:s22+$0x100] =	vst v5;
	v5 =	vmul.f32 v9, v3;
	v9 =	vld [tilespmem:s22+$0x180]  }
0x1f1: {  	[tilespmem:s22+$0x110] =	vst v6;
	v6 =	vmul.f32 v7, v3;
	v7 =	vld [tilespmem:s22+$0x190]  }
.Ltmp2:
0x1f2: {  	[tilespmem:s22+$0x120] =	vst v4;
	v10 =	vmul.f32 v10, v3;
	v4 =	vld [tilespmem:s22+$0x1A0];
	(pc) =	sbr.rel @p0 .LBB2_7-.Ltmp2, $4  }
0x1f3: {  	[tilespmem:s22+$0x130] =	vst v5;
	v12 =	vmul.f32 v8, v3;
	v5 =	vld [tilespmem:s22+$0x1B0]  }
0x1f4: {  	[tilespmem:s22+$0x140] =	vst v6;
	v8 =	vmul.f32 v11, v3;
	v3 =	vld [tilespmem:s22+$0x1C0]  }
0x1f5: {  	[tilespmem:s22+$0x150] =	vst v10;
	v10 =	vmul.f32 v9, v2;
	v6 =	vld [tilespmem:s22+$0x1D0]  }
0x1f6: {  	s9 =	sadd.s32 $0x8, s9;
	[tilespmem:s22+$0x160] =	vst v12;
	v9 =	vmul.f32 v7, v2;
	v7 =	vld [tilespmem:s22+$0x1E0]  }
0x1f7: {  	[tilespmem:s22+$0x170] =	vst v8  }
0x1f8: {  	v4 =	vmul.f32 v4, v2;
	[tilespmem:s23+$0x180] =	vst v10  }
0x1f9: {  	v5 =	vmul.f32 v5, v2;
	[tilespmem:s23+$0x190] =	vst v9  }
0x1fa: {  	v3 =	vmul.f32 v3, v2;
	[tilespmem:s23+$0x1A0] =	vst v4  }
0x1fb: {  	v4 =	vmul.f32 v6, v2;
	[tilespmem:s23+$0x1B0] =	vst v5  }
0x1fc: {  	v2 =	vmul.f32 v7, v2;
	[tilespmem:s23+$0x1C0] =	vst v3  }
0x1fd: {  	[tilespmem:s23+$0x1D0] =	vst v4  }
0x1fe: {  	[tilespmem:s23+$0x1E0] =	vst v2  }
0x1ff: {  	[spmem:s6] =	stream.indirect.scatter.add.f32 [tilespmem:s28], [sflag:$0xB], $0x80, s19, s24, $0xb8;
	[tilespmem:$0x1CC80] =	vst v63  }
0x200: {  	_ =	swait.ge [sflag:s14], $0x2800  }
0x201: {  	[sflag:s14] =	ssyncset.done $0x0  }
0x202: {  	s4 =	sadd.s32 s5, s21;
	s9 =	simm.s32 $0x300;
	[sflag:s14] =	ssyncadd.s32 $0xFFFFD800  }
0x203: {  	[tilespmem:s9], [sflag:$0x4] =	stream.linear.gather [hbm4b:s4+s7], $0x50, $0x38;
	[tilespmem:$0x1CC80] =	vst v63  }
0x204: {  	s22 =	sadd.s32 s3, s21  }
0x205: {  	[tilespmem:s16], [sflag:$0x4] =	stream.linear.gather [hbm4b:s22+s7], $0x50, $0x38;
	[tilespmem:$0x1CC80] =	vst v63  }
0x206: {  	_ =	swait.ge [sflag:s20], $0x50  }
0x207: {  	[sflag:s20] =	ssyncset.done $0x0  }
0x208: {  	[sflag:s20] =	ssyncadd.s32 $0xFFFFFFB0  }
0x209: {  	[tilespmem:s25], [sflag:$0x7] =	stream.indirect.gather [hbm4b:s0+s24], $0x80, s7, s24, $0xb8;
	[tilespmem:$0x1CC80] =	vst v63  }
0x20a: {  	_ =	swait.ge [sflag:s29], $0x2800  }
0x20b: {  	s23 =	rddreg [dreg:$0x15]  }
0x20c: {  	s4 =	sadd.s32 s30, s23  }
0x20d: {  	[sflag:s29] =	ssyncset.done $0x0;
	s21 =	sshrl.u32 s4, $0x3  }
0x20e: {  	[sflag:s29] =	ssyncadd.s32 $0xFFFFD800;
	s4 =	sadd.s32 s1, s21  }
0x20f: {  	[tilespmem:s17], [sflag:$0x2] =	stream.linear.gather [hbm4b:s4+s7], $0x50, $0x38;
	[tilespmem:$0x1CC80] =	vst v63  }
0x210: {  	_ =	swait.ge [sflag:s8], $0x50  }
0x211: {  	[sflag:s8] =	ssyncset.done $0x0  }
0x212: {  	[sflag:s8] =	ssyncadd.s32 $0xFFFFFFB0  }
0x213: {  	_ =	swait.ge [sflag:s8], $0x50  }
0x214: {  	[sflag:s8] =	ssyncset.done $0x0  }
0x215: {  	s30 =	simm.s32 $0x404;
	[sflag:s8] =	ssyncadd.s32 $0xFFFFFFB0  }
0x216: {  	v2 =	vld [tilespmem:s30+$0x3]  }
0x217: {  	s22 =	simm.s32 $0x5680;
	v5 =	vld [tilespmem:s30+$0xFFFFFFFD]  }
0x218: {  	v6 =	vld [tilespmem:s22+$0x1F0]  }
0x219: {  	v7 =	vld [tilespmem:s30+$0xFFFFFFFE]  }
0x21a: {  	v8 =	vld [tilespmem:s30+$0xFFFFFFFF]  }
0x21b: {  	v9 =	vld [tilespmem:s30+$0x0]  }
0x21c: {  	v4 =	vld [tilespmem:s30+$0x1]  }
0x21d: {  	v10 =	vld [tilespmem:s30+$0xFFFFFFFC]  }
0x21e: {  	v11 =	vld [tilespmem:s22+$0xFFFFFE00]  }
0x21f: {  	v12 =	vld [tilespmem:s22+$0xFFFFFE10]  }
0x220: {  	v13 =	vld [tilespmem:s22+$0xFFFFFE20]  }
0x221: {  	v14 =	vld [tilespmem:s22+$0xFFFFFE30]  }
0x222: {  	v15 =	vld [tilespmem:s22+$0xFFFFFE40]  }
0x223: {  	v16 =	vld [tilespmem:s22+$0xFFFFFE50]  }
0x224: {  	v17 =	vld [tilespmem:s22+$0xFFFFFE60]  }
0x225: {  	v38 =	vld [tilespmem:s22+$0xFFFFFE70];
	v2 =	vperm.xlane v2, v1  }
0x226: {  	v39 =	vld [tilespmem:s22+$0xFFFFFEA0];
	v10 =	vperm.xlane v10, v1  }
0x227: {  	v40 =	vld [tilespmem:s22+$0xFFFFFEB0];
	v6 =	vmul.f32 v6, v2  }
0x228: {  	v41 =	vld [tilespmem:s22+$0xFFFFFEC0];
	v11 =	vmul.f32 v11, v10  }
0x229: {  	v48 =	vld [tilespmem:s22+$0xFFFFFFA0];
	v13 =	vmul.f32 v13, v10;
	[tilespmem:s22+$0x1F0] =	vst v6  }
0x22a: {  	v49 =	vld [tilespmem:s22+$0xFFFFFFB0];
	v14 =	vmul.f32 v14, v10;
	[tilespmem:s22+$0xFFFFFE00] =	vst v11  }
0x22b: {  	v50 =	vld [tilespmem:s22+$0xFFFFFFC0];
	v15 =	vmul.f32 v15, v10;
	[tilespmem:s22+$0xFFFFFE20] =	vst v13  }
0x22c: {  	v42 =	vld [tilespmem:s22+$0xFFFFFED0];
	v8 =	vperm.xlane v8, v1;
	v16 =	vmul.f32 v16, v10;
	[tilespmem:s22+$0xFFFFFE30] =	vst v14  }
0x22d: {  	v43 =	vld [tilespmem:s22+$0xFFFFFEE0];
	v17 =	vmul.f32 v17, v10;
	[tilespmem:s22+$0xFFFFFE40] =	vst v15  }
0x22e: {  	v55 =	vld [tilespmem:s22+$0x30];
	v51 =	vmul.f32 v48, v8;
	[tilespmem:s22+$0xFFFFFE50] =	vst v16  }
0x22f: {  	v52 =	vmul.f32 v49, v8;
	v11 =	vld [tilespmem:s22+$0xFFFFFE80];
	[tilespmem:s22+$0xFFFFFE60] =	vst v17  }
0x230: {  	v56 =	vld [tilespmem:s22+$0x40];
	v53 =	vmul.f32 v50, v8;
	[tilespmem:s22+$0xFFFFFFA0] =	vst v51  }
0x231: {  	v60 =	vld [tilespmem:s22+$0xC0];
	v9 =	vperm.xlane v9, v1;
	v6 =	vmul.f32 v12, v10;
	[tilespmem:s22+$0xFFFFFFB0] =	vst v52  }
0x232: {  	v44 =	vld [tilespmem:s22+$0xFFFFFF20];
	v5 =	vperm.xlane v5, v1;
	v10 =	vmul.f32 v38, v10;
	[tilespmem:s22+$0xFFFFFFC0] =	vst v53  }
0x233: {  	v57 =	vmul.f32 v55, v9;
	[tilespmem:s22+$0xFFFFFE10] =	vst v6;
	v6 =	vld [tilespmem:s22+$0xFFFFFE90]  }
0x234: {  	v4 =	vperm.xlane v4, v1;
	[tilespmem:s22+$0xFFFFFE70] =	vst v10;
	v10 =	vld [tilespmem:s22+$0xFFFFFEF0];
	v11 =	vmul.f32 v11, v5  }
0x235: {  	v45 =	vld [tilespmem:s22+$0xFFFFFF30];
	v7 =	vperm.xlane v7, v1;
	v58 =	vmul.f32 v56, v9;
	[tilespmem:s22+$0x30] =	vst v57  }
0x236: {  	v61 =	vmul.f32 v60, v4;
	v13 =	vmul.f32 v39, v5;
	[tilespmem:s22+$0xFFFFFE80] =	vst v11;
	v11 =	vld [tilespmem:s22+$0xFFFFFF00]  }
0x237: {  	v46 =	vld [tilespmem:s22+$0xFFFFFF40];
	v14 =	vmul.f32 v40, v5;
	v15 =	vmul.f32 v41, v5;
	[tilespmem:s22+$0x40] =	vst v58  }
0x238: {  	v47 =	vld [tilespmem:s22+$0xFFFFFF60];
	v12 =	vmul.f32 v42, v5;
	[tilespmem:s22+$0xC0] =	vst v61;
	v6 =	vmul.f32 v6, v5  }
0x239: {  	v16 =	vmul.f32 v43, v5;
	[tilespmem:s22+$0xFFFFFEA0] =	vst v13;
	v5 =	vmul.f32 v10, v5;
	v10 =	vld [tilespmem:s22+$0xFFFFFF50]  }
0x23a: {  	[tilespmem:s22+$0xFFFFFE90] =	vst v6;
	v6 =	vld [tilespmem:s22+$0xFFFFFF10]  }
0x23b: {  	[tilespmem:s22+$0xFFFFFEF0] =	vst v5;
	v5 =	vld [tilespmem:s22+$0xFFFFFF70];
	v11 =	vmul.f32 v11, v7  }
0x23c: {  	[tilespmem:s22+$0xFFFFFEB0] =	vst v14  }
0x23d: {  	v13 =	vmul.f32 v44, v7;
	[tilespmem:s22+$0xFFFFFF00] =	vst v11;
	v11 =	vld [tilespmem:s22+$0xFFFFFF80]  }
0x23e: {  	[tilespmem:s22+$0xFFFFFEC0] =	vst v15;
	v14 =	vmul.f32 v45, v7;
	v10 =	vmul.f32 v10, v7  }
0x23f: {  	[tilespmem:s22+$0xFFFFFED0] =	vst v12;
	v15 =	vmul.f32 v46, v7;
	v6 =	vmul.f32 v6, v7  }
0x240: {  	v12 =	vmul.f32 v47, v7;
	v5 =	vmul.f32 v5, v7;
	[tilespmem:s22+$0xFFFFFF50] =	vst v10;
	v7 =	vld [tilespmem:s22+$0xFFFFFFD0]  }
0x241: {  	[tilespmem:s22+$0xFFFFFF10] =	vst v6;
	v6 =	vld [tilespmem:s22+$0xFFFFFF90]  }
0x242: {  	[tilespmem:s22+$0xFFFFFF70] =	vst v5;
	v5 =	vld [tilespmem:s22+$0xFFFFFFF0];
	v10 =	vmul.f32 v11, v8  }
0x243: {  	[tilespmem:s22+$0xFFFFFEE0] =	vst v16;
	v11 =	vld [tilespmem:s22+$0xFFFFFFE0]  }
0x244: {  	[tilespmem:s22+$0xFFFFFF80] =	vst v10;
	v10 =	vld [tilespmem:s22+$0x0]  }
0x245: {  	v54 =	vld [tilespmem:s22+$0x20];
	[tilespmem:s22+$0xFFFFFF20] =	vst v13;
	v7 =	vmul.f32 v7, v8  }
0x246: {  	v3 =	vld [tilespmem:s30+$0x2];
	[tilespmem:s22+$0xFFFFFF30] =	vst v14;
	v6 =	vmul.f32 v6, v8  }
0x247: {  	v5 =	vmul.f32 v5, v8;
	[tilespmem:s22+$0xFFFFFFD0] =	vst v7;
	v7 =	vld [tilespmem:s22+$0x50]  }
0x248: {  	[tilespmem:s22+$0xFFFFFF90] =	vst v6;
	v6 =	vld [tilespmem:s22+$0x10];
	v11 =	vmul.f32 v11, v8  }
0x249: {  	[tilespmem:s22+$0xFFFFFFF0] =	vst v5;
	v5 =	vld [tilespmem:s22+$0x70];
	v8 =	vmul.f32 v10, v9  }
0x24a: {  	[tilespmem:s22+$0xFFFFFFE0] =	vst v11;
	v10 =	vld [tilespmem:s22+$0x60];
	v11 =	vmul.f32 v54, v9  }
0x24b: {  	[tilespmem:s22+$0x0] =	vst v8;
	v8 =	vld [tilespmem:s22+$0x80]  }
0x24c: {  	v7 =	vmul.f32 v7, v9;
	[tilespmem:s22+$0x20] =	vst v11;
	v11 =	vld [tilespmem:s22+$0xA0]  }
0x24d: {  	v59 =	vld [tilespmem:s22+$0xB0];
	[tilespmem:s22+$0xFFFFFF40] =	vst v15;
	v6 =	vmul.f32 v6, v9  }
0x24e: {  	v5 =	vmul.f32 v5, v9;
	[tilespmem:s22+$0x50] =	vst v7;
	v7 =	vld [tilespmem:s22+$0xD0]  }
0x24f: {  	[tilespmem:s22+$0x10] =	vst v6;
	v6 =	vld [tilespmem:s22+$0x90];
	v10 =	vmul.f32 v10, v9  }
0x250: {  	[tilespmem:s22+$0x70] =	vst v5;
	v9 =	vld [tilespmem:s22+$0xE0];
	v8 =	vmul.f32 v8, v4  }
0x251: {  	v5 =	vld [tilespmem:s22+$0xF0];
	[tilespmem:s22+$0x60] =	vst v10;
	v10 =	vmul.f32 v11, v4  }
0x252: {  	v11 =	vmul.f32 v59, v4;
	[tilespmem:s22+$0x80] =	vst v8;
	v8 =	vld [tilespmem:s22+$0x100]  }
0x253: {  	[tilespmem:s22+$0xA0] =	vst v10;
	v10 =	vld [tilespmem:s22+$0x120]  }
0x254: {  	v6 =	vmul.f32 v6, v4;
	[tilespmem:s22+$0xB0] =	vst v11;
	v11 =	vld [tilespmem:s22+$0x130]  }
0x255: {  	v62 =	vperm.xlane v3, v1;
	[tilespmem:s22+$0xFFFFFF60] =	vst v12;
	v3 =	vmul.f32 v9, v4;
	v9 =	vld [tilespmem:s22+$0x140]  }
0x256: {  	v7 =	vmul.f32 v7, v4;
	[tilespmem:s22+$0x90] =	vst v6;
	v6 =	vld [tilespmem:s22+$0x110]  }
0x257: {  	v4 =	vmul.f32 v5, v4;
	[tilespmem:s22+$0xE0] =	vst v3;
	v3 =	vld [tilespmem:s22+$0x160]  }
0x258: {  	[tilespmem:s22+$0xD0] =	vst v7;
	v5 =	vld [tilespmem:s22+$0x150];
	v7 =	vmul.f32 v8, v62  }
0x259: {  	[tilespmem:s22+$0xF0] =	vst v4;
	v8 =	vld [tilespmem:s22+$0x170];
	v4 =	vmul.f32 v10, v62  }
0x25a: {  	v10 =	vmul.f32 v11, v62;
	v11 =	vld [tilespmem:s22+$0x190];
	[tilespmem:s22+$0x100] =	vst v7  }
0x25b: {  	v6 =	vmul.f32 v6, v62;
	v7 =	vld [tilespmem:s22+$0x180];
	[tilespmem:s22+$0x120] =	vst v4  }
0x25c: {  	v4 =	vld [tilespmem:s22+$0x1A0];
	[tilespmem:s22+$0x130] =	vst v10;
	v63 =	vmul.f32 v3, v62  }
0x25d: {  	[tilespmem:s22+$0x110] =	vst v6;
	v6 =	vmul.f32 v9, v62;
	v9 =	vmul.f32 v5, v62;
	v5 =	vld [tilespmem:s22+$0x1B0]  }
0x25e: {  	v3 =	vld [tilespmem:s22+$0x1C0];
	[tilespmem:s22+$0x160] =	vst v63  }
0x25f: {  	v8 =	vmul.f32 v8, v62;
	[tilespmem:s22+$0x140] =	vst v6;
	v6 =	vld [tilespmem:s22+$0x1D0]  }
0x260: {  	s9 =	simm.s32 $0x40C;
	s23 =	simm.s32 $0x5680;
	s4 =	simm.s32 $0x0;
	[tilespmem:s22+$0x150] =	vst v9;
	v9 =	vmul.f32 v11, v2;
	v10 =	vmul.f32 v7, v2;
	v7 =	vld [tilespmem:s22+$0x1E0]  }
.LBB2_9:
0x261: {  	v11 =	vld [tilespmem:s9+$0x3];
	s4 =	sadd.s32 $0x8, s4;
	[tilespmem:s22+$0x170] =	vst v8;
	v4 =	vmul.f32 v4, v2  }
0x262: {  	s22 =	sadd.s32 $0x400, s22;
	v8 =	vld [tilespmem:s9+$0xFFFFFFFD];
	p0 =	slt.u32 s4, $0x48;
	[tilespmem:s23+$0x180] =	vst v10;
	v5 =	vmul.f32 v5, v2  }
0x263: {  	v10 =	vld [tilespmem:s22+$0x1F0];
	[tilespmem:s23+$0x190] =	vst v9;
	v3 =	vmul.f32 v3, v2  }
0x264: {  	v9 =	vld [tilespmem:s9+$0xFFFFFFFE];
	[tilespmem:s23+$0x1A0] =	vst v4;
	v4 =	vmul.f32 v6, v2  }
0x265: {  	v6 =	vld [tilespmem:s9+$0xFFFFFFFF];
	[tilespmem:s23+$0x1B0] =	vst v5;
	v5 =	vmul.f32 v7, v2  }
0x266: {  	v7 =	vld [tilespmem:s9+$0x0];
	v2 =	vperm.xlane v11, v1;
	[tilespmem:s23+$0x1C0] =	vst v3  }
0x267: {  	v8 =	vperm.xlane v8, v1;
	v3 =	vld [tilespmem:s9+$0x1];
	[tilespmem:s23+$0x1D0] =	vst v4  }
0x268: {  	v11 =	vld [tilespmem:s9+$0x2];
	v4 =	vmul.f32 v10, v2;
	[tilespmem:s23+$0x1E0] =	vst v5;
	s23 =	smov.u32 s22  }
0x269: {  	v10 =	vld [tilespmem:s9+$0xFFFFFFFC];
	v9 =	vperm.xlane v9, v1  }
0x26a: {  	v12 =	vld [tilespmem:s22+$0xFFFFFE00];
	v6 =	vperm.xlane v6, v1;
	[tilespmem:s22+$0x1F0] =	vst v4  }
0x26b: {  	v13 =	vld [tilespmem:s22+$0xFFFFFE10];
	v5 =	vperm.xlane v7, v1  }
0x26c: {  	v7 =	vld [tilespmem:s22+$0xFFFFFE20];
	v4 =	vperm.xlane v3, v1  }
0x26d: {  	v14 =	vld [tilespmem:s22+$0xFFFFFE30];
	v3 =	vperm.xlane v11, v1  }
0x26e: {  	v10 =	vperm.xlane v10, v1;
	v11 =	vld [tilespmem:s22+$0xFFFFFE40]  }
0x26f: {  	v15 =	vld [tilespmem:s22+$0xFFFFFE50]  }
0x270: {  	v12 =	vmul.f32 v12, v10;
	v13 =	vmul.f32 v13, v10;
	v16 =	vld [tilespmem:s22+$0xFFFFFE60]  }
0x271: {  	v7 =	vmul.f32 v7, v10;
	v17 =	vld [tilespmem:s22+$0xFFFFFE70]  }
0x272: {  	[tilespmem:s22+$0xFFFFFE00] =	vst v12;
	v12 =	vmul.f32 v14, v10;
	v14 =	vld [tilespmem:s22+$0xFFFFFE80]  }
0x273: {  	[tilespmem:s22+$0xFFFFFE10] =	vst v13;
	v11 =	vmul.f32 v11, v10;
	v13 =	vld [tilespmem:s22+$0xFFFFFE90]  }
0x274: {  	[tilespmem:s22+$0xFFFFFE20] =	vst v7;
	v7 =	vmul.f32 v15, v10;
	v15 =	vld [tilespmem:s22+$0xFFFFFEA0]  }
0x275: {  	[tilespmem:s22+$0xFFFFFE30] =	vst v12;
	v12 =	vmul.f32 v16, v10;
	v16 =	vld [tilespmem:s22+$0xFFFFFEB0]  }
0x276: {  	[tilespmem:s22+$0xFFFFFE40] =	vst v11;
	v10 =	vmul.f32 v17, v10;
	v11 =	vld [tilespmem:s22+$0xFFFFFEC0]  }
0x277: {  	[tilespmem:s22+$0xFFFFFE50] =	vst v7;
	v7 =	vmul.f32 v14, v8;
	v14 =	vld [tilespmem:s22+$0xFFFFFED0]  }
0x278: {  	[tilespmem:s22+$0xFFFFFE60] =	vst v12;
	v12 =	vmul.f32 v13, v8;
	v13 =	vld [tilespmem:s22+$0xFFFFFEE0]  }
0x279: {  	[tilespmem:s22+$0xFFFFFE70] =	vst v10;
	v10 =	vmul.f32 v15, v8;
	v15 =	vld [tilespmem:s22+$0xFFFFFEF0]  }
0x27a: {  	[tilespmem:s22+$0xFFFFFE80] =	vst v7;
	v7 =	vmul.f32 v16, v8;
	v16 =	vld [tilespmem:s22+$0xFFFFFF00]  }
0x27b: {  	[tilespmem:s22+$0xFFFFFE90] =	vst v12;
	v11 =	vmul.f32 v11, v8;
	v12 =	vld [tilespmem:s22+$0xFFFFFF10]  }
0x27c: {  	[tilespmem:s22+$0xFFFFFEA0] =	vst v10;
	v10 =	vmul.f32 v14, v8;
	v14 =	vld [tilespmem:s22+$0xFFFFFF20]  }
0x27d: {  	[tilespmem:s22+$0xFFFFFEB0] =	vst v7;
	v7 =	vmul.f32 v13, v8;
	v13 =	vld [tilespmem:s22+$0xFFFFFF30]  }
0x27e: {  	[tilespmem:s22+$0xFFFFFEC0] =	vst v11;
	v8 =	vmul.f32 v15, v8;
	v11 =	vld [tilespmem:s22+$0xFFFFFF40]  }
0x27f: {  	[tilespmem:s22+$0xFFFFFED0] =	vst v10;
	v10 =	vmul.f32 v16, v9;
	v15 =	vld [tilespmem:s22+$0xFFFFFF50]  }
0x280: {  	[tilespmem:s22+$0xFFFFFEE0] =	vst v7;
	v7 =	vmul.f32 v12, v9;
	v12 =	vld [tilespmem:s22+$0xFFFFFF60]  }
0x281: {  	[tilespmem:s22+$0xFFFFFEF0] =	vst v8;
	v8 =	vmul.f32 v14, v9;
	v14 =	vld [tilespmem:s22+$0xFFFFFF70]  }
0x282: {  	[tilespmem:s22+$0xFFFFFF00] =	vst v10;
	v10 =	vmul.f32 v13, v9;
	v13 =	vld [tilespmem:s22+$0xFFFFFF80]  }
0x283: {  	[tilespmem:s22+$0xFFFFFF10] =	vst v7;
	v7 =	vmul.f32 v11, v9;
	v11 =	vld [tilespmem:s22+$0xFFFFFF90]  }
0x284: {  	[tilespmem:s22+$0xFFFFFF20] =	vst v8;
	v8 =	vmul.f32 v15, v9;
	v15 =	vld [tilespmem:s22+$0xFFFFFFA0]  }
0x285: {  	[tilespmem:s22+$0xFFFFFF30] =	vst v10;
	v10 =	vmul.f32 v12, v9;
	v12 =	vld [tilespmem:s22+$0xFFFFFFB0]  }
0x286: {  	[tilespmem:s22+$0xFFFFFF40] =	vst v7;
	v7 =	vmul.f32 v14, v9;
	v9 =	vld [tilespmem:s22+$0xFFFFFFC0]  }
0x287: {  	[tilespmem:s22+$0xFFFFFF50] =	vst v8;
	v8 =	vmul.f32 v13, v6;
	v13 =	vld [tilespmem:s22+$0xFFFFFFD0]  }
0x288: {  	[tilespmem:s22+$0xFFFFFF60] =	vst v10;
	v10 =	vmul.f32 v11, v6;
	v11 =	vld [tilespmem:s22+$0xFFFFFFE0]  }
0x289: {  	[tilespmem:s22+$0xFFFFFF70] =	vst v7;
	v7 =	vmul.f32 v15, v6;
	v14 =	vld [tilespmem:s22+$0xFFFFFFF0]  }
0x28a: {  	[tilespmem:s22+$0xFFFFFF80] =	vst v8;
	v8 =	vmul.f32 v12, v6;
	v12 =	vld [tilespmem:s22+$0x0]  }
0x28b: {  	[tilespmem:s22+$0xFFFFFF90] =	vst v10;
	v9 =	vmul.f32 v9, v6;
	v10 =	vld [tilespmem:s22+$0x10]  }
0x28c: {  	[tilespmem:s22+$0xFFFFFFA0] =	vst v7;
	v7 =	vmul.f32 v13, v6;
	v13 =	vld [tilespmem:s22+$0x20]  }
0x28d: {  	[tilespmem:s22+$0xFFFFFFB0] =	vst v8;
	v8 =	vmul.f32 v11, v6;
	v11 =	vld [tilespmem:s22+$0x30]  }
0x28e: {  	[tilespmem:s22+$0xFFFFFFC0] =	vst v9;
	v6 =	vmul.f32 v14, v6;
	v9 =	vld [tilespmem:s22+$0x40]  }
0x28f: {  	[tilespmem:s22+$0xFFFFFFD0] =	vst v7;
	v7 =	vmul.f32 v12, v5;
	v12 =	vld [tilespmem:s22+$0x50]  }
0x290: {  	[tilespmem:s22+$0xFFFFFFE0] =	vst v8;
	v8 =	vmul.f32 v10, v5;
	v10 =	vld [tilespmem:s22+$0x60]  }
0x291: {  	[tilespmem:s22+$0xFFFFFFF0] =	vst v6;
	v6 =	vmul.f32 v13, v5;
	v13 =	vld [tilespmem:s22+$0x70]  }
0x292: {  	[tilespmem:s22+$0x0] =	vst v7;
	v7 =	vmul.f32 v11, v5;
	v11 =	vld [tilespmem:s22+$0x80]  }
0x293: {  	[tilespmem:s22+$0x10] =	vst v8;
	v8 =	vmul.f32 v9, v5;
	v9 =	vld [tilespmem:s22+$0x90]  }
0x294: {  	[tilespmem:s22+$0x20] =	vst v6;
	v6 =	vmul.f32 v12, v5;
	v12 =	vld [tilespmem:s22+$0xA0]  }
0x295: {  	[tilespmem:s22+$0x30] =	vst v7;
	v7 =	vmul.f32 v10, v5;
	v10 =	vld [tilespmem:s22+$0xB0]  }
0x296: {  	[tilespmem:s22+$0x40] =	vst v8;
	v5 =	vmul.f32 v13, v5;
	v8 =	vld [tilespmem:s22+$0xC0]  }
0x297: {  	[tilespmem:s22+$0x50] =	vst v6;
	v6 =	vmul.f32 v11, v4;
	v11 =	vld [tilespmem:s22+$0xD0]  }
0x298: {  	[tilespmem:s22+$0x60] =	vst v7;
	v7 =	vmul.f32 v9, v4;
	v9 =	vld [tilespmem:s22+$0xE0]  }
0x299: {  	[tilespmem:s22+$0x70] =	vst v5;
	v5 =	vmul.f32 v12, v4;
	v12 =	vld [tilespmem:s22+$0xF0]  }
0x29a: {  	[tilespmem:s22+$0x80] =	vst v6;
	v6 =	vmul.f32 v10, v4;
	v10 =	vld [tilespmem:s22+$0x100]  }
0x29b: {  	[tilespmem:s22+$0x90] =	vst v7;
	v7 =	vmul.f32 v8, v4;
	v8 =	vld [tilespmem:s22+$0x110]  }
0x29c: {  	[tilespmem:s22+$0xA0] =	vst v5;
	v5 =	vmul.f32 v11, v4;
	v11 =	vld [tilespmem:s22+$0x120]  }
0x29d: {  	[tilespmem:s22+$0xB0] =	vst v6;
	v6 =	vmul.f32 v9, v4;
	v9 =	vld [tilespmem:s22+$0x130]  }
0x29e: {  	[tilespmem:s22+$0xC0] =	vst v7;
	v4 =	vmul.f32 v12, v4;
	v7 =	vld [tilespmem:s22+$0x140]  }
0x29f: {  	[tilespmem:s22+$0xD0] =	vst v5;
	v5 =	vmul.f32 v10, v3;
	v10 =	vld [tilespmem:s22+$0x150]  }
0x2a0: {  	[tilespmem:s22+$0xE0] =	vst v6;
	v6 =	vmul.f32 v8, v3;
	v8 =	vld [tilespmem:s22+$0x160]  }
0x2a1: {  	[tilespmem:s22+$0xF0] =	vst v4;
	v4 =	vmul.f32 v11, v3;
	v11 =	vld [tilespmem:s22+$0x170]  }
0x2a2: {  	[tilespmem:s22+$0x100] =	vst v5;
	v5 =	vmul.f32 v9, v3;
	v9 =	vld [tilespmem:s22+$0x180]  }
0x2a3: {  	[tilespmem:s22+$0x110] =	vst v6;
	v6 =	vmul.f32 v7, v3;
	v7 =	vld [tilespmem:s22+$0x190]  }
.Ltmp3:
0x2a4: {  	[tilespmem:s22+$0x120] =	vst v4;
	v10 =	vmul.f32 v10, v3;
	v4 =	vld [tilespmem:s22+$0x1A0];
	(pc) =	sbr.rel @p0 .LBB2_9-.Ltmp3, $4  }
0x2a5: {  	[tilespmem:s22+$0x130] =	vst v5;
	v12 =	vmul.f32 v8, v3;
	v5 =	vld [tilespmem:s22+$0x1B0]  }
0x2a6: {  	[tilespmem:s22+$0x140] =	vst v6;
	v8 =	vmul.f32 v11, v3;
	v3 =	vld [tilespmem:s22+$0x1C0]  }
0x2a7: {  	[tilespmem:s22+$0x150] =	vst v10;
	v10 =	vmul.f32 v9, v2;
	v6 =	vld [tilespmem:s22+$0x1D0]  }
0x2a8: {  	s9 =	sadd.s32 $0x8, s9;
	[tilespmem:s22+$0x160] =	vst v12;
	v9 =	vmul.f32 v7, v2;
	v7 =	vld [tilespmem:s22+$0x1E0]  }
0x2a9: {  	[tilespmem:s22+$0x170] =	vst v8  }
0x2aa: {  	v4 =	vmul.f32 v4, v2;
	[tilespmem:s23+$0x180] =	vst v10  }
0x2ab: {  	v5 =	vmul.f32 v5, v2;
	[tilespmem:s23+$0x190] =	vst v9  }
0x2ac: {  	v3 =	vmul.f32 v3, v2;
	[tilespmem:s23+$0x1A0] =	vst v4  }
0x2ad: {  	v63 =	vmul.f32 v6, v2;
	[tilespmem:s23+$0x1B0] =	vst v5  }
0x2ae: {  	v2 =	vmul.f32 v7, v2;
	[tilespmem:s23+$0x1C0] =	vst v3  }
0x2af: {  	[tilespmem:s23+$0x1D0] =	vst v63  }
0x2b0: {  	s4 =	simm.s32 $0x280;
	[tilespmem:s23+$0x1E0] =	vst v2  }
0x2b1: {  	[spmem:s6] =	stream.indirect.scatter.add.f32 [tilespmem:s11], [sflag:$0xC], $0x80, s4, s24, $0xb8;
	[tilespmem:$0x1CC80] =	vst v63  }
0x2b2: {  	_ =	swait.ge [sflag:s15], $0x2800  }
0x2b3: {  	s9 =	simm.s32 $0x380;
	[sflag:s15] =	ssyncset.done $0x0  }
0x2b4: {  	s18 =	sadd.s32 $0x1, s18;
	s23 =	sadd.s32 s5, s21;
	[sflag:s15] =	ssyncadd.s32 $0xFFFFD800  }
0x2b5: {  	[tilespmem:s9], [sflag:$0x5] =	stream.linear.gather [hbm4b:s23+s7], $0x50, $0x38;
	[tilespmem:$0x1CC80] =	vst v63  }
0x2b6: {  	s30 =	sadd.s32 s3, s21;
	p0 =	sne.s32 s18, $0x29  }
0x2b7: {  	[tilespmem:s19], [sflag:$0x5] =	stream.linear.gather [hbm4b:s30+s7], $0x50, $0x38;
	[tilespmem:$0x1CC80] =	vst v63  }
.Ltmp4:
0x2b8: {  	_ = 	snop;
	(pc) =	sbr.rel @p0 .LBB2_4-.Ltmp4, $4  }
0x2b9: {  	_ =	swait.ge [sflag:s26], $0x50  }
0x2ba: {  	[sflag:s26] =	ssyncset.done $0x0  }
0x2bb: {  	[sflag:s26] =	ssyncadd.s32 $0xFFFFFFB0  }
0x2bc: {  	[tilespmem:s28], [sflag:$0x8] =	stream.indirect.gather [hbm4b:s0+s24], $0x80, s17, s24, $0xb8;
	[tilespmem:$0x1CC80] =	vst v63  }
0x2bd: {  	_ =	swait.ge [sflag:s31], $0x2800  }
0x2be: {  	[sflag:s31] =	ssyncset.done $0x0  }
0x2bf: {  	[sflag:s31] =	ssyncadd.s32 $0xFFFFD800  }
0x2c0: {  	_ =	swait.ge [sflag:s2], $0x50  }
0x2c1: {  	[sflag:s2] =	ssyncset.done $0x0  }
0x2c2: {  	[sflag:s2] =	ssyncadd.s32 $0xFFFFFFB0  }
0x2c3: {  	_ =	swait.ge [sflag:s2], $0x50  }
0x2c4: {  	[sflag:s2] =	ssyncset.done $0x0  }
0x2c5: {  	s4 =	simm.s32 $0x304;
	[sflag:s2] =	ssyncadd.s32 $0xFFFFFFB0  }
0x2c6: {  	v2 =	vld [tilespmem:s4+$0x3]  }
0x2c7: {  	s18 =	simm.s32 $0x680;
	v5 =	vld [tilespmem:s4+$0xFFFFFFFD]  }
0x2c8: {  	v6 =	vld [tilespmem:s18+$0x1F0]  }
0x2c9: {  	v7 =	vld [tilespmem:s4+$0xFFFFFFFE]  }
0x2ca: {  	v8 =	vld [tilespmem:s4+$0xFFFFFFFF]  }
0x2cb: {  	v9 =	vld [tilespmem:s4+$0x0]  }
0x2cc: {  	v4 =	vld [tilespmem:s4+$0x1]  }
0x2cd: {  	v10 =	vld [tilespmem:s4+$0xFFFFFFFC]  }
0x2ce: {  	v11 =	vld [tilespmem:s18+$0xFFFFFE00]  }
0x2cf: {  	v12 =	vld [tilespmem:s18+$0xFFFFFE10]  }
0x2d0: {  	v13 =	vld [tilespmem:s18+$0xFFFFFE20]  }
0x2d1: {  	v14 =	vld [tilespmem:s18+$0xFFFFFE30]  }
0x2d2: {  	v15 =	vld [tilespmem:s18+$0xFFFFFE40]  }
0x2d3: {  	v16 =	vld [tilespmem:s18+$0xFFFFFE50]  }
0x2d4: {  	v17 =	vld [tilespmem:s18+$0xFFFFFE60]  }
0x2d5: {  	v38 =	vld [tilespmem:s18+$0xFFFFFE70];
	v2 =	vperm.xlane v2, v1  }
0x2d6: {  	v39 =	vld [tilespmem:s18+$0xFFFFFEA0];
	v10 =	vperm.xlane v10, v1  }
0x2d7: {  	v40 =	vld [tilespmem:s18+$0xFFFFFEB0];
	v6 =	vmul.f32 v6, v2  }
0x2d8: {  	v41 =	vld [tilespmem:s18+$0xFFFFFEC0];
	v11 =	vmul.f32 v11, v10  }
0x2d9: {  	v48 =	vld [tilespmem:s18+$0xFFFFFFA0];
	v13 =	vmul.f32 v13, v10;
	[tilespmem:s18+$0x1F0] =	vst v6  }
0x2da: {  	v49 =	vld [tilespmem:s18+$0xFFFFFFB0];
	v14 =	vmul.f32 v14, v10;
	[tilespmem:s18+$0xFFFFFE00] =	vst v11  }
0x2db: {  	v50 =	vld [tilespmem:s18+$0xFFFFFFC0];
	v15 =	vmul.f32 v15, v10;
	[tilespmem:s18+$0xFFFFFE20] =	vst v13  }
0x2dc: {  	v42 =	vld [tilespmem:s18+$0xFFFFFED0];
	v8 =	vperm.xlane v8, v1;
	v16 =	vmul.f32 v16, v10;
	[tilespmem:s18+$0xFFFFFE30] =	vst v14  }
0x2dd: {  	v43 =	vld [tilespmem:s18+$0xFFFFFEE0];
	v17 =	vmul.f32 v17, v10;
	[tilespmem:s18+$0xFFFFFE40] =	vst v15  }
0x2de: {  	v55 =	vld [tilespmem:s18+$0x30];
	v51 =	vmul.f32 v48, v8;
	[tilespmem:s18+$0xFFFFFE50] =	vst v16  }
0x2df: {  	v52 =	vmul.f32 v49, v8;
	v11 =	vld [tilespmem:s18+$0xFFFFFE80];
	[tilespmem:s18+$0xFFFFFE60] =	vst v17  }
0x2e0: {  	v56 =	vld [tilespmem:s18+$0x40];
	v53 =	vmul.f32 v50, v8;
	[tilespmem:s18+$0xFFFFFFA0] =	vst v51  }
0x2e1: {  	v60 =	vld [tilespmem:s18+$0xC0];
	v9 =	vperm.xlane v9, v1;
	v6 =	vmul.f32 v12, v10;
	[tilespmem:s18+$0xFFFFFFB0] =	vst v52  }
0x2e2: {  	v44 =	vld [tilespmem:s18+$0xFFFFFF20];
	v5 =	vperm.xlane v5, v1;
	v10 =	vmul.f32 v38, v10;
	[tilespmem:s18+$0xFFFFFFC0] =	vst v53  }
0x2e3: {  	v57 =	vmul.f32 v55, v9;
	[tilespmem:s18+$0xFFFFFE10] =	vst v6;
	v6 =	vld [tilespmem:s18+$0xFFFFFE90]  }
0x2e4: {  	v4 =	vperm.xlane v4, v1;
	[tilespmem:s18+$0xFFFFFE70] =	vst v10;
	v10 =	vld [tilespmem:s18+$0xFFFFFEF0];
	v11 =	vmul.f32 v11, v5  }
0x2e5: {  	v45 =	vld [tilespmem:s18+$0xFFFFFF30];
	v7 =	vperm.xlane v7, v1;
	v58 =	vmul.f32 v56, v9;
	[tilespmem:s18+$0x30] =	vst v57  }
0x2e6: {  	v61 =	vmul.f32 v60, v4;
	v13 =	vmul.f32 v39, v5;
	[tilespmem:s18+$0xFFFFFE80] =	vst v11;
	v11 =	vld [tilespmem:s18+$0xFFFFFF00]  }
0x2e7: {  	v46 =	vld [tilespmem:s18+$0xFFFFFF40];
	v14 =	vmul.f32 v40, v5;
	v15 =	vmul.f32 v41, v5;
	[tilespmem:s18+$0x40] =	vst v58  }
0x2e8: {  	v47 =	vld [tilespmem:s18+$0xFFFFFF60];
	v12 =	vmul.f32 v42, v5;
	[tilespmem:s18+$0xC0] =	vst v61;
	v6 =	vmul.f32 v6, v5  }
0x2e9: {  	v16 =	vmul.f32 v43, v5;
	[tilespmem:s18+$0xFFFFFEA0] =	vst v13;
	v5 =	vmul.f32 v10, v5;
	v10 =	vld [tilespmem:s18+$0xFFFFFF50]  }
0x2ea: {  	[tilespmem:s18+$0xFFFFFE90] =	vst v6;
	v6 =	vld [tilespmem:s18+$0xFFFFFF10]  }
0x2eb: {  	[tilespmem:s18+$0xFFFFFEF0] =	vst v5;
	v5 =	vld [tilespmem:s18+$0xFFFFFF70];
	v11 =	vmul.f32 v11, v7  }
0x2ec: {  	[tilespmem:s18+$0xFFFFFEB0] =	vst v14  }
0x2ed: {  	v13 =	vmul.f32 v44, v7;
	[tilespmem:s18+$0xFFFFFF00] =	vst v11;
	v11 =	vld [tilespmem:s18+$0xFFFFFF80]  }
0x2ee: {  	[tilespmem:s18+$0xFFFFFEC0] =	vst v15;
	v14 =	vmul.f32 v45, v7;
	v10 =	vmul.f32 v10, v7  }
0x2ef: {  	[tilespmem:s18+$0xFFFFFED0] =	vst v12;
	v15 =	vmul.f32 v46, v7;
	v6 =	vmul.f32 v6, v7  }
0x2f0: {  	v12 =	vmul.f32 v47, v7;
	v5 =	vmul.f32 v5, v7;
	[tilespmem:s18+$0xFFFFFF50] =	vst v10;
	v7 =	vld [tilespmem:s18+$0xFFFFFFD0]  }
0x2f1: {  	[tilespmem:s18+$0xFFFFFF10] =	vst v6;
	v6 =	vld [tilespmem:s18+$0xFFFFFF90]  }
0x2f2: {  	[tilespmem:s18+$0xFFFFFF70] =	vst v5;
	v5 =	vld [tilespmem:s18+$0xFFFFFFF0];
	v10 =	vmul.f32 v11, v8  }
0x2f3: {  	[tilespmem:s18+$0xFFFFFEE0] =	vst v16;
	v11 =	vld [tilespmem:s18+$0xFFFFFFE0]  }
0x2f4: {  	[tilespmem:s18+$0xFFFFFF80] =	vst v10;
	v10 =	vld [tilespmem:s18+$0x0]  }
0x2f5: {  	v54 =	vld [tilespmem:s18+$0x20];
	[tilespmem:s18+$0xFFFFFF20] =	vst v13;
	v7 =	vmul.f32 v7, v8  }
0x2f6: {  	v3 =	vld [tilespmem:s4+$0x2];
	[tilespmem:s18+$0xFFFFFF30] =	vst v14;
	v6 =	vmul.f32 v6, v8  }
0x2f7: {  	v5 =	vmul.f32 v5, v8;
	[tilespmem:s18+$0xFFFFFFD0] =	vst v7;
	v7 =	vld [tilespmem:s18+$0x50]  }
0x2f8: {  	[tilespmem:s18+$0xFFFFFF90] =	vst v6;
	v6 =	vld [tilespmem:s18+$0x10];
	v11 =	vmul.f32 v11, v8  }
0x2f9: {  	[tilespmem:s18+$0xFFFFFFF0] =	vst v5;
	v5 =	vld [tilespmem:s18+$0x70];
	v8 =	vmul.f32 v10, v9  }
0x2fa: {  	[tilespmem:s18+$0xFFFFFFE0] =	vst v11;
	v10 =	vld [tilespmem:s18+$0x60];
	v11 =	vmul.f32 v54, v9  }
0x2fb: {  	[tilespmem:s18+$0x0] =	vst v8;
	v8 =	vld [tilespmem:s18+$0x80]  }
0x2fc: {  	v7 =	vmul.f32 v7, v9;
	[tilespmem:s18+$0x20] =	vst v11;
	v11 =	vld [tilespmem:s18+$0xA0]  }
0x2fd: {  	v59 =	vld [tilespmem:s18+$0xB0];
	[tilespmem:s18+$0xFFFFFF40] =	vst v15;
	v6 =	vmul.f32 v6, v9  }
0x2fe: {  	v5 =	vmul.f32 v5, v9;
	[tilespmem:s18+$0x50] =	vst v7;
	v7 =	vld [tilespmem:s18+$0xD0]  }
0x2ff: {  	[tilespmem:s18+$0x10] =	vst v6;
	v6 =	vld [tilespmem:s18+$0x90];
	v10 =	vmul.f32 v10, v9  }
0x300: {  	[tilespmem:s18+$0x70] =	vst v5;
	v9 =	vld [tilespmem:s18+$0xE0];
	v8 =	vmul.f32 v8, v4  }
0x301: {  	v5 =	vld [tilespmem:s18+$0xF0];
	[tilespmem:s18+$0x60] =	vst v10;
	v10 =	vmul.f32 v11, v4  }
0x302: {  	v11 =	vmul.f32 v59, v4;
	[tilespmem:s18+$0x80] =	vst v8;
	v8 =	vld [tilespmem:s18+$0x100]  }
0x303: {  	[tilespmem:s18+$0xA0] =	vst v10;
	v10 =	vld [tilespmem:s18+$0x120]  }
0x304: {  	v6 =	vmul.f32 v6, v4;
	[tilespmem:s18+$0xB0] =	vst v11;
	v11 =	vld [tilespmem:s18+$0x130]  }
0x305: {  	v62 =	vperm.xlane v3, v1;
	[tilespmem:s18+$0xFFFFFF60] =	vst v12;
	v3 =	vmul.f32 v9, v4;
	v9 =	vld [tilespmem:s18+$0x140]  }
0x306: {  	v7 =	vmul.f32 v7, v4;
	[tilespmem:s18+$0x90] =	vst v6;
	v6 =	vld [tilespmem:s18+$0x110]  }
0x307: {  	v4 =	vmul.f32 v5, v4;
	[tilespmem:s18+$0xE0] =	vst v3;
	v3 =	vld [tilespmem:s18+$0x160]  }
0x308: {  	[tilespmem:s18+$0xD0] =	vst v7;
	v5 =	vld [tilespmem:s18+$0x150];
	v7 =	vmul.f32 v8, v62  }
0x309: {  	[tilespmem:s18+$0xF0] =	vst v4;
	v8 =	vld [tilespmem:s18+$0x170];
	v4 =	vmul.f32 v10, v62  }
0x30a: {  	v10 =	vmul.f32 v11, v62;
	v11 =	vld [tilespmem:s18+$0x190];
	[tilespmem:s18+$0x100] =	vst v7  }
0x30b: {  	v6 =	vmul.f32 v6, v62;
	v7 =	vld [tilespmem:s18+$0x180];
	[tilespmem:s18+$0x120] =	vst v4  }
0x30c: {  	v4 =	vld [tilespmem:s18+$0x1A0];
	[tilespmem:s18+$0x130] =	vst v10;
	v63 =	vmul.f32 v3, v62  }
0x30d: {  	[tilespmem:s18+$0x110] =	vst v6;
	v6 =	vmul.f32 v9, v62;
	v9 =	vmul.f32 v5, v62;
	v5 =	vld [tilespmem:s18+$0x1B0]  }
0x30e: {  	v3 =	vld [tilespmem:s18+$0x1C0];
	[tilespmem:s18+$0x160] =	vst v63  }
0x30f: {  	v8 =	vmul.f32 v8, v62;
	[tilespmem:s18+$0x140] =	vst v6;
	v6 =	vld [tilespmem:s18+$0x1D0]  }
0x310: {  	s9 =	simm.s32 $0x30C;
	s21 =	simm.s32 $0x680;
	s4 =	simm.s32 $0x0;
	[tilespmem:s18+$0x150] =	vst v9;
	v9 =	vmul.f32 v11, v2;
	v10 =	vmul.f32 v7, v2;
	v7 =	vld [tilespmem:s18+$0x1E0]  }
.LBB2_12:
0x311: {  	v11 =	vld [tilespmem:s9+$0x3];
	s4 =	sadd.s32 $0x8, s4;
	[tilespmem:s18+$0x170] =	vst v8;
	v4 =	vmul.f32 v4, v2  }
0x312: {  	s18 =	sadd.s32 $0x400, s18;
	v8 =	vld [tilespmem:s9+$0xFFFFFFFD];
	p0 =	slt.u32 s4, $0x48;
	[tilespmem:s21+$0x180] =	vst v10;
	v5 =	vmul.f32 v5, v2  }
0x313: {  	v10 =	vld [tilespmem:s18+$0x1F0];
	[tilespmem:s21+$0x190] =	vst v9;
	v3 =	vmul.f32 v3, v2  }
0x314: {  	v9 =	vld [tilespmem:s9+$0xFFFFFFFE];
	[tilespmem:s21+$0x1A0] =	vst v4;
	v4 =	vmul.f32 v6, v2  }
0x315: {  	v6 =	vld [tilespmem:s9+$0xFFFFFFFF];
	[tilespmem:s21+$0x1B0] =	vst v5;
	v5 =	vmul.f32 v7, v2  }
0x316: {  	v7 =	vld [tilespmem:s9+$0x0];
	v2 =	vperm.xlane v11, v1;
	[tilespmem:s21+$0x1C0] =	vst v3  }
0x317: {  	v8 =	vperm.xlane v8, v1;
	v3 =	vld [tilespmem:s9+$0x1];
	[tilespmem:s21+$0x1D0] =	vst v4  }
0x318: {  	v11 =	vld [tilespmem:s9+$0x2];
	v4 =	vmul.f32 v10, v2;
	[tilespmem:s21+$0x1E0] =	vst v5;
	s21 =	smov.u32 s18  }
0x319: {  	v10 =	vld [tilespmem:s9+$0xFFFFFFFC];
	v9 =	vperm.xlane v9, v1  }
0x31a: {  	v12 =	vld [tilespmem:s18+$0xFFFFFE00];
	v6 =	vperm.xlane v6, v1;
	[tilespmem:s18+$0x1F0] =	vst v4  }
0x31b: {  	v13 =	vld [tilespmem:s18+$0xFFFFFE10];
	v5 =	vperm.xlane v7, v1  }
0x31c: {  	v7 =	vld [tilespmem:s18+$0xFFFFFE20];
	v4 =	vperm.xlane v3, v1  }
0x31d: {  	v14 =	vld [tilespmem:s18+$0xFFFFFE30];
	v3 =	vperm.xlane v11, v1  }
0x31e: {  	v10 =	vperm.xlane v10, v1;
	v11 =	vld [tilespmem:s18+$0xFFFFFE40]  }
0x31f: {  	v15 =	vld [tilespmem:s18+$0xFFFFFE50]  }
0x320: {  	v12 =	vmul.f32 v12, v10;
	v13 =	vmul.f32 v13, v10;
	v16 =	vld [tilespmem:s18+$0xFFFFFE60]  }
0x321: {  	v7 =	vmul.f32 v7, v10;
	v17 =	vld [tilespmem:s18+$0xFFFFFE70]  }
0x322: {  	[tilespmem:s18+$0xFFFFFE00] =	vst v12;
	v12 =	vmul.f32 v14, v10;
	v14 =	vld [tilespmem:s18+$0xFFFFFE80]  }
0x323: {  	[tilespmem:s18+$0xFFFFFE10] =	vst v13;
	v11 =	vmul.f32 v11, v10;
	v13 =	vld [tilespmem:s18+$0xFFFFFE90]  }
0x324: {  	[tilespmem:s18+$0xFFFFFE20] =	vst v7;
	v7 =	vmul.f32 v15, v10;
	v15 =	vld [tilespmem:s18+$0xFFFFFEA0]  }
0x325: {  	[tilespmem:s18+$0xFFFFFE30] =	vst v12;
	v12 =	vmul.f32 v16, v10;
	v16 =	vld [tilespmem:s18+$0xFFFFFEB0]  }
0x326: {  	[tilespmem:s18+$0xFFFFFE40] =	vst v11;
	v10 =	vmul.f32 v17, v10;
	v11 =	vld [tilespmem:s18+$0xFFFFFEC0]  }
0x327: {  	[tilespmem:s18+$0xFFFFFE50] =	vst v7;
	v7 =	vmul.f32 v14, v8;
	v14 =	vld [tilespmem:s18+$0xFFFFFED0]  }
0x328: {  	[tilespmem:s18+$0xFFFFFE60] =	vst v12;
	v12 =	vmul.f32 v13, v8;
	v13 =	vld [tilespmem:s18+$0xFFFFFEE0]  }
0x329: {  	[tilespmem:s18+$0xFFFFFE70] =	vst v10;
	v10 =	vmul.f32 v15, v8;
	v15 =	vld [tilespmem:s18+$0xFFFFFEF0]  }
0x32a: {  	[tilespmem:s18+$0xFFFFFE80] =	vst v7;
	v7 =	vmul.f32 v16, v8;
	v16 =	vld [tilespmem:s18+$0xFFFFFF00]  }
0x32b: {  	[tilespmem:s18+$0xFFFFFE90] =	vst v12;
	v11 =	vmul.f32 v11, v8;
	v12 =	vld [tilespmem:s18+$0xFFFFFF10]  }
0x32c: {  	[tilespmem:s18+$0xFFFFFEA0] =	vst v10;
	v10 =	vmul.f32 v14, v8;
	v14 =	vld [tilespmem:s18+$0xFFFFFF20]  }
0x32d: {  	[tilespmem:s18+$0xFFFFFEB0] =	vst v7;
	v7 =	vmul.f32 v13, v8;
	v13 =	vld [tilespmem:s18+$0xFFFFFF30]  }
0x32e: {  	[tilespmem:s18+$0xFFFFFEC0] =	vst v11;
	v8 =	vmul.f32 v15, v8;
	v11 =	vld [tilespmem:s18+$0xFFFFFF40]  }
0x32f: {  	[tilespmem:s18+$0xFFFFFED0] =	vst v10;
	v10 =	vmul.f32 v16, v9;
	v15 =	vld [tilespmem:s18+$0xFFFFFF50]  }
0x330: {  	[tilespmem:s18+$0xFFFFFEE0] =	vst v7;
	v7 =	vmul.f32 v12, v9;
	v12 =	vld [tilespmem:s18+$0xFFFFFF60]  }
0x331: {  	[tilespmem:s18+$0xFFFFFEF0] =	vst v8;
	v8 =	vmul.f32 v14, v9;
	v14 =	vld [tilespmem:s18+$0xFFFFFF70]  }
0x332: {  	[tilespmem:s18+$0xFFFFFF00] =	vst v10;
	v10 =	vmul.f32 v13, v9;
	v13 =	vld [tilespmem:s18+$0xFFFFFF80]  }
0x333: {  	[tilespmem:s18+$0xFFFFFF10] =	vst v7;
	v7 =	vmul.f32 v11, v9;
	v11 =	vld [tilespmem:s18+$0xFFFFFF90]  }
0x334: {  	[tilespmem:s18+$0xFFFFFF20] =	vst v8;
	v8 =	vmul.f32 v15, v9;
	v15 =	vld [tilespmem:s18+$0xFFFFFFA0]  }
0x335: {  	[tilespmem:s18+$0xFFFFFF30] =	vst v10;
	v10 =	vmul.f32 v12, v9;
	v12 =	vld [tilespmem:s18+$0xFFFFFFB0]  }
0x336: {  	[tilespmem:s18+$0xFFFFFF40] =	vst v7;
	v7 =	vmul.f32 v14, v9;
	v9 =	vld [tilespmem:s18+$0xFFFFFFC0]  }
0x337: {  	[tilespmem:s18+$0xFFFFFF50] =	vst v8;
	v8 =	vmul.f32 v13, v6;
	v13 =	vld [tilespmem:s18+$0xFFFFFFD0]  }
0x338: {  	[tilespmem:s18+$0xFFFFFF60] =	vst v10;
	v10 =	vmul.f32 v11, v6;
	v11 =	vld [tilespmem:s18+$0xFFFFFFE0]  }
0x339: {  	[tilespmem:s18+$0xFFFFFF70] =	vst v7;
	v7 =	vmul.f32 v15, v6;
	v14 =	vld [tilespmem:s18+$0xFFFFFFF0]  }
0x33a: {  	[tilespmem:s18+$0xFFFFFF80] =	vst v8;
	v8 =	vmul.f32 v12, v6;
	v12 =	vld [tilespmem:s18+$0x0]  }
0x33b: {  	[tilespmem:s18+$0xFFFFFF90] =	vst v10;
	v9 =	vmul.f32 v9, v6;
	v10 =	vld [tilespmem:s18+$0x10]  }
0x33c: {  	[tilespmem:s18+$0xFFFFFFA0] =	vst v7;
	v7 =	vmul.f32 v13, v6;
	v13 =	vld [tilespmem:s18+$0x20]  }
0x33d: {  	[tilespmem:s18+$0xFFFFFFB0] =	vst v8;
	v8 =	vmul.f32 v11, v6;
	v11 =	vld [tilespmem:s18+$0x30]  }
0x33e: {  	[tilespmem:s18+$0xFFFFFFC0] =	vst v9;
	v6 =	vmul.f32 v14, v6;
	v9 =	vld [tilespmem:s18+$0x40]  }
0x33f: {  	[tilespmem:s18+$0xFFFFFFD0] =	vst v7;
	v7 =	vmul.f32 v12, v5;
	v12 =	vld [tilespmem:s18+$0x50]  }
0x340: {  	[tilespmem:s18+$0xFFFFFFE0] =	vst v8;
	v8 =	vmul.f32 v10, v5;
	v10 =	vld [tilespmem:s18+$0x60]  }
0x341: {  	[tilespmem:s18+$0xFFFFFFF0] =	vst v6;
	v6 =	vmul.f32 v13, v5;
	v13 =	vld [tilespmem:s18+$0x70]  }
0x342: {  	[tilespmem:s18+$0x0] =	vst v7;
	v7 =	vmul.f32 v11, v5;
	v11 =	vld [tilespmem:s18+$0x80]  }
0x343: {  	[tilespmem:s18+$0x10] =	vst v8;
	v8 =	vmul.f32 v9, v5;
	v9 =	vld [tilespmem:s18+$0x90]  }
0x344: {  	[tilespmem:s18+$0x20] =	vst v6;
	v6 =	vmul.f32 v12, v5;
	v12 =	vld [tilespmem:s18+$0xA0]  }
0x345: {  	[tilespmem:s18+$0x30] =	vst v7;
	v7 =	vmul.f32 v10, v5;
	v10 =	vld [tilespmem:s18+$0xB0]  }
0x346: {  	[tilespmem:s18+$0x40] =	vst v8;
	v5 =	vmul.f32 v13, v5;
	v8 =	vld [tilespmem:s18+$0xC0]  }
0x347: {  	[tilespmem:s18+$0x50] =	vst v6;
	v6 =	vmul.f32 v11, v4;
	v11 =	vld [tilespmem:s18+$0xD0]  }
0x348: {  	[tilespmem:s18+$0x60] =	vst v7;
	v7 =	vmul.f32 v9, v4;
	v9 =	vld [tilespmem:s18+$0xE0]  }
0x349: {  	[tilespmem:s18+$0x70] =	vst v5;
	v5 =	vmul.f32 v12, v4;
	v12 =	vld [tilespmem:s18+$0xF0]  }
0x34a: {  	[tilespmem:s18+$0x80] =	vst v6;
	v6 =	vmul.f32 v10, v4;
	v10 =	vld [tilespmem:s18+$0x100]  }
0x34b: {  	[tilespmem:s18+$0x90] =	vst v7;
	v7 =	vmul.f32 v8, v4;
	v8 =	vld [tilespmem:s18+$0x110]  }
0x34c: {  	[tilespmem:s18+$0xA0] =	vst v5;
	v5 =	vmul.f32 v11, v4;
	v11 =	vld [tilespmem:s18+$0x120]  }
0x34d: {  	[tilespmem:s18+$0xB0] =	vst v6;
	v6 =	vmul.f32 v9, v4;
	v9 =	vld [tilespmem:s18+$0x130]  }
0x34e: {  	[tilespmem:s18+$0xC0] =	vst v7;
	v4 =	vmul.f32 v12, v4;
	v7 =	vld [tilespmem:s18+$0x140]  }
0x34f: {  	[tilespmem:s18+$0xD0] =	vst v5;
	v5 =	vmul.f32 v10, v3;
	v10 =	vld [tilespmem:s18+$0x150]  }
0x350: {  	[tilespmem:s18+$0xE0] =	vst v6;
	v6 =	vmul.f32 v8, v3;
	v8 =	vld [tilespmem:s18+$0x160]  }
0x351: {  	[tilespmem:s18+$0xF0] =	vst v4;
	v4 =	vmul.f32 v11, v3;
	v11 =	vld [tilespmem:s18+$0x170]  }
0x352: {  	[tilespmem:s18+$0x100] =	vst v5;
	v5 =	vmul.f32 v9, v3;
	v9 =	vld [tilespmem:s18+$0x180]  }
0x353: {  	[tilespmem:s18+$0x110] =	vst v6;
	v6 =	vmul.f32 v7, v3;
	v7 =	vld [tilespmem:s18+$0x190]  }
.Ltmp5:
0x354: {  	[tilespmem:s18+$0x120] =	vst v4;
	v10 =	vmul.f32 v10, v3;
	v4 =	vld [tilespmem:s18+$0x1A0];
	(pc) =	sbr.rel @p0 .LBB2_12-.Ltmp5, $4  }
0x355: {  	[tilespmem:s18+$0x130] =	vst v5;
	v12 =	vmul.f32 v8, v3;
	v5 =	vld [tilespmem:s18+$0x1B0]  }
0x356: {  	[tilespmem:s18+$0x140] =	vst v6;
	v8 =	vmul.f32 v11, v3;
	v3 =	vld [tilespmem:s18+$0x1C0]  }
0x357: {  	[tilespmem:s18+$0x150] =	vst v10;
	v10 =	vmul.f32 v9, v2;
	v6 =	vld [tilespmem:s18+$0x1D0]  }
0x358: {  	s9 =	sadd.s32 $0x8, s9;
	[tilespmem:s18+$0x160] =	vst v12;
	v9 =	vmul.f32 v7, v2;
	v7 =	vld [tilespmem:s18+$0x1E0]  }
0x359: {  	[tilespmem:s18+$0x170] =	vst v8  }
0x35a: {  	v4 =	vmul.f32 v4, v2;
	[tilespmem:s21+$0x180] =	vst v10  }
0x35b: {  	v5 =	vmul.f32 v5, v2;
	[tilespmem:s21+$0x190] =	vst v9  }
0x35c: {  	v3 =	vmul.f32 v3, v2;
	[tilespmem:s21+$0x1A0] =	vst v4  }
0x35d: {  	v4 =	vmul.f32 v6, v2;
	[tilespmem:s21+$0x1B0] =	vst v5  }
0x35e: {  	v2 =	vmul.f32 v7, v2;
	[tilespmem:s21+$0x1C0] =	vst v3  }
0x35f: {  	[tilespmem:s21+$0x1D0] =	vst v4  }
0x360: {  	[tilespmem:s21+$0x1E0] =	vst v2  }
0x361: {  	[spmem:s6] =	stream.indirect.scatter.add.f32 [tilespmem:s25], [sflag:$0xA], $0x80, s16, s24, $0xb8;
	[tilespmem:$0x1CC80] =	vst v63  }
0x362: {  	_ =	swait.ge [sflag:s12], $0x2800  }
0x363: {  	[sflag:s12] =	ssyncset.done $0x0  }
0x364: {  	[sflag:s12] =	ssyncadd.s32 $0xFFFFD800  }
0x365: {  	_ =	swait.ge [sflag:s13], $0x50  }
0x366: {  	[sflag:s13] =	ssyncset.done $0x0  }
0x367: {  	[sflag:s13] =	ssyncadd.s32 $0xFFFFFFB0  }
0x368: {  	_ =	swait.ge [sflag:s13], $0x50  }
0x369: {  	[sflag:s13] =	ssyncset.done $0x0  }
0x36a: {  	s4 =	simm.s32 $0x384;
	[sflag:s13] =	ssyncadd.s32 $0xFFFFFFB0  }
0x36b: {  	v2 =	vld [tilespmem:s4+$0x3]  }
0x36c: {  	s18 =	simm.s32 $0x2E80;
	v5 =	vld [tilespmem:s4+$0xFFFFFFFD]  }
0x36d: {  	v6 =	vld [tilespmem:s18+$0x1F0]  }
0x36e: {  	v7 =	vld [tilespmem:s4+$0xFFFFFFFE]  }
0x36f: {  	v8 =	vld [tilespmem:s4+$0xFFFFFFFF]  }
0x370: {  	v9 =	vld [tilespmem:s4+$0x0]  }
0x371: {  	v4 =	vld [tilespmem:s4+$0x1]  }
0x372: {  	v10 =	vld [tilespmem:s4+$0xFFFFFFFC]  }
0x373: {  	v11 =	vld [tilespmem:s18+$0xFFFFFE00]  }
0x374: {  	v12 =	vld [tilespmem:s18+$0xFFFFFE10]  }
0x375: {  	v13 =	vld [tilespmem:s18+$0xFFFFFE20]  }
0x376: {  	v14 =	vld [tilespmem:s18+$0xFFFFFE30]  }
0x377: {  	v15 =	vld [tilespmem:s18+$0xFFFFFE40]  }
0x378: {  	v16 =	vld [tilespmem:s18+$0xFFFFFE50]  }
0x379: {  	v17 =	vld [tilespmem:s18+$0xFFFFFE60]  }
0x37a: {  	v38 =	vld [tilespmem:s18+$0xFFFFFE70];
	v2 =	vperm.xlane v2, v1  }
0x37b: {  	v39 =	vld [tilespmem:s18+$0xFFFFFEA0];
	v10 =	vperm.xlane v10, v1  }
0x37c: {  	v40 =	vld [tilespmem:s18+$0xFFFFFEB0];
	v6 =	vmul.f32 v6, v2  }
0x37d: {  	v41 =	vld [tilespmem:s18+$0xFFFFFEC0];
	v11 =	vmul.f32 v11, v10  }
0x37e: {  	v48 =	vld [tilespmem:s18+$0xFFFFFFA0];
	v13 =	vmul.f32 v13, v10;
	[tilespmem:s18+$0x1F0] =	vst v6  }
0x37f: {  	v49 =	vld [tilespmem:s18+$0xFFFFFFB0];
	v14 =	vmul.f32 v14, v10;
	[tilespmem:s18+$0xFFFFFE00] =	vst v11  }
0x380: {  	v50 =	vld [tilespmem:s18+$0xFFFFFFC0];
	v15 =	vmul.f32 v15, v10;
	[tilespmem:s18+$0xFFFFFE20] =	vst v13  }
0x381: {  	v42 =	vld [tilespmem:s18+$0xFFFFFED0];
	v8 =	vperm.xlane v8, v1;
	v16 =	vmul.f32 v16, v10;
	[tilespmem:s18+$0xFFFFFE30] =	vst v14  }
0x382: {  	v43 =	vld [tilespmem:s18+$0xFFFFFEE0];
	v17 =	vmul.f32 v17, v10;
	[tilespmem:s18+$0xFFFFFE40] =	vst v15  }
0x383: {  	v55 =	vld [tilespmem:s18+$0x30];
	v51 =	vmul.f32 v48, v8;
	[tilespmem:s18+$0xFFFFFE50] =	vst v16  }
0x384: {  	v52 =	vmul.f32 v49, v8;
	v11 =	vld [tilespmem:s18+$0xFFFFFE80];
	[tilespmem:s18+$0xFFFFFE60] =	vst v17  }
0x385: {  	v56 =	vld [tilespmem:s18+$0x40];
	v53 =	vmul.f32 v50, v8;
	[tilespmem:s18+$0xFFFFFFA0] =	vst v51  }
0x386: {  	v60 =	vld [tilespmem:s18+$0xC0];
	v9 =	vperm.xlane v9, v1;
	v6 =	vmul.f32 v12, v10;
	[tilespmem:s18+$0xFFFFFFB0] =	vst v52  }
0x387: {  	v44 =	vld [tilespmem:s18+$0xFFFFFF20];
	v5 =	vperm.xlane v5, v1;
	v10 =	vmul.f32 v38, v10;
	[tilespmem:s18+$0xFFFFFFC0] =	vst v53  }
0x388: {  	v57 =	vmul.f32 v55, v9;
	[tilespmem:s18+$0xFFFFFE10] =	vst v6;
	v6 =	vld [tilespmem:s18+$0xFFFFFE90]  }
0x389: {  	v4 =	vperm.xlane v4, v1;
	[tilespmem:s18+$0xFFFFFE70] =	vst v10;
	v10 =	vld [tilespmem:s18+$0xFFFFFEF0];
	v11 =	vmul.f32 v11, v5  }
0x38a: {  	v45 =	vld [tilespmem:s18+$0xFFFFFF30];
	v7 =	vperm.xlane v7, v1;
	v58 =	vmul.f32 v56, v9;
	[tilespmem:s18+$0x30] =	vst v57  }
0x38b: {  	v61 =	vmul.f32 v60, v4;
	v13 =	vmul.f32 v39, v5;
	[tilespmem:s18+$0xFFFFFE80] =	vst v11;
	v11 =	vld [tilespmem:s18+$0xFFFFFF00]  }
0x38c: {  	v46 =	vld [tilespmem:s18+$0xFFFFFF40];
	v14 =	vmul.f32 v40, v5;
	v15 =	vmul.f32 v41, v5;
	[tilespmem:s18+$0x40] =	vst v58  }
0x38d: {  	v47 =	vld [tilespmem:s18+$0xFFFFFF60];
	v12 =	vmul.f32 v42, v5;
	[tilespmem:s18+$0xC0] =	vst v61;
	v6 =	vmul.f32 v6, v5  }
0x38e: {  	v16 =	vmul.f32 v43, v5;
	[tilespmem:s18+$0xFFFFFEA0] =	vst v13;
	v5 =	vmul.f32 v10, v5;
	v10 =	vld [tilespmem:s18+$0xFFFFFF50]  }
0x38f: {  	[tilespmem:s18+$0xFFFFFE90] =	vst v6;
	v6 =	vld [tilespmem:s18+$0xFFFFFF10]  }
0x390: {  	[tilespmem:s18+$0xFFFFFEF0] =	vst v5;
	v5 =	vld [tilespmem:s18+$0xFFFFFF70];
	v11 =	vmul.f32 v11, v7  }
0x391: {  	[tilespmem:s18+$0xFFFFFEB0] =	vst v14  }
0x392: {  	v13 =	vmul.f32 v44, v7;
	[tilespmem:s18+$0xFFFFFF00] =	vst v11;
	v11 =	vld [tilespmem:s18+$0xFFFFFF80]  }
0x393: {  	[tilespmem:s18+$0xFFFFFEC0] =	vst v15;
	v14 =	vmul.f32 v45, v7;
	v10 =	vmul.f32 v10, v7  }
0x394: {  	[tilespmem:s18+$0xFFFFFED0] =	vst v12;
	v15 =	vmul.f32 v46, v7;
	v6 =	vmul.f32 v6, v7  }
0x395: {  	v12 =	vmul.f32 v47, v7;
	v5 =	vmul.f32 v5, v7;
	[tilespmem:s18+$0xFFFFFF50] =	vst v10;
	v7 =	vld [tilespmem:s18+$0xFFFFFFD0]  }
0x396: {  	[tilespmem:s18+$0xFFFFFF10] =	vst v6;
	v6 =	vld [tilespmem:s18+$0xFFFFFF90]  }
0x397: {  	[tilespmem:s18+$0xFFFFFF70] =	vst v5;
	v5 =	vld [tilespmem:s18+$0xFFFFFFF0];
	v10 =	vmul.f32 v11, v8  }
0x398: {  	[tilespmem:s18+$0xFFFFFEE0] =	vst v16;
	v11 =	vld [tilespmem:s18+$0xFFFFFFE0]  }
0x399: {  	[tilespmem:s18+$0xFFFFFF80] =	vst v10;
	v10 =	vld [tilespmem:s18+$0x0]  }
0x39a: {  	v54 =	vld [tilespmem:s18+$0x20];
	[tilespmem:s18+$0xFFFFFF20] =	vst v13;
	v7 =	vmul.f32 v7, v8  }
0x39b: {  	v3 =	vld [tilespmem:s4+$0x2];
	[tilespmem:s18+$0xFFFFFF30] =	vst v14;
	v6 =	vmul.f32 v6, v8  }
0x39c: {  	v5 =	vmul.f32 v5, v8;
	[tilespmem:s18+$0xFFFFFFD0] =	vst v7;
	v7 =	vld [tilespmem:s18+$0x50]  }
0x39d: {  	[tilespmem:s18+$0xFFFFFF90] =	vst v6;
	v6 =	vld [tilespmem:s18+$0x10];
	v11 =	vmul.f32 v11, v8  }
0x39e: {  	[tilespmem:s18+$0xFFFFFFF0] =	vst v5;
	v5 =	vld [tilespmem:s18+$0x70];
	v8 =	vmul.f32 v10, v9  }
0x39f: {  	[tilespmem:s18+$0xFFFFFFE0] =	vst v11;
	v10 =	vld [tilespmem:s18+$0x60];
	v11 =	vmul.f32 v54, v9  }
0x3a0: {  	[tilespmem:s18+$0x0] =	vst v8;
	v8 =	vld [tilespmem:s18+$0x80]  }
0x3a1: {  	v7 =	vmul.f32 v7, v9;
	[tilespmem:s18+$0x20] =	vst v11;
	v11 =	vld [tilespmem:s18+$0xA0]  }
0x3a2: {  	v59 =	vld [tilespmem:s18+$0xB0];
	[tilespmem:s18+$0xFFFFFF40] =	vst v15;
	v6 =	vmul.f32 v6, v9  }
0x3a3: {  	v5 =	vmul.f32 v5, v9;
	[tilespmem:s18+$0x50] =	vst v7;
	v7 =	vld [tilespmem:s18+$0xD0]  }
0x3a4: {  	[tilespmem:s18+$0x10] =	vst v6;
	v6 =	vld [tilespmem:s18+$0x90];
	v10 =	vmul.f32 v10, v9  }
0x3a5: {  	[tilespmem:s18+$0x70] =	vst v5;
	v9 =	vld [tilespmem:s18+$0xE0];
	v8 =	vmul.f32 v8, v4  }
0x3a6: {  	v5 =	vld [tilespmem:s18+$0xF0];
	[tilespmem:s18+$0x60] =	vst v10;
	v10 =	vmul.f32 v11, v4  }
0x3a7: {  	v11 =	vmul.f32 v59, v4;
	[tilespmem:s18+$0x80] =	vst v8;
	v8 =	vld [tilespmem:s18+$0x100]  }
0x3a8: {  	[tilespmem:s18+$0xA0] =	vst v10;
	v10 =	vld [tilespmem:s18+$0x120]  }
0x3a9: {  	v6 =	vmul.f32 v6, v4;
	[tilespmem:s18+$0xB0] =	vst v11;
	v11 =	vld [tilespmem:s18+$0x130]  }
0x3aa: {  	v62 =	vperm.xlane v3, v1;
	[tilespmem:s18+$0xFFFFFF60] =	vst v12;
	v3 =	vmul.f32 v9, v4;
	v9 =	vld [tilespmem:s18+$0x140]  }
0x3ab: {  	v7 =	vmul.f32 v7, v4;
	[tilespmem:s18+$0x90] =	vst v6;
	v6 =	vld [tilespmem:s18+$0x110]  }
0x3ac: {  	v4 =	vmul.f32 v5, v4;
	[tilespmem:s18+$0xE0] =	vst v3;
	v3 =	vld [tilespmem:s18+$0x160]  }
0x3ad: {  	[tilespmem:s18+$0xD0] =	vst v7;
	v5 =	vld [tilespmem:s18+$0x150];
	v7 =	vmul.f32 v8, v62  }
0x3ae: {  	[tilespmem:s18+$0xF0] =	vst v4;
	v8 =	vld [tilespmem:s18+$0x170];
	v4 =	vmul.f32 v10, v62  }
0x3af: {  	v10 =	vmul.f32 v11, v62;
	v11 =	vld [tilespmem:s18+$0x190];
	[tilespmem:s18+$0x100] =	vst v7  }
0x3b0: {  	v6 =	vmul.f32 v6, v62;
	v7 =	vld [tilespmem:s18+$0x180];
	[tilespmem:s18+$0x120] =	vst v4  }
0x3b1: {  	v4 =	vld [tilespmem:s18+$0x1A0];
	[tilespmem:s18+$0x130] =	vst v10;
	v63 =	vmul.f32 v3, v62  }
0x3b2: {  	[tilespmem:s18+$0x110] =	vst v6;
	v6 =	vmul.f32 v9, v62;
	v9 =	vmul.f32 v5, v62;
	v5 =	vld [tilespmem:s18+$0x1B0]  }
0x3b3: {  	v3 =	vld [tilespmem:s18+$0x1C0];
	[tilespmem:s18+$0x160] =	vst v63  }
0x3b4: {  	v8 =	vmul.f32 v8, v62;
	[tilespmem:s18+$0x140] =	vst v6;
	v6 =	vld [tilespmem:s18+$0x1D0]  }
0x3b5: {  	s9 =	simm.s32 $0x38C;
	s21 =	simm.s32 $0x2E80;
	s4 =	simm.s32 $0x0;
	[tilespmem:s18+$0x150] =	vst v9;
	v9 =	vmul.f32 v11, v2;
	v10 =	vmul.f32 v7, v2;
	v7 =	vld [tilespmem:s18+$0x1E0]  }
.LBB2_14:
0x3b6: {  	v11 =	vld [tilespmem:s9+$0x3];
	s4 =	sadd.s32 $0x8, s4;
	[tilespmem:s18+$0x170] =	vst v8;
	v4 =	vmul.f32 v4, v2  }
0x3b7: {  	s18 =	sadd.s32 $0x400, s18;
	v8 =	vld [tilespmem:s9+$0xFFFFFFFD];
	p0 =	slt.u32 s4, $0x48;
	[tilespmem:s21+$0x180] =	vst v10;
	v5 =	vmul.f32 v5, v2  }
0x3b8: {  	v10 =	vld [tilespmem:s18+$0x1F0];
	[tilespmem:s21+$0x190] =	vst v9;
	v3 =	vmul.f32 v3, v2  }
0x3b9: {  	v9 =	vld [tilespmem:s9+$0xFFFFFFFE];
	[tilespmem:s21+$0x1A0] =	vst v4;
	v4 =	vmul.f32 v6, v2  }
0x3ba: {  	v6 =	vld [tilespmem:s9+$0xFFFFFFFF];
	[tilespmem:s21+$0x1B0] =	vst v5;
	v5 =	vmul.f32 v7, v2  }
0x3bb: {  	v7 =	vld [tilespmem:s9+$0x0];
	v2 =	vperm.xlane v11, v1;
	[tilespmem:s21+$0x1C0] =	vst v3  }
0x3bc: {  	v8 =	vperm.xlane v8, v1;
	v3 =	vld [tilespmem:s9+$0x1];
	[tilespmem:s21+$0x1D0] =	vst v4  }
0x3bd: {  	v11 =	vld [tilespmem:s9+$0x2];
	v4 =	vmul.f32 v10, v2;
	[tilespmem:s21+$0x1E0] =	vst v5;
	s21 =	smov.u32 s18  }
0x3be: {  	v10 =	vld [tilespmem:s9+$0xFFFFFFFC];
	v9 =	vperm.xlane v9, v1  }
0x3bf: {  	v12 =	vld [tilespmem:s18+$0xFFFFFE00];
	v6 =	vperm.xlane v6, v1;
	[tilespmem:s18+$0x1F0] =	vst v4  }
0x3c0: {  	v13 =	vld [tilespmem:s18+$0xFFFFFE10];
	v5 =	vperm.xlane v7, v1  }
0x3c1: {  	v7 =	vld [tilespmem:s18+$0xFFFFFE20];
	v4 =	vperm.xlane v3, v1  }
0x3c2: {  	v14 =	vld [tilespmem:s18+$0xFFFFFE30];
	v3 =	vperm.xlane v11, v1  }
0x3c3: {  	v10 =	vperm.xlane v10, v1;
	v11 =	vld [tilespmem:s18+$0xFFFFFE40]  }
0x3c4: {  	v15 =	vld [tilespmem:s18+$0xFFFFFE50]  }
0x3c5: {  	v12 =	vmul.f32 v12, v10;
	v13 =	vmul.f32 v13, v10;
	v16 =	vld [tilespmem:s18+$0xFFFFFE60]  }
0x3c6: {  	v7 =	vmul.f32 v7, v10;
	v17 =	vld [tilespmem:s18+$0xFFFFFE70]  }
0x3c7: {  	[tilespmem:s18+$0xFFFFFE00] =	vst v12;
	v12 =	vmul.f32 v14, v10;
	v14 =	vld [tilespmem:s18+$0xFFFFFE80]  }
0x3c8: {  	[tilespmem:s18+$0xFFFFFE10] =	vst v13;
	v11 =	vmul.f32 v11, v10;
	v13 =	vld [tilespmem:s18+$0xFFFFFE90]  }
0x3c9: {  	[tilespmem:s18+$0xFFFFFE20] =	vst v7;
	v7 =	vmul.f32 v15, v10;
	v15 =	vld [tilespmem:s18+$0xFFFFFEA0]  }
0x3ca: {  	[tilespmem:s18+$0xFFFFFE30] =	vst v12;
	v12 =	vmul.f32 v16, v10;
	v16 =	vld [tilespmem:s18+$0xFFFFFEB0]  }
0x3cb: {  	[tilespmem:s18+$0xFFFFFE40] =	vst v11;
	v10 =	vmul.f32 v17, v10;
	v11 =	vld [tilespmem:s18+$0xFFFFFEC0]  }
0x3cc: {  	[tilespmem:s18+$0xFFFFFE50] =	vst v7;
	v7 =	vmul.f32 v14, v8;
	v14 =	vld [tilespmem:s18+$0xFFFFFED0]  }
0x3cd: {  	[tilespmem:s18+$0xFFFFFE60] =	vst v12;
	v12 =	vmul.f32 v13, v8;
	v13 =	vld [tilespmem:s18+$0xFFFFFEE0]  }
0x3ce: {  	[tilespmem:s18+$0xFFFFFE70] =	vst v10;
	v10 =	vmul.f32 v15, v8;
	v15 =	vld [tilespmem:s18+$0xFFFFFEF0]  }
0x3cf: {  	[tilespmem:s18+$0xFFFFFE80] =	vst v7;
	v7 =	vmul.f32 v16, v8;
	v16 =	vld [tilespmem:s18+$0xFFFFFF00]  }
0x3d0: {  	[tilespmem:s18+$0xFFFFFE90] =	vst v12;
	v11 =	vmul.f32 v11, v8;
	v12 =	vld [tilespmem:s18+$0xFFFFFF10]  }
0x3d1: {  	[tilespmem:s18+$0xFFFFFEA0] =	vst v10;
	v10 =	vmul.f32 v14, v8;
	v14 =	vld [tilespmem:s18+$0xFFFFFF20]  }
0x3d2: {  	[tilespmem:s18+$0xFFFFFEB0] =	vst v7;
	v7 =	vmul.f32 v13, v8;
	v13 =	vld [tilespmem:s18+$0xFFFFFF30]  }
0x3d3: {  	[tilespmem:s18+$0xFFFFFEC0] =	vst v11;
	v8 =	vmul.f32 v15, v8;
	v11 =	vld [tilespmem:s18+$0xFFFFFF40]  }
0x3d4: {  	[tilespmem:s18+$0xFFFFFED0] =	vst v10;
	v10 =	vmul.f32 v16, v9;
	v15 =	vld [tilespmem:s18+$0xFFFFFF50]  }
0x3d5: {  	[tilespmem:s18+$0xFFFFFEE0] =	vst v7;
	v7 =	vmul.f32 v12, v9;
	v12 =	vld [tilespmem:s18+$0xFFFFFF60]  }
0x3d6: {  	[tilespmem:s18+$0xFFFFFEF0] =	vst v8;
	v8 =	vmul.f32 v14, v9;
	v14 =	vld [tilespmem:s18+$0xFFFFFF70]  }
0x3d7: {  	[tilespmem:s18+$0xFFFFFF00] =	vst v10;
	v10 =	vmul.f32 v13, v9;
	v13 =	vld [tilespmem:s18+$0xFFFFFF80]  }
0x3d8: {  	[tilespmem:s18+$0xFFFFFF10] =	vst v7;
	v7 =	vmul.f32 v11, v9;
	v11 =	vld [tilespmem:s18+$0xFFFFFF90]  }
0x3d9: {  	[tilespmem:s18+$0xFFFFFF20] =	vst v8;
	v8 =	vmul.f32 v15, v9;
	v15 =	vld [tilespmem:s18+$0xFFFFFFA0]  }
0x3da: {  	[tilespmem:s18+$0xFFFFFF30] =	vst v10;
	v10 =	vmul.f32 v12, v9;
	v12 =	vld [tilespmem:s18+$0xFFFFFFB0]  }
0x3db: {  	[tilespmem:s18+$0xFFFFFF40] =	vst v7;
	v7 =	vmul.f32 v14, v9;
	v9 =	vld [tilespmem:s18+$0xFFFFFFC0]  }
0x3dc: {  	[tilespmem:s18+$0xFFFFFF50] =	vst v8;
	v8 =	vmul.f32 v13, v6;
	v13 =	vld [tilespmem:s18+$0xFFFFFFD0]  }
0x3dd: {  	[tilespmem:s18+$0xFFFFFF60] =	vst v10;
	v10 =	vmul.f32 v11, v6;
	v11 =	vld [tilespmem:s18+$0xFFFFFFE0]  }
0x3de: {  	[tilespmem:s18+$0xFFFFFF70] =	vst v7;
	v7 =	vmul.f32 v15, v6;
	v14 =	vld [tilespmem:s18+$0xFFFFFFF0]  }
0x3df: {  	[tilespmem:s18+$0xFFFFFF80] =	vst v8;
	v8 =	vmul.f32 v12, v6;
	v12 =	vld [tilespmem:s18+$0x0]  }
0x3e0: {  	[tilespmem:s18+$0xFFFFFF90] =	vst v10;
	v9 =	vmul.f32 v9, v6;
	v10 =	vld [tilespmem:s18+$0x10]  }
0x3e1: {  	[tilespmem:s18+$0xFFFFFFA0] =	vst v7;
	v7 =	vmul.f32 v13, v6;
	v13 =	vld [tilespmem:s18+$0x20]  }
0x3e2: {  	[tilespmem:s18+$0xFFFFFFB0] =	vst v8;
	v8 =	vmul.f32 v11, v6;
	v11 =	vld [tilespmem:s18+$0x30]  }
0x3e3: {  	[tilespmem:s18+$0xFFFFFFC0] =	vst v9;
	v6 =	vmul.f32 v14, v6;
	v9 =	vld [tilespmem:s18+$0x40]  }
0x3e4: {  	[tilespmem:s18+$0xFFFFFFD0] =	vst v7;
	v7 =	vmul.f32 v12, v5;
	v12 =	vld [tilespmem:s18+$0x50]  }
0x3e5: {  	[tilespmem:s18+$0xFFFFFFE0] =	vst v8;
	v8 =	vmul.f32 v10, v5;
	v10 =	vld [tilespmem:s18+$0x60]  }
0x3e6: {  	[tilespmem:s18+$0xFFFFFFF0] =	vst v6;
	v6 =	vmul.f32 v13, v5;
	v13 =	vld [tilespmem:s18+$0x70]  }
0x3e7: {  	[tilespmem:s18+$0x0] =	vst v7;
	v7 =	vmul.f32 v11, v5;
	v11 =	vld [tilespmem:s18+$0x80]  }
0x3e8: {  	[tilespmem:s18+$0x10] =	vst v8;
	v8 =	vmul.f32 v9, v5;
	v9 =	vld [tilespmem:s18+$0x90]  }
0x3e9: {  	[tilespmem:s18+$0x20] =	vst v6;
	v6 =	vmul.f32 v12, v5;
	v12 =	vld [tilespmem:s18+$0xA0]  }
0x3ea: {  	[tilespmem:s18+$0x30] =	vst v7;
	v7 =	vmul.f32 v10, v5;
	v10 =	vld [tilespmem:s18+$0xB0]  }
0x3eb: {  	[tilespmem:s18+$0x40] =	vst v8;
	v5 =	vmul.f32 v13, v5;
	v8 =	vld [tilespmem:s18+$0xC0]  }
0x3ec: {  	[tilespmem:s18+$0x50] =	vst v6;
	v6 =	vmul.f32 v11, v4;
	v11 =	vld [tilespmem:s18+$0xD0]  }
0x3ed: {  	[tilespmem:s18+$0x60] =	vst v7;
	v7 =	vmul.f32 v9, v4;
	v9 =	vld [tilespmem:s18+$0xE0]  }
0x3ee: {  	[tilespmem:s18+$0x70] =	vst v5;
	v5 =	vmul.f32 v12, v4;
	v12 =	vld [tilespmem:s18+$0xF0]  }
0x3ef: {  	[tilespmem:s18+$0x80] =	vst v6;
	v6 =	vmul.f32 v10, v4;
	v10 =	vld [tilespmem:s18+$0x100]  }
0x3f0: {  	[tilespmem:s18+$0x90] =	vst v7;
	v7 =	vmul.f32 v8, v4;
	v8 =	vld [tilespmem:s18+$0x110]  }
0x3f1: {  	[tilespmem:s18+$0xA0] =	vst v5;
	v5 =	vmul.f32 v11, v4;
	v11 =	vld [tilespmem:s18+$0x120]  }
0x3f2: {  	[tilespmem:s18+$0xB0] =	vst v6;
	v6 =	vmul.f32 v9, v4;
	v9 =	vld [tilespmem:s18+$0x130]  }
0x3f3: {  	[tilespmem:s18+$0xC0] =	vst v7;
	v4 =	vmul.f32 v12, v4;
	v7 =	vld [tilespmem:s18+$0x140]  }
0x3f4: {  	[tilespmem:s18+$0xD0] =	vst v5;
	v5 =	vmul.f32 v10, v3;
	v10 =	vld [tilespmem:s18+$0x150]  }
0x3f5: {  	[tilespmem:s18+$0xE0] =	vst v6;
	v6 =	vmul.f32 v8, v3;
	v8 =	vld [tilespmem:s18+$0x160]  }
0x3f6: {  	[tilespmem:s18+$0xF0] =	vst v4;
	v4 =	vmul.f32 v11, v3;
	v11 =	vld [tilespmem:s18+$0x170]  }
0x3f7: {  	[tilespmem:s18+$0x100] =	vst v5;
	v5 =	vmul.f32 v9, v3;
	v9 =	vld [tilespmem:s18+$0x180]  }
0x3f8: {  	[tilespmem:s18+$0x110] =	vst v6;
	v6 =	vmul.f32 v7, v3;
	v7 =	vld [tilespmem:s18+$0x190]  }
.Ltmp6:
0x3f9: {  	[tilespmem:s18+$0x120] =	vst v4;
	v10 =	vmul.f32 v10, v3;
	v4 =	vld [tilespmem:s18+$0x1A0];
	(pc) =	sbr.rel @p0 .LBB2_14-.Ltmp6, $4  }
0x3fa: {  	[tilespmem:s18+$0x130] =	vst v5;
	v12 =	vmul.f32 v8, v3;
	v5 =	vld [tilespmem:s18+$0x1B0]  }
0x3fb: {  	[tilespmem:s18+$0x140] =	vst v6;
	v8 =	vmul.f32 v11, v3;
	v3 =	vld [tilespmem:s18+$0x1C0]  }
0x3fc: {  	[tilespmem:s18+$0x150] =	vst v10;
	v10 =	vmul.f32 v9, v2;
	v6 =	vld [tilespmem:s18+$0x1D0]  }
0x3fd: {  	s9 =	sadd.s32 $0x8, s9;
	[tilespmem:s18+$0x160] =	vst v12;
	v9 =	vmul.f32 v7, v2;
	v7 =	vld [tilespmem:s18+$0x1E0]  }
0x3fe: {  	[tilespmem:s18+$0x170] =	vst v8  }
0x3ff: {  	v4 =	vmul.f32 v4, v2;
	[tilespmem:s21+$0x180] =	vst v10  }
0x400: {  	v5 =	vmul.f32 v5, v2;
	[tilespmem:s21+$0x190] =	vst v9  }
0x401: {  	v3 =	vmul.f32 v3, v2;
	[tilespmem:s21+$0x1A0] =	vst v4  }
0x402: {  	v63 =	vmul.f32 v6, v2;
	[tilespmem:s21+$0x1B0] =	vst v5  }
0x403: {  	v2 =	vmul.f32 v7, v2;
	[tilespmem:s21+$0x1C0] =	vst v3  }
0x404: {  	[tilespmem:s21+$0x1D0] =	vst v63  }
0x405: {  	[tilespmem:s21+$0x1E0] =	vst v2  }
0x406: {  	[spmem:s6] =	stream.indirect.scatter.add.f32 [tilespmem:s28], [sflag:$0xB], $0x80, s19, s24, $0xb8;
	[tilespmem:$0x1CC80] =	vst v63  }
0x407: {  	_ =	swait.ge [sflag:s14], $0x2800  }
0x408: {  	[sflag:s14] =	ssyncset.done $0x0  }
0x409: {  	[sflag:s14] =	ssyncadd.s32 $0xFFFFD800  }
0x40a: {  	_ =	swait.ge [sflag:s15], $0x2800  }
0x40b: {  	[sflag:s15] =	ssyncset.done $0x0  }
0x40c: {  	s4 =	simm.s32 $0xC;
	[sflag:s15] =	ssyncadd.s32 $0xFFFFD800  }
0x40d: {  	_ =	swait.ge [sflag:s4], $0x2800  }
0x40e: {  	[sflag:s4] =	ssyncset.done $0x0  }
0x40f: {  	[sflag:s4] =	ssyncadd.s32 $0xFFFFD800  }
0x410: {  	s21 =	stileid.u32;
	[bflag:$0x0] =	sbarrier.arrive $0xFFFF  }
0x411: {  	s4 =	sshll.u32 s21, $0x6;
	s21 =	simm.s32 $0xD;
	s18 =	rddreg [dreg:$0xc]  }
0x412: {  	s4 =	sor.u32 $0x1C0D, s4;
	s22 =	rddreg [dreg:$0x16];
	s9 =	sshrl.u32 s18, $0x3  }
0x413: {  	[hbm:s22], [sflag:s4] =	dma.local [spmem:s9], $0x2800  }
0x414: {  	_ =	swait.ge [sflag:s21], $0x2800  }
0x415: {  	s23 =	sld [smem:$0x7F8];
	_ =	sdelay $0x2  }
0x416: {  	s30 =	rddreg [dreg:$0x17];
	s9 =	sadd.s32 $0x1, s23  }
0x417: {  	p0 =	sne.s32 s9, s30  }
.Ltmp7:
0x418: {  	_ = 	snop;
	(pc) =	sbr.rel @p0 .LBB2_1-.Ltmp7, $3  }
0x419: {  	_ =	sdelay $0x1  }
0x41a: {  	[sflag:s21] =	ssyncset.done $0x0  }
0x41b: {  	[sflag:s21] =	ssyncadd.s32 $0xFFFFD800  }
0x41c: {  	_ =	sfence.sel $0x180000  }
0x41d: {  	[bflag:$0x0] =	sbarrier.arrive $0xFFFF  }
0x41e: {  	_ =	strace $0x90000047  }
0x41f: {  	s0 =	stileid.u32;
	[bflag:$0x2] =	sbarrier.arrive $0xFFFF  }
0x420: {  	p0 =	sne.s32 s0, $0x0;
	s0 =	rddreg [dreg:$0x5]  }
0x421: {  	s0 =	sadd.s32 @!p0 $0x100000, s0  }
0x422: {  	[sflag:s0] =	ssyncadd.tile.s32 @!p0 $0x1;
	_ =	shalt  }
.Lfunc_end2:
_tile_overlayer_lowered:
.L_overlay_start_2:
0x423: {  	(tag) =	ssettag $0x2  }
0x424: {  	s0 =	rddreg [dreg:$0x0];
	s2 =	stileid.u32  }
0x425: {  	s1 =	rddreg [dreg:$0x1];
	p0 =	sne.s32 s2, $0x0  }
0x426: {  	s3 =	rddreg [dreg:$0x2];
	[bflag:$0x3] =	sbarrier.arrive $0xFFFF;
	s2 =	simm.s32 @!p0 $0x1C0D  }
0x427: {  	[timem:s3], [sflag:s2] =	dma.local @!p0 [hbm:s0], s1  }
0x428: {  	s0 =	simm.s32 @!p0 $0xD  }
0x429: {  	_ =	swait.ge @!p0 [sflag:s0], s1  }
0x42a: {  	s1 =	ssub.s32 @!p0 $0x0, s1;
	[sflag:s0] =	ssyncset.done @!p0 $0x0  }
0x42b: {  	[sflag:s0] =	ssyncadd.s32 @!p0 s1  }
0x42c: {  	[bflag:$0x3] =	sbarrier.arrive $0xFFFF  }
0x42d: {  	_ =	shalt  }

</sc_bundles>
